<compile_context>
chip_gen: v7x
topology: tpu7x:2x2x1
jax: 0.10.2.dev20260603
libtpu: 0.0.44.dev20260713+nightly
codegen_flags: <defaults>
</compile_context>

<pallas_src>
import jax
import jax.numpy as jnp
from jax import lax
from jax.experimental import pallas as pl
from jax.experimental.pallas import tpu as pltpu
from jax.experimental.pallas import tpu_sc as plsc

N_NODES = 10000
N_EDGES = 320000
D_FEAT = 128
N_SUBCORES = 16
N_TEC = 2 * N_SUBCORES
FPT = D_FEAT // N_TEC
NP = 10112
SEG = FPT * NP
CHUNK = 128
GRP = 4
CH_TOTAL = 2560
E_PAD = CH_TOTAL * CHUNK


def _zero_1d(ref, n):
    def body(i, carry):
        ref[pl.ds(i * 16, 16)] = jnp.zeros((16,), jnp.float32)
        return carry
    lax.fori_loop(0, n // 16, body, 0)


def _agg_body(xflat, srcflat, dstflat, agg_out, cnt_out,
              xs, accs, cnt, idx_s, idx_d, with_counts):
    c = lax.axis_index("c")
    s = lax.axis_index("s")
    tec = c * N_SUBCORES + s
    for f in range(FPT):
        pltpu.sync_copy(xflat.at[pl.ds(tec * SEG + f * NP, NP)], xs[f])
        _zero_1d(accs[f], NP)
    ones = jnp.ones((16,), jnp.float32)

    if with_counts:
        @pl.when(c == 0)
        def _():
            _zero_1d(cnt, NP)

    def body(g, carry):
        e0 = g * (GRP * CHUNK)
        pltpu.sync_copy(srcflat.at[pl.ds(e0, GRP * CHUNK)], idx_s)
        pltpu.sync_copy(dstflat.at[pl.ds(e0, GRP * CHUNK)], idx_d)
        for j in range(GRP * CHUNK // 16):
            src16 = idx_s[pl.ds(j * 16, 16)]
            dst16 = idx_d[pl.ds(j * 16, 16)]
            for f in range(FPT):
                vals = plsc.load_gather(xs[f], [src16])
                plsc.addupdate_scatter(accs[f], [dst16], vals)
            if with_counts:
                mc = ((g % N_SUBCORES) == s) & (c == 0)
                plsc.addupdate_scatter(cnt, [dst16], ones,
                                       mask=jnp.broadcast_to(mc, (16,)))
        return carry

    lax.fori_loop(0, CH_TOTAL // GRP, body, 0)
    for f in range(FPT):
        pltpu.sync_copy(accs[f], agg_out.at[pl.ds(tec * SEG + f * NP, NP)])
    if with_counts:
        @pl.when(c == 0)
        def _():
            pltpu.sync_copy(cnt, cnt_out.at[pl.ds(s * NP, NP)])


def _agg1_body(xflat, srcflat, dstflat, agg_out, cnt_out,
               x0, x1, x2, x3, a0, a1, a2, a3, cnt, idx_s, idx_d):
    _agg_body(xflat, srcflat, dstflat, agg_out, cnt_out,
              [x0, x1, x2, x3], [a0, a1, a2, a3], cnt, idx_s, idx_d, True)


def _agg2_body(xflat, srcflat, dstflat, agg_out,
               x0, x1, x2, x3, a0, a1, a2, a3, idx_s, idx_d):
    _agg_body(xflat, srcflat, dstflat, agg_out, None,
              [x0, x1, x2, x3], [a0, a1, a2, a3], None, idx_s, idx_d, False)


def _sc_mesh():
    return plsc.VectorSubcoreMesh(core_axis_name="c", subcore_axis_name="s")


_SC_PARAMS = pltpu.CompilerParams(needs_layout_passes=False)

_sc_agg1 = pl.kernel(
    _agg1_body,
    out_type=(
        jax.ShapeDtypeStruct((D_FEAT * NP,), jnp.float32),
        jax.ShapeDtypeStruct((N_SUBCORES * NP,), jnp.float32),
    ),
    mesh=_sc_mesh(),
    compiler_params=_SC_PARAMS,
    scratch_types=[pltpu.VMEM((NP,), jnp.float32)] * 9 + [
        pltpu.VMEM((GRP * CHUNK,), jnp.int32),
        pltpu.VMEM((GRP * CHUNK,), jnp.int32),
    ],
)

_sc_agg2 = pl.kernel(
    _agg2_body,
    out_type=jax.ShapeDtypeStruct((D_FEAT * NP,), jnp.float32),
    mesh=_sc_mesh(),
    compiler_params=_SC_PARAMS,
    scratch_types=[pltpu.VMEM((NP,), jnp.float32)] * 8 + [
        pltpu.VMEM((GRP * CHUNK,), jnp.int32),
        pltpu.VMEM((GRP * CHUNK,), jnp.int32),
    ],
)


def _ddg(a, b):
    return lax.dot_general(a, b, (((0,), (0,)), ((), ())),
                           preferred_element_type=jnp.float32)


def _tc1_body(xT_r, agg_r, cnt_r, W1l_r, b1l_r, W1r_r, out_r):
    cnt = jnp.sum(cnt_r[...], axis=0, keepdims=True)
    inv = 1.0 / jnp.maximum(cnt, 1.0)
    meanT = agg_r[...] * inv
    hT = _ddg(W1l_r[...], meanT) + b1l_r[...] + _ddg(W1r_r[...], xT_r[...])
    out_r[...] = jnp.maximum(hT, 0.0)


def _tc1(xT, agg, cnt16, W1l, b1l, W1r):
    return pl.pallas_call(
        _tc1_body,
        out_shape=jax.ShapeDtypeStruct((D_FEAT, NP), jnp.float32),
    )(xT, agg, cnt16, W1l, b1l.reshape(-1, 1), W1r)


def _tc2_body(h1T_r, agg_r, cnt_r,
              W2l_r, b2l_r, W2r_r, Wlin_r, blin_r, out_r):
    cnt = jnp.sum(cnt_r[...], axis=0, keepdims=True)
    inv = 1.0 / jnp.maximum(cnt, 1.0)
    meanT = agg_r[...] * inv
    h2T = _ddg(W2l_r[...], meanT) + b2l_r[...] + _ddg(W2r_r[...], h1T_r[...])
    h2T = jnp.maximum(h2T, 0.0)
    out_r[...] = _ddg(h2T, Wlin_r[...]) + blin_r[...]


def _tc2(h1T, agg, cnt16, W2l, b2l, W2r, Wlin, blin):
    n_cls = Wlin.shape[1]
    return pl.pallas_call(
        _tc2_body,
        out_shape=jax.ShapeDtypeStruct((NP, n_cls), jnp.float32),
    )(h1T, agg, cnt16, W2l, b2l.reshape(-1, 1), W2r,
      Wlin, blin.reshape(1, -1))


def kernel(x, edge_index, W1l, b1l, W1r, W2l, b2l, W2r, Wlin, blin):
    src = edge_index[0].astype(jnp.int32)
    dst = edge_index[1].astype(jnp.int32)
    pad = E_PAD - N_EDGES
    srcflat = jnp.concatenate([src, jnp.zeros((pad,), jnp.int32)])
    dstflat = jnp.concatenate([dst, jnp.full((pad,), N_NODES, jnp.int32)])

    xT = jnp.concatenate(
        [x.T, jnp.zeros((D_FEAT, NP - N_NODES), jnp.float32)], axis=1)
    xflat = xT.reshape(-1)

    aggf, cntf = _sc_agg1(xflat, srcflat, dstflat)
    agg = aggf.reshape(D_FEAT, NP)
    cnt16 = cntf.reshape(N_SUBCORES, NP)

    h1T = _tc1(xT, agg, cnt16, W1l, b1l, W1r)

    agg2 = _sc_agg2(h1T.reshape(-1), srcflat, dstflat).reshape(D_FEAT, NP)

    out = _tc2(h1T, agg2, cnt16, W2l, b2l, W2r, Wlin, blin)
    return out[:N_NODES]

# --- scband reference (transcript-rebuilt; emitter-appended) ---
"""Pipeline reference for scband-simplified-hetero-gcn-7507602833967 (READ-ONLY COPY).

The authoritative reference and input builder live on the scoring server;
editing this copy changes nothing except your own understanding.
"""

import jax, jax.numpy as jnp
import numpy as np

N_NODES = 10000
N_EDGES = 320000
D_FEAT = 128
HIDDEN = 128
N_CLASSES = 16


def setup_inputs(seed: int = 0) -> dict:
    key = jax.random.key(seed)
    ks = jax.random.split(key, 12)
    x = jax.random.normal(ks[0], (N_NODES, D_FEAT), dtype=jnp.float32)
    edge_index = jax.random.randint(ks[1], (2, N_EDGES), 0, N_NODES, dtype=jnp.int64 if jax.config.jax_enable_x64 else jnp.int32)
    s1 = 1.0 / np.sqrt(D_FEAT)
    s2 = 1.0 / np.sqrt(HIDDEN)
    W1l = jax.random.uniform(ks[2], (D_FEAT, HIDDEN), jnp.float32, -s1, s1)
    b1l = jax.random.uniform(ks[3], (HIDDEN,), jnp.float32, -s1, s1)
    W1r = jax.random.uniform(ks[4], (D_FEAT, HIDDEN), jnp.float32, -s1, s1)
    W2l = jax.random.uniform(ks[5], (HIDDEN, HIDDEN), jnp.float32, -s2, s2)
    b2l = jax.random.uniform(ks[6], (HIDDEN,), jnp.float32, -s2, s2)
    W2r = jax.random.uniform(ks[7], (HIDDEN, HIDDEN), jnp.float32, -s2, s2)
    Wlin = jax.random.uniform(ks[8], (HIDDEN, N_CLASSES), jnp.float32, -s2, s2)
    blin = jax.random.uniform(ks[9], (N_CLASSES,), jnp.float32, -s2, s2)
    return {"x": x, "edge_index": edge_index, "W1l": W1l, "b1l": b1l, "W1r": W1r,
            "W2l": W2l, "b2l": b2l, "W2r": W2r, "Wlin": Wlin, "blin": blin}


def _sage_conv(x, src, dst, Wl, bl, Wr):
    # PyG SAGEConv with mean aggregation: out = lin_l(mean_j x_j) + lin_r(x_i)
    msgs = x[src]  # gather source node features per edge
    agg = jax.ops.segment_sum(msgs, dst, num_segments=N_NODES)
    cnt = jax.ops.segment_sum(jnp.ones((msgs.shape[0],), dtype=x.dtype), dst, num_segments=N_NODES)
    mean = agg / jnp.maximum(cnt, 1.0)[:, None]
    return mean @ Wl + bl + x @ Wr


def reference(x, edge_index, W1l, b1l, W1r, W2l, b2l, W2r, Wlin, blin):
    src = edge_index[0]
    dst = edge_index[1]
    # dropout(p=0.2) is identity in eval mode
    h = _sage_conv(x, src, dst, W1l, b1l, W1r)
    h = jax.nn.relu(h)
    h = _sage_conv(h, src, dst, W2l, b2l, W2r)
    h = jax.nn.relu(h)
    out = h @ Wlin + blin
    return out

if __name__ == "__main__":
    import jax
    _d = setup_inputs()
    print(jax.jit(kernel)(*tuple(_d.values())))

</pallas_src>

<mosaic_0001>
#map = affine_map<(d0, d1) -> (0)>
module attributes {stable_mosaic.version = 14 : i64} {
  func.func @_agg2_body(%arg0: i32, %arg1: i32, %arg2: memref<1294336xf32, #tpu.memory_space<hbm>>, %arg3: memref<327680xi32, #tpu.memory_space<hbm>>, %arg4: memref<327680xi32, #tpu.memory_space<hbm>>, %arg5: memref<1294336xf32, #tpu.memory_space<hbm>>, %arg6: memref<10112xf32, #tpu.memory_space<vmem>>, %arg7: memref<10112xf32, #tpu.memory_space<vmem>>, %arg8: memref<10112xf32, #tpu.memory_space<vmem>>, %arg9: memref<10112xf32, #tpu.memory_space<vmem>>, %arg10: memref<10112xf32, #tpu.memory_space<vmem>>, %arg11: memref<10112xf32, #tpu.memory_space<vmem>>, %arg12: memref<10112xf32, #tpu.memory_space<vmem>>, %arg13: memref<10112xf32, #tpu.memory_space<vmem>>, %arg14: memref<512xi32, #tpu.memory_space<vmem>>, %arg15: memref<512xi32, #tpu.memory_space<vmem>>) attributes {dimension_semantics = [#tpu.dimension_semantics<core_parallel>, #tpu.dimension_semantics<subcore_parallel>], iteration_bounds = array<i64: 2, 16>, scalar_prefetch = 0 : i64, scratch_operands = 10 : i64, tpu.core_type = #tpu.core_type<sc_vector_subcore>, window_params = [{transform_indices = #map}, {transform_indices = #map}, {transform_indices = #map}, {transform_indices = #map}]} {
    %mul3A = arith.constant 16 : i32
    %mul3A_0 = arith.muli %arg0, %mul3A : i32
    %add3A = arith.addi %mul3A_0, %arg1 : i32
    %mul3A_1 = arith.constant 40448 : i32
    %mul3A_2 = arith.muli %add3A, %mul3A_1 : i32
    %add3A_3 = arith.constant 0 : i32
    %add3A_4 = arith.addi %mul3A_2, %add3A_3 : i32
    "tpu.region"() ({
      %run_scoped3A = tpu.sem_alloc : memref<!tpu.dma_semaphore, #tpu.memory_space<semaphore_mem>>
      %dma_start3A = tpu.memref_slice %arg2[%add3A_4] : memref<1294336xf32, #tpu.memory_space<hbm>> -> memref<10112xf32, #tpu.memory_space<hbm>>
      %dma_start3A_63 = tpu.memref_slice %arg2[%add3A_4] : memref<1294336xf32, #tpu.memory_space<hbm>> -> memref<10112xf32, #tpu.memory_space<hbm>>
      tpu.enqueue_dma source(%dma_start3A_63 : memref<10112xf32, #tpu.memory_space<hbm>>) target(%arg6 : memref<10112xf32, #tpu.memory_space<vmem>>) target_semaphore(%run_scoped3A : memref<!tpu.dma_semaphore, #tpu.memory_space<semaphore_mem>>)
      %dma_wait3A = tpu.memref_slice %arg2[%add3A_4] : memref<1294336xf32, #tpu.memory_space<hbm>> -> memref<10112xf32, #tpu.memory_space<hbm>>
      %dma_wait3A_64 = tpu.memref_slice %arg2[%add3A_4] : memref<1294336xf32, #tpu.memory_space<hbm>> -> memref<10112xf32, #tpu.memory_space<hbm>>
      tpu.wait_dma2 semaphore(%run_scoped3A : memref<!tpu.dma_semaphore, #tpu.memory_space<semaphore_mem>>) src(%dma_wait3A_64 : memref<10112xf32, #tpu.memory_space<hbm>>) dst(%arg6 : memref<10112xf32, #tpu.memory_space<vmem>>)
      tpu.yield
    }) : () -> ()
    %scan3A = arith.constant 0 : i32
    %scan3A_5 = arith.constant 0 : i32
    %scan3A_6 = arith.constant 632 : i32
    %scan3A_7 = arith.addi %scan3A_5, %scan3A_6 : i32
    %scan3A_8 = arith.constant 1 : i32
    scf.for %scan3A_63 = %scan3A_5 to %scan3A_7 step %scan3A_8  : i32 {
      %broadcast_in_dim3A_64 = arith.constant 0.000000e+00 : f32
      %broadcast_in_dim3A_65 = vector.broadcast %broadcast_in_dim3A_64 : f32 to vector<16xf32>
      %mul3A_66 = arith.constant 16 : i32
      %mul3A_67 = arith.muli %scan3A_63, %mul3A_66 : i32
      %swap3A = arith.index_cast %mul3A_67 : i32 to index
      %swap3A_68 = tpu.vector_load %arg10[%swap3A] {strides = array<i32>} : memref<10112xf32, #tpu.memory_space<vmem>>, vector<16xf32>,
      tpu.vector_store %arg10[%swap3A], %broadcast_in_dim3A_65 {strides = array<i32>} : memref<10112xf32, #tpu.memory_space<vmem>>, vector<16xf32>,
    }
    %scan3A_9 = arith.constant 632 : i32
    %mul3A_10 = arith.constant 40448 : i32
    %mul3A_11 = arith.muli %add3A, %mul3A_10 : i32
    %add3A_12 = arith.constant 10112 : i32
    %add3A_13 = arith.addi %mul3A_11, %add3A_12 : i32
    "tpu.region"() ({
      %run_scoped3A = tpu.sem_alloc : memref<!tpu.dma_semaphore, #tpu.memory_space<semaphore_mem>>
      %dma_start3A = tpu.memref_slice %arg2[%add3A_13] : memref<1294336xf32, #tpu.memory_space<hbm>> -> memref<10112xf32, #tpu.memory_space<hbm>>
      %dma_start3A_63 = tpu.memref_slice %arg2[%add3A_13] : memref<1294336xf32, #tpu.memory_space<hbm>> -> memref<10112xf32, #tpu.memory_space<hbm>>
      tpu.enqueue_dma source(%dma_start3A_63 : memref<10112xf32, #tpu.memory_space<hbm>>) target(%arg7 : memref<10112xf32, #tpu.memory_space<vmem>>) target_semaphore(%run_scoped3A : memref<!tpu.dma_semaphore, #tpu.memory_space<semaphore_mem>>)
      %dma_wait3A = tpu.memref_slice %arg2[%add3A_13] : memref<1294336xf32, #tpu.memory_space<hbm>> -> memref<10112xf32, #tpu.memory_space<hbm>>
      %dma_wait3A_64 = tpu.memref_slice %arg2[%add3A_13] : memref<1294336xf32, #tpu.memory_space<hbm>> -> memref<10112xf32, #tpu.memory_space<hbm>>
      tpu.wait_dma2 semaphore(%run_scoped3A : memref<!tpu.dma_semaphore, #tpu.memory_space<semaphore_mem>>) src(%dma_wait3A_64 : memref<10112xf32, #tpu.memory_space<hbm>>) dst(%arg7 : memref<10112xf32, #tpu.memory_space<vmem>>)
      tpu.yield
    }) : () -> ()
    %scan3A_14 = arith.constant 0 : i32
    %scan3A_15 = arith.constant 0 : i32
    %scan3A_16 = arith.constant 632 : i32
    %scan3A_17 = arith.addi %scan3A_15, %scan3A_16 : i32
    %scan3A_18 = arith.constant 1 : i32
    scf.for %scan3A_63 = %scan3A_15 to %scan3A_17 step %scan3A_18  : i32 {
      %broadcast_in_dim3A_64 = arith.constant 0.000000e+00 : f32
      %broadcast_in_dim3A_65 = vector.broadcast %broadcast_in_dim3A_64 : f32 to vector<16xf32>
      %mul3A_66 = arith.constant 16 : i32
      %mul3A_67 = arith.muli %scan3A_63, %mul3A_66 : i32
      %swap3A = arith.index_cast %mul3A_67 : i32 to index
      %swap3A_68 = tpu.vector_load %arg11[%swap3A] {strides = array<i32>} : memref<10112xf32, #tpu.memory_space<vmem>>, vector<16xf32>,
      tpu.vector_store %arg11[%swap3A], %broadcast_in_dim3A_65 {strides = array<i32>} : memref<10112xf32, #tpu.memory_space<vmem>>, vector<16xf32>,
    }
    %scan3A_19 = arith.constant 632 : i32
    %mul3A_20 = arith.constant 40448 : i32
    %mul3A_21 = arith.muli %add3A, %mul3A_20 : i32
    %add3A_22 = arith.constant 20224 : i32
    %add3A_23 = arith.addi %mul3A_21, %add3A_22 : i32
    "tpu.region"() ({
      %run_scoped3A = tpu.sem_alloc : memref<!tpu.dma_semaphore, #tpu.memory_space<semaphore_mem>>
      %dma_start3A = tpu.memref_slice %arg2[%add3A_23] : memref<1294336xf32, #tpu.memory_space<hbm>> -> memref<10112xf32, #tpu.memory_space<hbm>>
      %dma_start3A_63 = tpu.memref_slice %arg2[%add3A_23] : memref<1294336xf32, #tpu.memory_space<hbm>> -> memref<10112xf32, #tpu.memory_space<hbm>>
      tpu.enqueue_dma source(%dma_start3A_63 : memref<10112xf32, #tpu.memory_space<hbm>>) target(%arg8 : memref<10112xf32, #tpu.memory_space<vmem>>) target_semaphore(%run_scoped3A : memref<!tpu.dma_semaphore, #tpu.memory_space<semaphore_mem>>)
      %dma_wait3A = tpu.memref_slice %arg2[%add3A_23] : memref<1294336xf32, #tpu.memory_space<hbm>> -> memref<10112xf32, #tpu.memory_space<hbm>>
      %dma_wait3A_64 = tpu.memref_slice %arg2[%add3A_23] : memref<1294336xf32, #tpu.memory_space<hbm>> -> memref<10112xf32, #tpu.memory_space<hbm>>
      tpu.wait_dma2 semaphore(%run_scoped3A : memref<!tpu.dma_semaphore, #tpu.memory_space<semaphore_mem>>) src(%dma_wait3A_64 : memref<10112xf32, #tpu.memory_space<hbm>>) dst(%arg8 : memref<10112xf32, #tpu.memory_space<vmem>>)
      tpu.yield
    }) : () -> ()
    %scan3A_24 = arith.constant 0 : i32
    %scan3A_25 = arith.constant 0 : i32
    %scan3A_26 = arith.constant 632 : i32
    %scan3A_27 = arith.addi %scan3A_25, %scan3A_26 : i32
    %scan3A_28 = arith.constant 1 : i32
    scf.for %scan3A_63 = %scan3A_25 to %scan3A_27 step %scan3A_28  : i32 {
      %broadcast_in_dim3A_64 = arith.constant 0.000000e+00 : f32
      %broadcast_in_dim3A_65 = vector.broadcast %broadcast_in_dim3A_64 : f32 to vector<16xf32>
      %mul3A_66 = arith.constant 16 : i32
      %mul3A_67 = arith.muli %scan3A_63, %mul3A_66 : i32
      %swap3A = arith.index_cast %mul3A_67 : i32 to index
      %swap3A_68 = tpu.vector_load %arg12[%swap3A] {strides = array<i32>} : memref<10112xf32, #tpu.memory_space<vmem>>, vector<16xf32>,
      tpu.vector_store %arg12[%swap3A], %broadcast_in_dim3A_65 {strides = array<i32>} : memref<10112xf32, #tpu.memory_space<vmem>>, vector<16xf32>,
    }
    %scan3A_29 = arith.constant 632 : i32
    %mul3A_30 = arith.constant 40448 : i32
    %mul3A_31 = arith.muli %add3A, %mul3A_30 : i32
    %add3A_32 = arith.constant 30336 : i32
    %add3A_33 = arith.addi %mul3A_31, %add3A_32 : i32
    "tpu.region"() ({
      %run_scoped3A = tpu.sem_alloc : memref<!tpu.dma_semaphore, #tpu.memory_space<semaphore_mem>>
      %dma_start3A = tpu.memref_slice %arg2[%add3A_33] : memref<1294336xf32, #tpu.memory_space<hbm>> -> memref<10112xf32, #tpu.memory_space<hbm>>
      %dma_start3A_63 = tpu.memref_slice %arg2[%add3A_33] : memref<1294336xf32, #tpu.memory_space<hbm>> -> memref<10112xf32, #tpu.memory_space<hbm>>
      tpu.enqueue_dma source(%dma_start3A_63 : memref<10112xf32, #tpu.memory_space<hbm>>) target(%arg9 : memref<10112xf32, #tpu.memory_space<vmem>>) target_semaphore(%run_scoped3A : memref<!tpu.dma_semaphore, #tpu.memory_space<semaphore_mem>>)
      %dma_wait3A = tpu.memref_slice %arg2[%add3A_33] : memref<1294336xf32, #tpu.memory_space<hbm>> -> memref<10112xf32, #tpu.memory_space<hbm>>
      %dma_wait3A_64 = tpu.memref_slice %arg2[%add3A_33] : memref<1294336xf32, #tpu.memory_space<hbm>> -> memref<10112xf32, #tpu.memory_space<hbm>>
      tpu.wait_dma2 semaphore(%run_scoped3A : memref<!tpu.dma_semaphore, #tpu.memory_space<semaphore_mem>>) src(%dma_wait3A_64 : memref<10112xf32, #tpu.memory_space<hbm>>) dst(%arg9 : memref<10112xf32, #tpu.memory_space<vmem>>)
      tpu.yield
    }) : () -> ()
    %scan3A_34 = arith.constant 0 : i32
    %scan3A_35 = arith.constant 0 : i32
    %scan3A_36 = arith.constant 632 : i32
    %scan3A_37 = arith.addi %scan3A_35, %scan3A_36 : i32
    %scan3A_38 = arith.constant 1 : i32
    scf.for %scan3A_63 = %scan3A_35 to %scan3A_37 step %scan3A_38  : i32 {
      %broadcast_in_dim3A_64 = arith.constant 0.000000e+00 : f32
      %broadcast_in_dim3A_65 = vector.broadcast %broadcast_in_dim3A_64 : f32 to vector<16xf32>
      %mul3A_66 = arith.constant 16 : i32
      %mul3A_67 = arith.muli %scan3A_63, %mul3A_66 : i32
      %swap3A = arith.index_cast %mul3A_67 : i32 to index
      %swap3A_68 = tpu.vector_load %arg13[%swap3A] {strides = array<i32>} : memref<10112xf32, #tpu.memory_space<vmem>>, vector<16xf32>,
      tpu.vector_store %arg13[%swap3A], %broadcast_in_dim3A_65 {strides = array<i32>} : memref<10112xf32, #tpu.memory_space<vmem>>, vector<16xf32>,
    }
    %scan3A_39 = arith.constant 632 : i32
    %broadcast_in_dim3A = arith.constant 1.000000e+00 : f32
    %broadcast_in_dim3A_40 = vector.broadcast %broadcast_in_dim3A : f32 to vector<16xf32>
    %scan3A_41 = arith.constant 0 : i32
    %scan3A_42 = arith.constant 0 : i32
    %scan3A_43 = arith.constant 640 : i32
    %scan3A_44 = arith.addi %scan3A_42, %scan3A_43 : i32
    %scan3A_45 = arith.constant 1 : i32
    scf.for %scan3A_63 = %scan3A_42 to %scan3A_44 step %scan3A_45  : i32 {
      %mul3A_64 = arith.constant 512 : i32
      %mul3A_65 = arith.muli %scan3A_63, %mul3A_64 : i32
      "tpu.region"() ({
        %run_scoped3A = tpu.sem_alloc : memref<!tpu.dma_semaphore, #tpu.memory_space<semaphore_mem>>
        %dma_start3A = tpu.memref_slice %arg3[%mul3A_65] : memref<327680xi32, #tpu.memory_space<hbm>> -> memref<512xi32, #tpu.memory_space<hbm>>
        %dma_start3A_320 = tpu.memref_slice %arg3[%mul3A_65] : memref<327680xi32, #tpu.memory_space<hbm>> -> memref<512xi32, #tpu.memory_space<hbm>>
        tpu.enqueue_dma source(%dma_start3A_320 : memref<512xi32, #tpu.memory_space<hbm>>) target(%arg14 : memref<512xi32, #tpu.memory_space<vmem>>) target_semaphore(%run_scoped3A : memref<!tpu.dma_semaphore, #tpu.memory_space<semaphore_mem>>)
        %dma_wait3A = tpu.memref_slice %arg3[%mul3A_65] : memref<327680xi32, #tpu.memory_space<hbm>> -> memref<512xi32, #tpu.memory_space<hbm>>
        %dma_wait3A_321 = tpu.memref_slice %arg3[%mul3A_65] : memref<327680xi32, #tpu.memory_space<hbm>> -> memref<512xi32, #tpu.memory_space<hbm>>
        tpu.wait_dma2 semaphore(%run_scoped3A : memref<!tpu.dma_semaphore, #tpu.memory_space<semaphore_mem>>) src(%dma_wait3A_321 : memref<512xi32, #tpu.memory_space<hbm>>) dst(%arg14 : memref<512xi32, #tpu.memory_space<vmem>>)
        tpu.yield
      }) : () -> ()
      "tpu.region"() ({
        %run_scoped3A = tpu.sem_alloc : memref<!tpu.dma_semaphore, #tpu.memory_space<semaphore_mem>>
        %dma_start3A = tpu.memref_slice %arg4[%mul3A_65] : memref<327680xi32, #tpu.memory_space<hbm>> -> memref<512xi32, #tpu.memory_space<hbm>>
        %dma_start3A_320 = tpu.memref_slice %arg4[%mul3A_65] : memref<327680xi32, #tpu.memory_space<hbm>> -> memref<512xi32, #tpu.memory_space<hbm>>
        tpu.enqueue_dma source(%dma_start3A_320 : memref<512xi32, #tpu.memory_space<hbm>>) target(%arg15 : memref<512xi32, #tpu.memory_space<vmem>>) target_semaphore(%run_scoped3A : memref<!tpu.dma_semaphore, #tpu.memory_space<semaphore_mem>>)
        %dma_wait3A = tpu.memref_slice %arg4[%mul3A_65] : memref<327680xi32, #tpu.memory_space<hbm>> -> memref<512xi32, #tpu.memory_space<hbm>>
        %dma_wait3A_321 = tpu.memref_slice %arg4[%mul3A_65] : memref<327680xi32, #tpu.memory_space<hbm>> -> memref<512xi32, #tpu.memory_space<hbm>>
        tpu.wait_dma2 semaphore(%run_scoped3A : memref<!tpu.dma_semaphore, #tpu.memory_space<semaphore_mem>>) src(%dma_wait3A_321 : memref<512xi32, #tpu.memory_space<hbm>>) dst(%arg15 : memref<512xi32, #tpu.memory_space<vmem>>)
        tpu.yield
      }) : () -> ()
      %get3A = arith.constant 0 : index
      %get3A_66 = tpu.vector_load %arg14[%get3A] {strides = array<i32>} : memref<512xi32, #tpu.memory_space<vmem>>, vector<16xi32>,
      %get3A_67 = arith.constant 0 : index
      %get3A_68 = tpu.vector_load %arg15[%get3A_67] {strides = array<i32>} : memref<512xi32, #tpu.memory_space<vmem>>, vector<16xi32>,
      %gather3A = tpu.vector_load_idx %arg6[%get3A_66] : memref<10112xf32, #tpu.memory_space<vmem>>[vector<16xi32>], vector<16xf32>,
      tpu.vector_store_idx %arg10[%get3A_68], %gather3A {add = true} : memref<10112xf32, #tpu.memory_space<vmem>>[vector<16xi32>], vector<16xf32>,
      %gather3A_69 = tpu.vector_load_idx %arg7[%get3A_66] : memref<10112xf32, #tpu.memory_space<vmem>>[vector<16xi32>], vector<16xf32>,
      tpu.vector_store_idx %arg11[%get3A_68], %gather3A_69 {add = true} : memref<10112xf32, #tpu.memory_space<vmem>>[vector<16xi32>], vector<16xf32>,
      %gather3A_70 = tpu.vector_load_idx %arg8[%get3A_66] : memref<10112xf32, #tpu.memory_space<vmem>>[vector<16xi32>], vector<16xf32>,
      tpu.vector_store_idx %arg12[%get3A_68], %gather3A_70 {add = true} : memref<10112xf32, #tpu.memory_space<vmem>>[vector<16xi32>], vector<16xf32>,
      %gather3A_71 = tpu.vector_load_idx %arg9[%get3A_66] : memref<10112xf32, #tpu.memory_space<vmem>>[vector<16xi32>], vector<16xf32>,
      tpu.vector_store_idx %arg13[%get3A_68], %gather3A_71 {add = true} : memref<10112xf32, #tpu.memory_space<vmem>>[vector<16xi32>], vector<16xf32>,
      %get3A_72 = arith.constant 16 : index
      %get3A_73 = tpu.vector_load %arg14[%get3A_72] {strides = array<i32>} : memref<512xi32, #tpu.memory_space<vmem>>, vector<16xi32>,
      %get3A_74 = arith.constant 16 : index
      %get3A_75 = tpu.vector_load %arg15[%get3A_74] {strides = array<i32>} : memref<512xi32, #tpu.memory_space<vmem>>, vector<16xi32>,
      %gather3A_76 = tpu.vector_load_idx %arg6[%get3A_73] : memref<10112xf32, #tpu.memory_space<vmem>>[vector<16xi32>], vector<16xf32>,
      tpu.vector_store_idx %arg10[%get3A_75], %gather3A_76 {add = true} : memref<10112xf32, #tpu.memory_space<vmem>>[vector<16xi32>], vector<16xf32>,
      %gather3A_77 = tpu.vector_load_idx %arg7[%get3A_73] : memref<10112xf32, #tpu.memory_space<vmem>>[vector<16xi32>], vector<16xf32>,
      tpu.vector_store_idx %arg11[%get3A_75], %gather3A_77 {add = true} : memref<10112xf32, #tpu.memory_space<vmem>>[vector<16xi32>], vector<16xf32>,
      %gather3A_78 = tpu.vector_load_idx %arg8[%get3A_73] : memref<10112xf32, #tpu.memory_space<vmem>>[vector<16xi32>], vector<16xf32>,
      tpu.vector_store_idx %arg12[%get3A_75], %gather3A_78 {add = true} : memref<10112xf32, #tpu.memory_space<vmem>>[vector<16xi32>], vector<16xf32>,
      %gather3A_79 = tpu.vector_load_idx %arg9[%get3A_73] : memref<10112xf32, #tpu.memory_space<vmem>>[vector<16xi32>], vector<16xf32>,
      tpu.vector_store_idx %arg13[%get3A_75], %gather3A_79 {add = true} : memref<10112xf32, #tpu.memory_space<vmem>>[vector<16xi32>], vector<16xf32>,
      %get3A_80 = arith.constant 32 : index
      %get3A_81 = tpu.vector_load %arg14[%get3A_80] {strides = array<i32>} : memref<512xi32, #tpu.memory_space<vmem>>, vector<16xi32>,
      %get3A_82 = arith.constant 32 : index
      %get3A_83 = tpu.vector_load %arg15[%get3A_82] {strides = array<i32>} : memref<512xi32, #tpu.memory_space<vmem>>, vector<16xi32>,
      %gather3A_84 = tpu.vector_load_idx %arg6[%get3A_81] : memref<10112xf32, #tpu.memory_space<vmem>>[vector<16xi32>], vector<16xf32>,
      tpu.vector_store_idx %arg10[%get3A_83], %gather3A_84 {add = true} : memref<10112xf32, #tpu.memory_space<vmem>>[vector<16xi32>], vector<16xf32>,
      %gather3A_85 = tpu.vector_load_idx %arg7[%get3A_81] : memref<10112xf32, #tpu.memory_space<vmem>>[vector<16xi32>], vector<16xf32>,
      tpu.vector_store_idx %arg11[%get3A_83], %gather3A_85 {add = true} : memref<10112xf32, #tpu.memory_space<vmem>>[vector<16xi32>], vector<16xf32>,
      %gather3A_86 = tpu.vector_load_idx %arg8[%get3A_81] : memref<10112xf32, #tpu.memory_space<vmem>>[vector<16xi32>], vector<16xf32>,
      tpu.vector_store_idx %arg12[%get3A_83], %gather3A_86 {add = true} : memref<10112xf32, #tpu.memory_space<vmem>>[vector<16xi32>], vector<16xf32>,
      %gather3A_87 = tpu.vector_load_idx %arg9[%get3A_81] : memref<10112xf32, #tpu.memory_space<vmem>>[vector<16xi32>], vector<16xf32>,
      tpu.vector_store_idx %arg13[%get3A_83], %gather3A_87 {add = true} : memref<10112xf32, #tpu.memory_space<vmem>>[vector<16xi32>], vector<16xf32>,
      %get3A_88 = arith.constant 48 : index
      %get3A_89 = tpu.vector_load %arg14[%get3A_88] {strides = array<i32>} : memref<512xi32, #tpu.memory_space<vmem>>, vector<16xi32>,
      %get3A_90 = arith.constant 48 : index
      %get3A_91 = tpu.vector_load %arg15[%get3A_90] {strides = array<i32>} : memref<512xi32, #tpu.memory_space<vmem>>, vector<16xi32>,
      %gather3A_92 = tpu.vector_load_idx %arg6[%get3A_89] : memref<10112xf32, #tpu.memory_space<vmem>>[vector<16xi32>], vector<16xf32>,
      tpu.vector_store_idx %arg10[%get3A_91], %gather3A_92 {add = true} : memref<10112xf32, #tpu.memory_space<vmem>>[vector<16xi32>], vector<16xf32>,
      %gather3A_93 = tpu.vector_load_idx %arg7[%get3A_89] : memref<10112xf32, #tpu.memory_space<vmem>>[vector<16xi32>], vector<16xf32>,
      tpu.vector_store_idx %arg11[%get3A_91], %gather3A_93 {add = true} : memref<10112xf32, #tpu.memory_space<vmem>>[vector<16xi32>], vector<16xf32>,
      %gather3A_94 = tpu.vector_load_idx %arg8[%get3A_89] : memref<10112xf32, #tpu.memory_space<vmem>>[vector<16xi32>], vector<16xf32>,
      tpu.vector_store_idx %arg12[%get3A_91], %gather3A_94 {add = true} : memref<10112xf32, #tpu.memory_space<vmem>>[vector<16xi32>], vector<16xf32>,
      %gather3A_95 = tpu.vector_load_idx %arg9[%get3A_89] : memref<10112xf32, #tpu.memory_space<vmem>>[vector<16xi32>], vector<16xf32>,
      tpu.vector_store_idx %arg13[%get3A_91], %gather3A_95 {add = true} : memref<10112xf32, #tpu.memory_space<vmem>>[vector<16xi32>], vector<16xf32>,
      %get3A_96 = arith.constant 64 : index
      %get3A_97 = tpu.vector_load %arg14[%get3A_96] {strides = array<i32>} : memref<512xi32, #tpu.memory_space<vmem>>, vector<16xi32>,
      %get3A_98 = arith.constant 64 : index
      %get3A_99 = tpu.vector_load %arg15[%get3A_98] {strides = array<i32>} : memref<512xi32, #tpu.memory_space<vmem>>, vector<16xi32>,
      %gather3A_100 = tpu.vector_load_idx %arg6[%get3A_97] : memref<10112xf32, #tpu.memory_space<vmem>>[vector<16xi32>], vector<16xf32>,
      tpu.vector_store_idx %arg10[%get3A_99], %gather3A_100 {add = true} : memref<10112xf32, #tpu.memory_space<vmem>>[vector<16xi32>], vector<16xf32>,
      %gather3A_101 = tpu.vector_load_idx %arg7[%get3A_97] : memref<10112xf32, #tpu.memory_space<vmem>>[vector<16xi32>], vector<16xf32>,
      tpu.vector_store_idx %arg11[%get3A_99], %gather3A_101 {add = true} : memref<10112xf32, #tpu.memory_space<vmem>>[vector<16xi32>], vector<16xf32>,
      %gather3A_102 = tpu.vector_load_idx %arg8[%get3A_97] : memref<10112xf32, #tpu.memory_space<vmem>>[vector<16xi32>], vector<16xf32>,
      tpu.vector_store_idx %arg12[%get3A_99], %gather3A_102 {add = true} : memref<10112xf32, #tpu.memory_space<vmem>>[vector<16xi32>], vector<16xf32>,
      %gather3A_103 = tpu.vector_load_idx %arg9[%get3A_97] : memref<10112xf32, #tpu.memory_space<vmem>>[vector<16xi32>], vector<16xf32>,
      tpu.vector_store_idx %arg13[%get3A_99], %gather3A_103 {add = true} : memref<10112xf32, #tpu.memory_space<vmem>>[vector<16xi32>], vector<16xf32>,
      %get3A_104 = arith.constant 80 : index
      %get3A_105 = tpu.vector_load %arg14[%get3A_104] {strides = array<i32>} : memref<512xi32, #tpu.memory_space<vmem>>, vector<16xi32>,
      %get3A_106 = arith.constant 80 : index
      %get3A_107 = tpu.vector_load %arg15[%get3A_106] {strides = array<i32>} : memref<512xi32, #tpu.memory_space<vmem>>, vector<16xi32>,
      %gather3A_108 = tpu.vector_load_idx %arg6[%get3A_105] : memref<10112xf32, #tpu.memory_space<vmem>>[vector<16xi32>], vector<16xf32>,
      tpu.vector_store_idx %arg10[%get3A_107], %gather3A_108 {add = true} : memref<10112xf32, #tpu.memory_space<vmem>>[vector<16xi32>], vector<16xf32>,
      %gather3A_109 = tpu.vector_load_idx %arg7[%get3A_105] : memref<10112xf32, #tpu.memory_space<vmem>>[vector<16xi32>], vector<16xf32>,
      tpu.vector_store_idx %arg11[%get3A_107], %gather3A_109 {add = true} : memref<10112xf32, #tpu.memory_space<vmem>>[vector<16xi32>], vector<16xf32>,
      %gather3A_110 = tpu.vector_load_idx %arg8[%get3A_105] : memref<10112xf32, #tpu.memory_space<vmem>>[vector<16xi32>], vector<16xf32>,
      tpu.vector_store_idx %arg12[%get3A_107], %gather3A_110 {add = true} : memref<10112xf32, #tpu.memory_space<vmem>>[vector<16xi32>], vector<16xf32>,
      %gather3A_111 = tpu.vector_load_idx %arg9[%get3A_105] : memref<10112xf32, #tpu.memory_space<vmem>>[vector<16xi32>], vector<16xf32>,
      tpu.vector_store_idx %arg13[%get3A_107], %gather3A_111 {add = true} : memref<10112xf32, #tpu.memory_space<vmem>>[vector<16xi32>], vector<16xf32>,
      %get3A_112 = arith.constant 96 : index
      %get3A_113 = tpu.vector_load %arg14[%get3A_112] {strides = array<i32>} : memref<512xi32, #tpu.memory_space<vmem>>, vector<16xi32>,
      %get3A_114 = arith.constant 96 : index
      %get3A_115 = tpu.vector_load %arg15[%get3A_114] {strides = array<i32>} : memref<512xi32, #tpu.memory_space<vmem>>, vector<16xi32>,
      %gather3A_116 = tpu.vector_load_idx %arg6[%get3A_113] : memref<10112xf32, #tpu.memory_space<vmem>>[vector<16xi32>], vector<16xf32>,
      tpu.vector_store_idx %arg10[%get3A_115], %gather3A_116 {add = true} : memref<10112xf32, #tpu.memory_space<vmem>>[vector<16xi32>], vector<16xf32>,
      %gather3A_117 = tpu.vector_load_idx %arg7[%get3A_113] : memref<10112xf32, #tpu.memory_space<vmem>>[vector<16xi32>], vector<16xf32>,
      tpu.vector_store_idx %arg11[%get3A_115], %gather3A_117 {add = true} : memref<10112xf32, #tpu.memory_space<vmem>>[vector<16xi32>], vector<16xf32>,
      %gather3A_118 = tpu.vector_load_idx %arg8[%get3A_113] : memref<10112xf32, #tpu.memory_space<vmem>>[vector<16xi32>], vector<16xf32>,
      tpu.vector_store_idx %arg12[%get3A_115], %gather3A_118 {add = true} : memref<10112xf32, #tpu.memory_space<vmem>>[vector<16xi32>], vector<16xf32>,
      %gather3A_119 = tpu.vector_load_idx %arg9[%get3A_113] : memref<10112xf32, #tpu.memory_space<vmem>>[vector<16xi32>], vector<16xf32>,
      tpu.vector_store_idx %arg13[%get3A_115], %gather3A_119 {add = true} : memref<10112xf32, #tpu.memory_space<vmem>>[vector<16xi32>], vector<16xf32>,
      %get3A_120 = arith.constant 112 : index
      %get3A_121 = tpu.vector_load %arg14[%get3A_120] {strides = array<i32>} : memref<512xi32, #tpu.memory_space<vmem>>, vector<16xi32>,
      %get3A_122 = arith.constant 112 : index
      %get3A_123 = tpu.vector_load %arg15[%get3A_122] {strides = array<i32>} : memref<512xi32, #tpu.memory_space<vmem>>, vector<16xi32>,
      %gather3A_124 = tpu.vector_load_idx %arg6[%get3A_121] : memref<10112xf32, #tpu.memory_space<vmem>>[vector<16xi32>], vector<16xf32>,
      tpu.vector_store_idx %arg10[%get3A_123], %gather3A_124 {add = true} : memref<10112xf32, #tpu.memory_space<vmem>>[vector<16xi32>], vector<16xf32>,
      %gather3A_125 = tpu.vector_load_idx %arg7[%get3A_121] : memref<10112xf32, #tpu.memory_space<vmem>>[vector<16xi32>], vector<16xf32>,
      tpu.vector_store_idx %arg11[%get3A_123], %gather3A_125 {add = true} : memref<10112xf32, #tpu.memory_space<vmem>>[vector<16xi32>], vector<16xf32>,
      %gather3A_126 = tpu.vector_load_idx %arg8[%get3A_121] : memref<10112xf32, #tpu.memory_space<vmem>>[vector<16xi32>], vector<16xf32>,
      tpu.vector_store_idx %arg12[%get3A_123], %gather3A_126 {add = true} : memref<10112xf32, #tpu.memory_space<vmem>>[vector<16xi32>], vector<16xf32>,
      %gather3A_127 = tpu.vector_load_idx %arg9[%get3A_121] : memref<10112xf32, #tpu.memory_space<vmem>>[vector<16xi32>], vector<16xf32>,
      tpu.vector_store_idx %arg13[%get3A_123], %gather3A_127 {add = true} : memref<10112xf32, #tpu.memory_space<vmem>>[vector<16xi32>], vector<16xf32>,
      %get3A_128 = arith.constant 128 : index
      %get3A_129 = tpu.vector_load %arg14[%get3A_128] {strides = array<i32>} : memref<512xi32, #tpu.memory_space<vmem>>, vector<16xi32>,
      %get3A_130 = arith.constant 128 : index
      %get3A_131 = tpu.vector_load %arg15[%get3A_130] {strides = array<i32>} : memref<512xi32, #tpu.memory_space<vmem>>, vector<16xi32>,
      %gather3A_132 = tpu.vector_load_idx %arg6[%get3A_129] : memref<10112xf32, #tpu.memory_space<vmem>>[vector<16xi32>], vector<16xf32>,
      tpu.vector_store_idx %arg10[%get3A_131], %gather3A_132 {add = true} : memref<10112xf32, #tpu.memory_space<vmem>>[vector<16xi32>], vector<16xf32>,
      %gather3A_133 = tpu.vector_load_idx %arg7[%get3A_129] : memref<10112xf32, #tpu.memory_space<vmem>>[vector<16xi32>], vector<16xf32>,
      tpu.vector_store_idx %arg11[%get3A_131], %gather3A_133 {add = true} : memref<10112xf32, #tpu.memory_space<vmem>>[vector<16xi32>], vector<16xf32>,
      %gather3A_134 = tpu.vector_load_idx %arg8[%get3A_129] : memref<10112xf32, #tpu.memory_space<vmem>>[vector<16xi32>], vector<16xf32>,
      tpu.vector_store_idx %arg12[%get3A_131], %gather3A_134 {add = true} : memref<10112xf32, #tpu.memory_space<vmem>>[vector<16xi32>], vector<16xf32>,
      %gather3A_135 = tpu.vector_load_idx %arg9[%get3A_129] : memref<10112xf32, #tpu.memory_space<vmem>>[vector<16xi32>], vector<16xf32>,
      tpu.vector_store_idx %arg13[%get3A_131], %gather3A_135 {add = true} : memref<10112xf32, #tpu.memory_space<vmem>>[vector<16xi32>], vector<16xf32>,
      %get3A_136 = arith.constant 144 : index
      %get3A_137 = tpu.vector_load %arg14[%get3A_136] {strides = array<i32>} : memref<512xi32, #tpu.memory_space<vmem>>, vector<16xi32>,
      %get3A_138 = arith.constant 144 : index
      %get3A_139 = tpu.vector_load %arg15[%get3A_138] {strides = array<i32>} : memref<512xi32, #tpu.memory_space<vmem>>, vector<16xi32>,
      %gather3A_140 = tpu.vector_load_idx %arg6[%get3A_137] : memref<10112xf32, #tpu.memory_space<vmem>>[vector<16xi32>], vector<16xf32>,
      tpu.vector_store_idx %arg10[%get3A_139], %gather3A_140 {add = true} : memref<10112xf32, #tpu.memory_space<vmem>>[vector<16xi32>], vector<16xf32>,
      %gather3A_141 = tpu.vector_load_idx %arg7[%get3A_137] : memref<10112xf32, #tpu.memory_space<vmem>>[vector<16xi32>], vector<16xf32>,
      tpu.vector_store_idx %arg11[%get3A_139], %gather3A_141 {add = true} : memref<10112xf32, #tpu.memory_space<vmem>>[vector<16xi32>], vector<16xf32>,
      %gather3A_142 = tpu.vector_load_idx %arg8[%get3A_137] : memref<10112xf32, #tpu.memory_space<vmem>>[vector<16xi32>], vector<16xf32>,
      tpu.vector_store_idx %arg12[%get3A_139], %gather3A_142 {add = true} : memref<10112xf32, #tpu.memory_space<vmem>>[vector<16xi32>], vector<16xf32>,
      %gather3A_143 = tpu.vector_load_idx %arg9[%get3A_137] : memref<10112xf32, #tpu.memory_space<vmem>>[vector<16xi32>], vector<16xf32>,
      tpu.vector_store_idx %arg13[%get3A_139], %gather3A_143 {add = true} : memref<10112xf32, #tpu.memory_space<vmem>>[vector<16xi32>], vector<16xf32>,
      %get3A_144 = arith.constant 160 : index
      %get3A_145 = tpu.vector_load %arg14[%get3A_144] {strides = array<i32>} : memref<512xi32, #tpu.memory_space<vmem>>, vector<16xi32>,
      %get3A_146 = arith.constant 160 : index
      %get3A_147 = tpu.vector_load %arg15[%get3A_146] {strides = array<i32>} : memref<512xi32, #tpu.memory_space<vmem>>, vector<16xi32>,
      %gather3A_148 = tpu.vector_load_idx %arg6[%get3A_145] : memref<10112xf32, #tpu.memory_space<vmem>>[vector<16xi32>], vector<16xf32>,
      tpu.vector_store_idx %arg10[%get3A_147], %gather3A_148 {add = true} : memref<10112xf32, #tpu.memory_space<vmem>>[vector<16xi32>], vector<16xf32>,
      %gather3A_149 = tpu.vector_load_idx %arg7[%get3A_145] : memref<10112xf32, #tpu.memory_space<vmem>>[vector<16xi32>], vector<16xf32>,
      tpu.vector_store_idx %arg11[%get3A_147], %gather3A_149 {add = true} : memref<10112xf32, #tpu.memory_space<vmem>>[vector<16xi32>], vector<16xf32>,
      %gather3A_150 = tpu.vector_load_idx %arg8[%get3A_145] : memref<10112xf32, #tpu.memory_space<vmem>>[vector<16xi32>], vector<16xf32>,
      tpu.vector_store_idx %arg12[%get3A_147], %gather3A_150 {add = true} : memref<10112xf32, #tpu.memory_space<vmem>>[vector<16xi32>], vector<16xf32>,
      %gather3A_151 = tpu.vector_load_idx %arg9[%get3A_145] : memref<10112xf32, #tpu.memory_space<vmem>>[vector<16xi32>], vector<16xf32>,
      tpu.vector_store_idx %arg13[%get3A_147], %gather3A_151 {add = true} : memref<10112xf32, #tpu.memory_space<vmem>>[vector<16xi32>], vector<16xf32>,
      %get3A_152 = arith.constant 176 : index
      %get3A_153 = tpu.vector_load %arg14[%get3A_152] {strides = array<i32>} : memref<512xi32, #tpu.memory_space<vmem>>, vector<16xi32>,
      %get3A_154 = arith.constant 176 : index
      %get3A_155 = tpu.vector_load %arg15[%get3A_154] {strides = array<i32>} : memref<512xi32, #tpu.memory_space<vmem>>, vector<16xi32>,
      %gather3A_156 = tpu.vector_load_idx %arg6[%get3A_153] : memref<10112xf32, #tpu.memory_space<vmem>>[vector<16xi32>], vector<16xf32>,
      tpu.vector_store_idx %arg10[%get3A_155], %gather3A_156 {add = true} : memref<10112xf32, #tpu.memory_space<vmem>>[vector<16xi32>], vector<16xf32>,
      %gather3A_157 = tpu.vector_load_idx %arg7[%get3A_153] : memref<10112xf32, #tpu.memory_space<vmem>>[vector<16xi32>], vector<16xf32>,
      tpu.vector_store_idx %arg11[%get3A_155], %gather3A_157 {add = true} : memref<10112xf32, #tpu.memory_space<vmem>>[vector<16xi32>], vector<16xf32>,
      %gather3A_158 = tpu.vector_load_idx %arg8[%get3A_153] : memref<10112xf32, #tpu.memory_space<vmem>>[vector<16xi32>], vector<16xf32>,
      tpu.vector_store_idx %arg12[%get3A_155], %gather3A_158 {add = true} : memref<10112xf32, #tpu.memory_space<vmem>>[vector<16xi32>], vector<16xf32>,
      %gather3A_159 = tpu.vector_load_idx %arg9[%get3A_153] : memref<10112xf32, #tpu.memory_space<vmem>>[vector<16xi32>], vector<16xf32>,
      tpu.vector_store_idx %arg13[%get3A_155], %gather3A_159 {add = true} : memref<10112xf32, #tpu.memory_space<vmem>>[vector<16xi32>], vector<16xf32>,
      %get3A_160 = arith.constant 192 : index
      %get3A_161 = tpu.vector_load %arg14[%get3A_160] {strides = array<i32>} : memref<512xi32, #tpu.memory_space<vmem>>, vector<16xi32>,
      %get3A_162 = arith.constant 192 : index
      %get3A_163 = tpu.vector_load %arg15[%get3A_162] {strides = array<i32>} : memref<512xi32, #tpu.memory_space<vmem>>, vector<16xi32>,
      %gather3A_164 = tpu.vector_load_idx %arg6[%get3A_161] : memref<10112xf32, #tpu.memory_space<vmem>>[vector<16xi32>], vector<16xf32>,
      tpu.vector_store_idx %arg10[%get3A_163], %gather3A_164 {add = true} : memref<10112xf32, #tpu.memory_space<vmem>>[vector<16xi32>], vector<16xf32>,
      %gather3A_165 = tpu.vector_load_idx %arg7[%get3A_161] : memref<10112xf32, #tpu.memory_space<vmem>>[vector<16xi32>], vector<16xf32>,
      tpu.vector_store_idx %arg11[%get3A_163], %gather3A_165 {add = true} : memref<10112xf32, #tpu.memory_space<vmem>>[vector<16xi32>], vector<16xf32>,
      %gather3A_166 = tpu.vector_load_idx %arg8[%get3A_161] : memref<10112xf32, #tpu.memory_space<vmem>>[vector<16xi32>], vector<16xf32>,
      tpu.vector_store_idx %arg12[%get3A_163], %gather3A_166 {add = true} : memref<10112xf32, #tpu.memory_space<vmem>>[vector<16xi32>], vector<16xf32>,
      %gather3A_167 = tpu.vector_load_idx %arg9[%get3A_161] : memref<10112xf32, #tpu.memory_space<vmem>>[vector<16xi32>], vector<16xf32>,
      tpu.vector_store_idx %arg13[%get3A_163], %gather3A_167 {add = true} : memref<10112xf32, #tpu.memory_space<vmem>>[vector<16xi32>], vector<16xf32>,
      %get3A_168 = arith.constant 208 : index
      %get3A_169 = tpu.vector_load %arg14[%get3A_168] {strides = array<i32>} : memref<512xi32, #tpu.memory_space<vmem>>, vector<16xi32>,
      %get3A_170 = arith.constant 208 : index
      %get3A_171 = tpu.vector_load %arg15[%get3A_170] {strides = array<i32>} : memref<512xi32, #tpu.memory_space<vmem>>, vector<16xi32>,
      %gather3A_172 = tpu.vector_load_idx %arg6[%get3A_169] : memref<10112xf32, #tpu.memory_space<vmem>>[vector<16xi32>], vector<16xf32>,
      tpu.vector_store_idx %arg10[%get3A_171], %gather3A_172 {add = true} : memref<10112xf32, #tpu.memory_space<vmem>>[vector<16xi32>], vector<16xf32>,
      %gather3A_173 = tpu.vector_load_idx %arg7[%get3A_169] : memref<10112xf32, #tpu.memory_space<vmem>>[vector<16xi32>], vector<16xf32>,
      tpu.vector_store_idx %arg11[%get3A_171], %gather3A_173 {add = true} : memref<10112xf32, #tpu.memory_space<vmem>>[vector<16xi32>], vector<16xf32>,
      %gather3A_174 = tpu.vector_load_idx %arg8[%get3A_169] : memref<10112xf32, #tpu.memory_space<vmem>>[vector<16xi32>], vector<16xf32>,
      tpu.vector_store_idx %arg12[%get3A_171], %gather3A_174 {add = true} : memref<10112xf32, #tpu.memory_space<vmem>>[vector<16xi32>], vector<16xf32>,
      %gather3A_175 = tpu.vector_load_idx %arg9[%get3A_169] : memref<10112xf32, #tpu.memory_space<vmem>>[vector<16xi32>], vector<16xf32>,
      tpu.vector_store_idx %arg13[%get3A_171], %gather3A_175 {add = true} : memref<10112xf32, #tpu.memory_space<vmem>>[vector<16xi32>], vector<16xf32>,
      %get3A_176 = arith.constant 224 : index
      %get3A_177 = tpu.vector_load %arg14[%get3A_176] {strides = array<i32>} : memref<512xi32, #tpu.memory_space<vmem>>, vector<16xi32>,
      %get3A_178 = arith.constant 224 : index
      %get3A_179 = tpu.vector_load %arg15[%get3A_178] {strides = array<i32>} : memref<512xi32, #tpu.memory_space<vmem>>, vector<16xi32>,
      %gather3A_180 = tpu.vector_load_idx %arg6[%get3A_177] : memref<10112xf32, #tpu.memory_space<vmem>>[vector<16xi32>], vector<16xf32>,
      tpu.vector_store_idx %arg10[%get3A_179], %gather3A_180 {add = true} : memref<10112xf32, #tpu.memory_space<vmem>>[vector<16xi32>], vector<16xf32>,
      %gather3A_181 = tpu.vector_load_idx %arg7[%get3A_177] : memref<10112xf32, #tpu.memory_space<vmem>>[vector<16xi32>], vector<16xf32>,
      tpu.vector_store_idx %arg11[%get3A_179], %gather3A_181 {add = true} : memref<10112xf32, #tpu.memory_space<vmem>>[vector<16xi32>], vector<16xf32>,
      %gather3A_182 = tpu.vector_load_idx %arg8[%get3A_177] : memref<10112xf32, #tpu.memory_space<vmem>>[vector<16xi32>], vector<16xf32>,
      tpu.vector_store_idx %arg12[%get3A_179], %gather3A_182 {add = true} : memref<10112xf32, #tpu.memory_space<vmem>>[vector<16xi32>], vector<16xf32>,
      %gather3A_183 = tpu.vector_load_idx %arg9[%get3A_177] : memref<10112xf32, #tpu.memory_space<vmem>>[vector<16xi32>], vector<16xf32>,
      tpu.vector_store_idx %arg13[%get3A_179], %gather3A_183 {add = true} : memref<10112xf32, #tpu.memory_space<vmem>>[vector<16xi32>], vector<16xf32>,
      %get3A_184 = arith.constant 240 : index
      %get3A_185 = tpu.vector_load %arg14[%get3A_184] {strides = array<i32>} : memref<512xi32, #tpu.memory_space<vmem>>, vector<16xi32>,
      %get3A_186 = arith.constant 240 : index
      %get3A_187 = tpu.vector_load %arg15[%get3A_186] {strides = array<i32>} : memref<512xi32, #tpu.memory_space<vmem>>, vector<16xi32>,
      %gather3A_188 = tpu.vector_load_idx %arg6[%get3A_185] : memref<10112xf32, #tpu.memory_space<vmem>>[vector<16xi32>], vector<16xf32>,
      tpu.vector_store_idx %arg10[%get3A_187], %gather3A_188 {add = true} : memref<10112xf32, #tpu.memory_space<vmem>>[vector<16xi32>], vector<16xf32>,
      %gather3A_189 = tpu.vector_load_idx %arg7[%get3A_185] : memref<10112xf32, #tpu.memory_space<vmem>>[vector<16xi32>], vector<16xf32>,
      tpu.vector_store_idx %arg11[%get3A_187], %gather3A_189 {add = true} : memref<10112xf32, #tpu.memory_space<vmem>>[vector<16xi32>], vector<16xf32>,
      %gather3A_190 = tpu.vector_load_idx %arg8[%get3A_185] : memref<10112xf32, #tpu.memory_space<vmem>>[vector<16xi32>], vector<16xf32>,
      tpu.vector_store_idx %arg12[%get3A_187], %gather3A_190 {add = true} : memref<10112xf32, #tpu.memory_space<vmem>>[vector<16xi32>], vector<16xf32>,
      %gather3A_191 = tpu.vector_load_idx %arg9[%get3A_185] : memref<10112xf32, #tpu.memory_space<vmem>>[vector<16xi32>], vector<16xf32>,
      tpu.vector_store_idx %arg13[%get3A_187], %gather3A_191 {add = true} : memref<10112xf32, #tpu.memory_space<vmem>>[vector<16xi32>], vector<16xf32>,
      %get3A_192 = arith.constant 256 : index
      %get3A_193 = tpu.vector_load %arg14[%get3A_192] {strides = array<i32>} : memref<512xi32, #tpu.memory_space<vmem>>, vector<16xi32>,
      %get3A_194 = arith.constant 256 : index
      %get3A_195 = tpu.vector_load %arg15[%get3A_194] {strides = array<i32>} : memref<512xi32, #tpu.memory_space<vmem>>, vector<16xi32>,
      %gather3A_196 = tpu.vector_load_idx %arg6[%get3A_193] : memref<10112xf32, #tpu.memory_space<vmem>>[vector<16xi32>], vector<16xf32>,
      tpu.vector_store_idx %arg10[%get3A_195], %gather3A_196 {add = true} : memref<10112xf32, #tpu.memory_space<vmem>>[vector<16xi32>], vector<16xf32>,
      %gather3A_197 = tpu.vector_load_idx %arg7[%get3A_193] : memref<10112xf32, #tpu.memory_space<vmem>>[vector<16xi32>], vector<16xf32>,
      tpu.vector_store_idx %arg11[%get3A_195], %gather3A_197 {add = true} : memref<10112xf32, #tpu.memory_space<vmem>>[vector<16xi32>], vector<16xf32>,
      %gather3A_198 = tpu.vector_load_idx %arg8[%get3A_193] : memref<10112xf32, #tpu.memory_space<vmem>>[vector<16xi32>], vector<16xf32>,
      tpu.vector_store_idx %arg12[%get3A_195], %gather3A_198 {add = true} : memref<10112xf32, #tpu.memory_space<vmem>>[vector<16xi32>], vector<16xf32>,
      %gather3A_199 = tpu.vector_load_idx %arg9[%get3A_193] : memref<10112xf32, #tpu.memory_space<vmem>>[vector<16xi32>], vector<16xf32>,
      tpu.vector_store_idx %arg13[%get3A_195], %gather3A_199 {add = true} : memref<10112xf32, #tpu.memory_space<vmem>>[vector<16xi32>], vector<16xf32>,
      %get3A_200 = arith.constant 272 : index
      %get3A_201 = tpu.vector_load %arg14[%get3A_200] {strides = array<i32>} : memref<512xi32, #tpu.memory_space<vmem>>, vector<16xi32>,
      %get3A_202 = arith.constant 272 : index
      %get3A_203 = tpu.vector_load %arg15[%get3A_202] {strides = array<i32>} : memref<512xi32, #tpu.memory_space<vmem>>, vector<16xi32>,
      %gather3A_204 = tpu.vector_load_idx %arg6[%get3A_201] : memref<10112xf32, #tpu.memory_space<vmem>>[vector<16xi32>], vector<16xf32>,
      tpu.vector_store_idx %arg10[%get3A_203], %gather3A_204 {add = true} : memref<10112xf32, #tpu.memory_space<vmem>>[vector<16xi32>], vector<16xf32>,
      %gather3A_205 = tpu.vector_load_idx %arg7[%get3A_201] : memref<10112xf32, #tpu.memory_space<vmem>>[vector<16xi32>], vector<16xf32>,
      tpu.vector_store_idx %arg11[%get3A_203], %gather3A_205 {add = true} : memref<10112xf32, #tpu.memory_space<vmem>>[vector<16xi32>], vector<16xf32>,
      %gather3A_206 = tpu.vector_load_idx %arg8[%get3A_201] : memref<10112xf32, #tpu.memory_space<vmem>>[vector<16xi32>], vector<16xf32>,
      tpu.vector_store_idx %arg12[%get3A_203], %gather3A_206 {add = true} : memref<10112xf32, #tpu.memory_space<vmem>>[vector<16xi32>], vector<16xf32>,
      %gather3A_207 = tpu.vector_load_idx %arg9[%get3A_201] : memref<10112xf32, #tpu.memory_space<vmem>>[vector<16xi32>], vector<16xf32>,
      tpu.vector_store_idx %arg13[%get3A_203], %gather3A_207 {add = true} : memref<10112xf32, #tpu.memory_space<vmem>>[vector<16xi32>], vector<16xf32>,
      %get3A_208 = arith.constant 288 : index
      %get3A_209 = tpu.vector_load %arg14[%get3A_208] {strides = array<i32>} : memref<512xi32, #tpu.memory_space<vmem>>, vector<16xi32>,
      %get3A_210 = arith.constant 288 : index
      %get3A_211 = tpu.vector_load %arg15[%get3A_210] {strides = array<i32>} : memref<512xi32, #tpu.memory_space<vmem>>, vector<16xi32>,
      %gather3A_212 = tpu.vector_load_idx %arg6[%get3A_209] : memref<10112xf32, #tpu.memory_space<vmem>>[vector<16xi32>], vector<16xf32>,
      tpu.vector_store_idx %arg10[%get3A_211], %gather3A_212 {add = true} : memref<10112xf32, #tpu.memory_space<vmem>>[vector<16xi32>], vector<16xf32>,
      %gather3A_213 = tpu.vector_load_idx %arg7[%get3A_209] : memref<10112xf32, #tpu.memory_space<vmem>>[vector<16xi32>], vector<16xf32>,
      tpu.vector_store_idx %arg11[%get3A_211], %gather3A_213 {add = true} : memref<10112xf32, #tpu.memory_space<vmem>>[vector<16xi32>], vector<16xf32>,
      %gather3A_214 = tpu.vector_load_idx %arg8[%get3A_209] : memref<10112xf32, #tpu.memory_space<vmem>>[vector<16xi32>], vector<16xf32>,
      tpu.vector_store_idx %arg12[%get3A_211], %gather3A_214 {add = true} : memref<10112xf32, #tpu.memory_space<vmem>>[vector<16xi32>], vector<16xf32>,
      %gather3A_215 = tpu.vector_load_idx %arg9[%get3A_209] : memref<10112xf32, #tpu.memory_space<vmem>>[vector<16xi32>], vector<16xf32>,
      tpu.vector_store_idx %arg13[%get3A_211], %gather3A_215 {add = true} : memref<10112xf32, #tpu.memory_space<vmem>>[vector<16xi32>], vector<16xf32>,
      %get3A_216 = arith.constant 304 : index
      %get3A_217 = tpu.vector_load %arg14[%get3A_216] {strides = array<i32>} : memref<512xi32, #tpu.memory_space<vmem>>, vector<16xi32>,
      %get3A_218 = arith.constant 304 : index
      %get3A_219 = tpu.vector_load %arg15[%get3A_218] {strides = array<i32>} : memref<512xi32, #tpu.memory_space<vmem>>, vector<16xi32>,
      %gather3A_220 = tpu.vector_load_idx %arg6[%get3A_217] : memref<10112xf32, #tpu.memory_space<vmem>>[vector<16xi32>], vector<16xf32>,
      tpu.vector_store_idx %arg10[%get3A_219], %gather3A_220 {add = true} : memref<10112xf32, #tpu.memory_space<vmem>>[vector<16xi32>], vector<16xf32>,
      %gather3A_221 = tpu.vector_load_idx %arg7[%get3A_217] : memref<10112xf32, #tpu.memory_space<vmem>>[vector<16xi32>], vector<16xf32>,
      tpu.vector_store_idx %arg11[%get3A_219], %gather3A_221 {add = true} : memref<10112xf32, #tpu.memory_space<vmem>>[vector<16xi32>], vector<16xf32>,
      %gather3A_222 = tpu.vector_load_idx %arg8[%get3A_217] : memref<10112xf32, #tpu.memory_space<vmem>>[vector<16xi32>], vector<16xf32>,
      tpu.vector_store_idx %arg12[%get3A_219], %gather3A_222 {add = true} : memref<10112xf32, #tpu.memory_space<vmem>>[vector<16xi32>], vector<16xf32>,
      %gather3A_223 = tpu.vector_load_idx %arg9[%get3A_217] : memref<10112xf32, #tpu.memory_space<vmem>>[vector<16xi32>], vector<16xf32>,
      tpu.vector_store_idx %arg13[%get3A_219], %gather3A_223 {add = true} : memref<10112xf32, #tpu.memory_space<vmem>>[vector<16xi32>], vector<16xf32>,
      %get3A_224 = arith.constant 320 : index
      %get3A_225 = tpu.vector_load %arg14[%get3A_224] {strides = array<i32>} : memref<512xi32, #tpu.memory_space<vmem>>, vector<16xi32>,
      %get3A_226 = arith.constant 320 : index
      %get3A_227 = tpu.vector_load %arg15[%get3A_226] {strides = array<i32>} : memref<512xi32, #tpu.memory_space<vmem>>, vector<16xi32>,
      %gather3A_228 = tpu.vector_load_idx %arg6[%get3A_225] : memref<10112xf32, #tpu.memory_space<vmem>>[vector<16xi32>], vector<16xf32>,
      tpu.vector_store_idx %arg10[%get3A_227], %gather3A_228 {add = true} : memref<10112xf32, #tpu.memory_space<vmem>>[vector<16xi32>], vector<16xf32>,
      %gather3A_229 = tpu.vector_load_idx %arg7[%get3A_225] : memref<10112xf32, #tpu.memory_space<vmem>>[vector<16xi32>], vector<16xf32>,
      tpu.vector_store_idx %arg11[%get3A_227], %gather3A_229 {add = true} : memref<10112xf32, #tpu.memory_space<vmem>>[vector<16xi32>], vector<16xf32>,
      %gather3A_230 = tpu.vector_load_idx %arg8[%get3A_225] : memref<10112xf32, #tpu.memory_space<vmem>>[vector<16xi32>], vector<16xf32>,
      tpu.vector_store_idx %arg12[%get3A_227], %gather3A_230 {add = true} : memref<10112xf32, #tpu.memory_space<vmem>>[vector<16xi32>], vector<16xf32>,
      %gather3A_231 = tpu.vector_load_idx %arg9[%get3A_225] : memref<10112xf32, #tpu.memory_space<vmem>>[vector<16xi32>], vector<16xf32>,
      tpu.vector_store_idx %arg13[%get3A_227], %gather3A_231 {add = true} : memref<10112xf32, #tpu.memory_space<vmem>>[vector<16xi32>], vector<16xf32>,
      %get3A_232 = arith.constant 336 : index
      %get3A_233 = tpu.vector_load %arg14[%get3A_232] {strides = array<i32>} : memref<512xi32, #tpu.memory_space<vmem>>, vector<16xi32>,
      %get3A_234 = arith.constant 336 : index
      %get3A_235 = tpu.vector_load %arg15[%get3A_234] {strides = array<i32>} : memref<512xi32, #tpu.memory_space<vmem>>, vector<16xi32>,
      %gather3A_236 = tpu.vector_load_idx %arg6[%get3A_233] : memref<10112xf32, #tpu.memory_space<vmem>>[vector<16xi32>], vector<16xf32>,
      tpu.vector_store_idx %arg10[%get3A_235], %gather3A_236 {add = true} : memref<10112xf32, #tpu.memory_space<vmem>>[vector<16xi32>], vector<16xf32>,
      %gather3A_237 = tpu.vector_load_idx %arg7[%get3A_233] : memref<10112xf32, #tpu.memory_space<vmem>>[vector<16xi32>], vector<16xf32>,
      tpu.vector_store_idx %arg11[%get3A_235], %gather3A_237 {add = true} : memref<10112xf32, #tpu.memory_space<vmem>>[vector<16xi32>], vector<16xf32>,
      %gather3A_238 = tpu.vector_load_idx %arg8[%get3A_233] : memref<10112xf32, #tpu.memory_space<vmem>>[vector<16xi32>], vector<16xf32>,
      tpu.vector_store_idx %arg12[%get3A_235], %gather3A_238 {add = true} : memref<10112xf32, #tpu.memory_space<vmem>>[vector<16xi32>], vector<16xf32>,
      %gather3A_239 = tpu.vector_load_idx %arg9[%get3A_233] : memref<10112xf32, #tpu.memory_space<vmem>>[vector<16xi32>], vector<16xf32>,
      tpu.vector_store_idx %arg13[%get3A_235], %gather3A_239 {add = true} : memref<10112xf32, #tpu.memory_space<vmem>>[vector<16xi32>], vector<16xf32>,
      %get3A_240 = arith.constant 352 : index
      %get3A_241 = tpu.vector_load %arg14[%get3A_240] {strides = array<i32>} : memref<512xi32, #tpu.memory_space<vmem>>, vector<16xi32>,
      %get3A_242 = arith.constant 352 : index
      %get3A_243 = tpu.vector_load %arg15[%get3A_242] {strides = array<i32>} : memref<512xi32, #tpu.memory_space<vmem>>, vector<16xi32>,
      %gather3A_244 = tpu.vector_load_idx %arg6[%get3A_241] : memref<10112xf32, #tpu.memory_space<vmem>>[vector<16xi32>], vector<16xf32>,
      tpu.vector_store_idx %arg10[%get3A_243], %gather3A_244 {add = true} : memref<10112xf32, #tpu.memory_space<vmem>>[vector<16xi32>], vector<16xf32>,
      %gather3A_245 = tpu.vector_load_idx %arg7[%get3A_241] : memref<10112xf32, #tpu.memory_space<vmem>>[vector<16xi32>], vector<16xf32>,
      tpu.vector_store_idx %arg11[%get3A_243], %gather3A_245 {add = true} : memref<10112xf32, #tpu.memory_space<vmem>>[vector<16xi32>], vector<16xf32>,
      %gather3A_246 = tpu.vector_load_idx %arg8[%get3A_241] : memref<10112xf32, #tpu.memory_space<vmem>>[vector<16xi32>], vector<16xf32>,
      tpu.vector_store_idx %arg12[%get3A_243], %gather3A_246 {add = true} : memref<10112xf32, #tpu.memory_space<vmem>>[vector<16xi32>], vector<16xf32>,
      %gather3A_247 = tpu.vector_load_idx %arg9[%get3A_241] : memref<10112xf32, #tpu.memory_space<vmem>>[vector<16xi32>], vector<16xf32>,
      tpu.vector_store_idx %arg13[%get3A_243], %gather3A_247 {add = true} : memref<10112xf32, #tpu.memory_space<vmem>>[vector<16xi32>], vector<16xf32>,
      %get3A_248 = arith.constant 368 : index
      %get3A_249 = tpu.vector_load %arg14[%get3A_248] {strides = array<i32>} : memref<512xi32, #tpu.memory_space<vmem>>, vector<16xi32>,
      %get3A_250 = arith.constant 368 : index
      %get3A_251 = tpu.vector_load %arg15[%get3A_250] {strides = array<i32>} : memref<512xi32, #tpu.memory_space<vmem>>, vector<16xi32>,
      %gather3A_252 = tpu.vector_load_idx %arg6[%get3A_249] : memref<10112xf32, #tpu.memory_space<vmem>>[vector<16xi32>], vector<16xf32>,
      tpu.vector_store_idx %arg10[%get3A_251], %gather3A_252 {add = true} : memref<10112xf32, #tpu.memory_space<vmem>>[vector<16xi32>], vector<16xf32>,
      %gather3A_253 = tpu.vector_load_idx %arg7[%get3A_249] : memref<10112xf32, #tpu.memory_space<vmem>>[vector<16xi32>], vector<16xf32>,
      tpu.vector_store_idx %arg11[%get3A_251], %gather3A_253 {add = true} : memref<10112xf32, #tpu.memory_space<vmem>>[vector<16xi32>], vector<16xf32>,
      %gather3A_254 = tpu.vector_load_idx %arg8[%get3A_249] : memref<10112xf32, #tpu.memory_space<vmem>>[vector<16xi32>], vector<16xf32>,
      tpu.vector_store_idx %arg12[%get3A_251], %gather3A_254 {add = true} : memref<10112xf32, #tpu.memory_space<vmem>>[vector<16xi32>], vector<16xf32>,
      %gather3A_255 = tpu.vector_load_idx %arg9[%get3A_249] : memref<10112xf32, #tpu.memory_space<vmem>>[vector<16xi32>], vector<16xf32>,
      tpu.vector_store_idx %arg13[%get3A_251], %gather3A_255 {add = true} : memref<10112xf32, #tpu.memory_space<vmem>>[vector<16xi32>], vector<16xf32>,
      %get3A_256 = arith.constant 384 : index
      %get3A_257 = tpu.vector_load %arg14[%get3A_256] {strides = array<i32>} : memref<512xi32, #tpu.memory_space<vmem>>, vector<16xi32>,
      %get3A_258 = arith.constant 384 : index
      %get3A_259 = tpu.vector_load %arg15[%get3A_258] {strides = array<i32>} : memref<512xi32, #tpu.memory_space<vmem>>, vector<16xi32>,
      %gather3A_260 = tpu.vector_load_idx %arg6[%get3A_257] : memref<10112xf32, #tpu.memory_space<vmem>>[vector<16xi32>], vector<16xf32>,
      tpu.vector_store_idx %arg10[%get3A_259], %gather3A_260 {add = true} : memref<10112xf32, #tpu.memory_space<vmem>>[vector<16xi32>], vector<16xf32>,
      %gather3A_261 = tpu.vector_load_idx %arg7[%get3A_257] : memref<10112xf32, #tpu.memory_space<vmem>>[vector<16xi32>], vector<16xf32>,
      tpu.vector_store_idx %arg11[%get3A_259], %gather3A_261 {add = true} : memref<10112xf32, #tpu.memory_space<vmem>>[vector<16xi32>], vector<16xf32>,
      %gather3A_262 = tpu.vector_load_idx %arg8[%get3A_257] : memref<10112xf32, #tpu.memory_space<vmem>>[vector<16xi32>], vector<16xf32>,
      tpu.vector_store_idx %arg12[%get3A_259], %gather3A_262 {add = true} : memref<10112xf32, #tpu.memory_space<vmem>>[vector<16xi32>], vector<16xf32>,
      %gather3A_263 = tpu.vector_load_idx %arg9[%get3A_257] : memref<10112xf32, #tpu.memory_space<vmem>>[vector<16xi32>], vector<16xf32>,
      tpu.vector_store_idx %arg13[%get3A_259], %gather3A_263 {add = true} : memref<10112xf32, #tpu.memory_space<vmem>>[vector<16xi32>], vector<16xf32>,
      %get3A_264 = arith.constant 400 : index
      %get3A_265 = tpu.vector_load %arg14[%get3A_264] {strides = array<i32>} : memref<512xi32, #tpu.memory_space<vmem>>, vector<16xi32>,
      %get3A_266 = arith.constant 400 : index
      %get3A_267 = tpu.vector_load %arg15[%get3A_266] {strides = array<i32>} : memref<512xi32, #tpu.memory_space<vmem>>, vector<16xi32>,
      %gather3A_268 = tpu.vector_load_idx %arg6[%get3A_265] : memref<10112xf32, #tpu.memory_space<vmem>>[vector<16xi32>], vector<16xf32>,
      tpu.vector_store_idx %arg10[%get3A_267], %gather3A_268 {add = true} : memref<10112xf32, #tpu.memory_space<vmem>>[vector<16xi32>], vector<16xf32>,
      %gather3A_269 = tpu.vector_load_idx %arg7[%get3A_265] : memref<10112xf32, #tpu.memory_space<vmem>>[vector<16xi32>], vector<16xf32>,
      tpu.vector_store_idx %arg11[%get3A_267], %gather3A_269 {add = true} : memref<10112xf32, #tpu.memory_space<vmem>>[vector<16xi32>], vector<16xf32>,
      %gather3A_270 = tpu.vector_load_idx %arg8[%get3A_265] : memref<10112xf32, #tpu.memory_space<vmem>>[vector<16xi32>], vector<16xf32>,
      tpu.vector_store_idx %arg12[%get3A_267], %gather3A_270 {add = true} : memref<10112xf32, #tpu.memory_space<vmem>>[vector<16xi32>], vector<16xf32>,
      %gather3A_271 = tpu.vector_load_idx %arg9[%get3A_265] : memref<10112xf32, #tpu.memory_space<vmem>>[vector<16xi32>], vector<16xf32>,
      tpu.vector_store_idx %arg13[%get3A_267], %gather3A_271 {add = true} : memref<10112xf32, #tpu.memory_space<vmem>>[vector<16xi32>], vector<16xf32>,
      %get3A_272 = arith.constant 416 : index
      %get3A_273 = tpu.vector_load %arg14[%get3A_272] {strides = array<i32>} : memref<512xi32, #tpu.memory_space<vmem>>, vector<16xi32>,
      %get3A_274 = arith.constant 416 : index
      %get3A_275 = tpu.vector_load %arg15[%get3A_274] {strides = array<i32>} : memref<512xi32, #tpu.memory_space<vmem>>, vector<16xi32>,
      %gather3A_276 = tpu.vector_load_idx %arg6[%get3A_273] : memref<10112xf32, #tpu.memory_space<vmem>>[vector<16xi32>], vector<16xf32>,
      tpu.vector_store_idx %arg10[%get3A_275], %gather3A_276 {add = true} : memref<10112xf32, #tpu.memory_space<vmem>>[vector<16xi32>], vector<16xf32>,
      %gather3A_277 = tpu.vector_load_idx %arg7[%get3A_273] : memref<10112xf32, #tpu.memory_space<vmem>>[vector<16xi32>], vector<16xf32>,
      tpu.vector_store_idx %arg11[%get3A_275], %gather3A_277 {add = true} : memref<10112xf32, #tpu.memory_space<vmem>>[vector<16xi32>], vector<16xf32>,
      %gather3A_278 = tpu.vector_load_idx %arg8[%get3A_273] : memref<10112xf32, #tpu.memory_space<vmem>>[vector<16xi32>], vector<16xf32>,
      tpu.vector_store_idx %arg12[%get3A_275], %gather3A_278 {add = true} : memref<10112xf32, #tpu.memory_space<vmem>>[vector<16xi32>], vector<16xf32>,
      %gather3A_279 = tpu.vector_load_idx %arg9[%get3A_273] : memref<10112xf32, #tpu.memory_space<vmem>>[vector<16xi32>], vector<16xf32>,
      tpu.vector_store_idx %arg13[%get3A_275], %gather3A_279 {add = true} : memref<10112xf32, #tpu.memory_space<vmem>>[vector<16xi32>], vector<16xf32>,
      %get3A_280 = arith.constant 432 : index
      %get3A_281 = tpu.vector_load %arg14[%get3A_280] {strides = array<i32>} : memref<512xi32, #tpu.memory_space<vmem>>, vector<16xi32>,
      %get3A_282 = arith.constant 432 : index
      %get3A_283 = tpu.vector_load %arg15[%get3A_282] {strides = array<i32>} : memref<512xi32, #tpu.memory_space<vmem>>, vector<16xi32>,
      %gather3A_284 = tpu.vector_load_idx %arg6[%get3A_281] : memref<10112xf32, #tpu.memory_space<vmem>>[vector<16xi32>], vector<16xf32>,
      tpu.vector_store_idx %arg10[%get3A_283], %gather3A_284 {add = true} : memref<10112xf32, #tpu.memory_space<vmem>>[vector<16xi32>], vector<16xf32>,
      %gather3A_285 = tpu.vector_load_idx %arg7[%get3A_281] : memref<10112xf32, #tpu.memory_space<vmem>>[vector<16xi32>], vector<16xf32>,
      tpu.vector_store_idx %arg11[%get3A_283], %gather3A_285 {add = true} : memref<10112xf32, #tpu.memory_space<vmem>>[vector<16xi32>], vector<16xf32>,
      %gather3A_286 = tpu.vector_load_idx %arg8[%get3A_281] : memref<10112xf32, #tpu.memory_space<vmem>>[vector<16xi32>], vector<16xf32>,
      tpu.vector_store_idx %arg12[%get3A_283], %gather3A_286 {add = true} : memref<10112xf32, #tpu.memory_space<vmem>>[vector<16xi32>], vector<16xf32>,
      %gather3A_287 = tpu.vector_load_idx %arg9[%get3A_281] : memref<10112xf32, #tpu.memory_space<vmem>>[vector<16xi32>], vector<16xf32>,
      tpu.vector_store_idx %arg13[%get3A_283], %gather3A_287 {add = true} : memref<10112xf32, #tpu.memory_space<vmem>>[vector<16xi32>], vector<16xf32>,
      %get3A_288 = arith.constant 448 : index
      %get3A_289 = tpu.vector_load %arg14[%get3A_288] {strides = array<i32>} : memref<512xi32, #tpu.memory_space<vmem>>, vector<16xi32>,
      %get3A_290 = arith.constant 448 : index
      %get3A_291 = tpu.vector_load %arg15[%get3A_290] {strides = array<i32>} : memref<512xi32, #tpu.memory_space<vmem>>, vector<16xi32>,
      %gather3A_292 = tpu.vector_load_idx %arg6[%get3A_289] : memref<10112xf32, #tpu.memory_space<vmem>>[vector<16xi32>], vector<16xf32>,
      tpu.vector_store_idx %arg10[%get3A_291], %gather3A_292 {add = true} : memref<10112xf32, #tpu.memory_space<vmem>>[vector<16xi32>], vector<16xf32>,
      %gather3A_293 = tpu.vector_load_idx %arg7[%get3A_289] : memref<10112xf32, #tpu.memory_space<vmem>>[vector<16xi32>], vector<16xf32>,
      tpu.vector_store_idx %arg11[%get3A_291], %gather3A_293 {add = true} : memref<10112xf32, #tpu.memory_space<vmem>>[vector<16xi32>], vector<16xf32>,
      %gather3A_294 = tpu.vector_load_idx %arg8[%get3A_289] : memref<10112xf32, #tpu.memory_space<vmem>>[vector<16xi32>], vector<16xf32>,
      tpu.vector_store_idx %arg12[%get3A_291], %gather3A_294 {add = true} : memref<10112xf32, #tpu.memory_space<vmem>>[vector<16xi32>], vector<16xf32>,
      %gather3A_295 = tpu.vector_load_idx %arg9[%get3A_289] : memref<10112xf32, #tpu.memory_space<vmem>>[vector<16xi32>], vector<16xf32>,
      tpu.vector_store_idx %arg13[%get3A_291], %gather3A_295 {add = true} : memref<10112xf32, #tpu.memory_space<vmem>>[vector<16xi32>], vector<16xf32>,
      %get3A_296 = arith.constant 464 : index
      %get3A_297 = tpu.vector_load %arg14[%get3A_296] {strides = array<i32>} : memref<512xi32, #tpu.memory_space<vmem>>, vector<16xi32>,
      %get3A_298 = arith.constant 464 : index
      %get3A_299 = tpu.vector_load %arg15[%get3A_298] {strides = array<i32>} : memref<512xi32, #tpu.memory_space<vmem>>, vector<16xi32>,
      %gather3A_300 = tpu.vector_load_idx %arg6[%get3A_297] : memref<10112xf32, #tpu.memory_space<vmem>>[vector<16xi32>], vector<16xf32>,
      tpu.vector_store_idx %arg10[%get3A_299], %gather3A_300 {add = true} : memref<10112xf32, #tpu.memory_space<vmem>>[vector<16xi32>], vector<16xf32>,
      %gather3A_301 = tpu.vector_load_idx %arg7[%get3A_297] : memref<10112xf32, #tpu.memory_space<vmem>>[vector<16xi32>], vector<16xf32>,
      tpu.vector_store_idx %arg11[%get3A_299], %gather3A_301 {add = true} : memref<10112xf32, #tpu.memory_space<vmem>>[vector<16xi32>], vector<16xf32>,
      %gather3A_302 = tpu.vector_load_idx %arg8[%get3A_297] : memref<10112xf32, #tpu.memory_space<vmem>>[vector<16xi32>], vector<16xf32>,
      tpu.vector_store_idx %arg12[%get3A_299], %gather3A_302 {add = true} : memref<10112xf32, #tpu.memory_space<vmem>>[vector<16xi32>], vector<16xf32>,
      %gather3A_303 = tpu.vector_load_idx %arg9[%get3A_297] : memref<10112xf32, #tpu.memory_space<vmem>>[vector<16xi32>], vector<16xf32>,
      tpu.vector_store_idx %arg13[%get3A_299], %gather3A_303 {add = true} : memref<10112xf32, #tpu.memory_space<vmem>>[vector<16xi32>], vector<16xf32>,
      %get3A_304 = arith.constant 480 : index
      %get3A_305 = tpu.vector_load %arg14[%get3A_304] {strides = array<i32>} : memref<512xi32, #tpu.memory_space<vmem>>, vector<16xi32>,
      %get3A_306 = arith.constant 480 : index
      %get3A_307 = tpu.vector_load %arg15[%get3A_306] {strides = array<i32>} : memref<512xi32, #tpu.memory_space<vmem>>, vector<16xi32>,
      %gather3A_308 = tpu.vector_load_idx %arg6[%get3A_305] : memref<10112xf32, #tpu.memory_space<vmem>>[vector<16xi32>], vector<16xf32>,
      tpu.vector_store_idx %arg10[%get3A_307], %gather3A_308 {add = true} : memref<10112xf32, #tpu.memory_space<vmem>>[vector<16xi32>], vector<16xf32>,
      %gather3A_309 = tpu.vector_load_idx %arg7[%get3A_305] : memref<10112xf32, #tpu.memory_space<vmem>>[vector<16xi32>], vector<16xf32>,
      tpu.vector_store_idx %arg11[%get3A_307], %gather3A_309 {add = true} : memref<10112xf32, #tpu.memory_space<vmem>>[vector<16xi32>], vector<16xf32>,
      %gather3A_310 = tpu.vector_load_idx %arg8[%get3A_305] : memref<10112xf32, #tpu.memory_space<vmem>>[vector<16xi32>], vector<16xf32>,
      tpu.vector_store_idx %arg12[%get3A_307], %gather3A_310 {add = true} : memref<10112xf32, #tpu.memory_space<vmem>>[vector<16xi32>], vector<16xf32>,
      %gather3A_311 = tpu.vector_load_idx %arg9[%get3A_305] : memref<10112xf32, #tpu.memory_space<vmem>>[vector<16xi32>], vector<16xf32>,
      tpu.vector_store_idx %arg13[%get3A_307], %gather3A_311 {add = true} : memref<10112xf32, #tpu.memory_space<vmem>>[vector<16xi32>], vector<16xf32>,
      %get3A_312 = arith.constant 496 : index
      %get3A_313 = tpu.vector_load %arg14[%get3A_312] {strides = array<i32>} : memref<512xi32, #tpu.memory_space<vmem>>, vector<16xi32>,
      %get3A_314 = arith.constant 496 : index
      %get3A_315 = tpu.vector_load %arg15[%get3A_314] {strides = array<i32>} : memref<512xi32, #tpu.memory_space<vmem>>, vector<16xi32>,
      %gather3A_316 = tpu.vector_load_idx %arg6[%get3A_313] : memref<10112xf32, #tpu.memory_space<vmem>>[vector<16xi32>], vector<16xf32>,
      tpu.vector_store_idx %arg10[%get3A_315], %gather3A_316 {add = true} : memref<10112xf32, #tpu.memory_space<vmem>>[vector<16xi32>], vector<16xf32>,
      %gather3A_317 = tpu.vector_load_idx %arg7[%get3A_313] : memref<10112xf32, #tpu.memory_space<vmem>>[vector<16xi32>], vector<16xf32>,
      tpu.vector_store_idx %arg11[%get3A_315], %gather3A_317 {add = true} : memref<10112xf32, #tpu.memory_space<vmem>>[vector<16xi32>], vector<16xf32>,
      %gather3A_318 = tpu.vector_load_idx %arg8[%get3A_313] : memref<10112xf32, #tpu.memory_space<vmem>>[vector<16xi32>], vector<16xf32>,
      tpu.vector_store_idx %arg12[%get3A_315], %gather3A_318 {add = true} : memref<10112xf32, #tpu.memory_space<vmem>>[vector<16xi32>], vector<16xf32>,
      %gather3A_319 = tpu.vector_load_idx %arg9[%get3A_313] : memref<10112xf32, #tpu.memory_space<vmem>>[vector<16xi32>], vector<16xf32>,
      tpu.vector_store_idx %arg13[%get3A_315], %gather3A_319 {add = true} : memref<10112xf32, #tpu.memory_space<vmem>>[vector<16xi32>], vector<16xf32>,
    }
    %scan3A_46 = arith.constant 640 : i32
    %mul3A_47 = arith.constant 40448 : i32
    %mul3A_48 = arith.muli %add3A, %mul3A_47 : i32
    %add3A_49 = arith.constant 0 : i32
    %add3A_50 = arith.addi %mul3A_48, %add3A_49 : i32
    "tpu.region"() ({
      %run_scoped3A = tpu.sem_alloc : memref<!tpu.dma_semaphore, #tpu.memory_space<semaphore_mem>>
      %dma_start3A = tpu.memref_slice %arg5[%add3A_50] : memref<1294336xf32, #tpu.memory_space<hbm>> -> memref<10112xf32, #tpu.memory_space<hbm>>
      %dma_start3A_63 = tpu.memref_slice %arg5[%add3A_50] : memref<1294336xf32, #tpu.memory_space<hbm>> -> memref<10112xf32, #tpu.memory_space<hbm>>
      tpu.enqueue_dma source(%arg10 : memref<10112xf32, #tpu.memory_space<vmem>>) target(%dma_start3A_63 : memref<10112xf32, #tpu.memory_space<hbm>>) target_semaphore(%run_scoped3A : memref<!tpu.dma_semaphore, #tpu.memory_space<semaphore_mem>>)
      %dma_wait3A = tpu.memref_slice %arg5[%add3A_50] : memref<1294336xf32, #tpu.memory_space<hbm>> -> memref<10112xf32, #tpu.memory_space<hbm>>
      %dma_wait3A_64 = tpu.memref_slice %arg5[%add3A_50] : memref<1294336xf32, #tpu.memory_space<hbm>> -> memref<10112xf32, #tpu.memory_space<hbm>>
      tpu.wait_dma2 semaphore(%run_scoped3A : memref<!tpu.dma_semaphore, #tpu.memory_space<semaphore_mem>>) src(%arg10 : memref<10112xf32, #tpu.memory_space<vmem>>) dst(%dma_wait3A_64 : memref<10112xf32, #tpu.memory_space<hbm>>)
      tpu.yield
    }) : () -> ()
    %mul3A_51 = arith.constant 40448 : i32
    %mul3A_52 = arith.muli %add3A, %mul3A_51 : i32
    %add3A_53 = arith.constant 10112 : i32
    %add3A_54 = arith.addi %mul3A_52, %add3A_53 : i32
    "tpu.region"() ({
      %run_scoped3A = tpu.sem_alloc : memref<!tpu.dma_semaphore, #tpu.memory_space<semaphore_mem>>
      %dma_start3A = tpu.memref_slice %arg5[%add3A_54] : memref<1294336xf32, #tpu.memory_space<hbm>> -> memref<10112xf32, #tpu.memory_space<hbm>>
      %dma_start3A_63 = tpu.memref_slice %arg5[%add3A_54] : memref<1294336xf32, #tpu.memory_space<hbm>> -> memref<10112xf32, #tpu.memory_space<hbm>>
      tpu.enqueue_dma source(%arg11 : memref<10112xf32, #tpu.memory_space<vmem>>) target(%dma_start3A_63 : memref<10112xf32, #tpu.memory_space<hbm>>) target_semaphore(%run_scoped3A : memref<!tpu.dma_semaphore, #tpu.memory_space<semaphore_mem>>)
      %dma_wait3A = tpu.memref_slice %arg5[%add3A_54] : memref<1294336xf32, #tpu.memory_space<hbm>> -> memref<10112xf32, #tpu.memory_space<hbm>>
      %dma_wait3A_64 = tpu.memref_slice %arg5[%add3A_54] : memref<1294336xf32, #tpu.memory_space<hbm>> -> memref<10112xf32, #tpu.memory_space<hbm>>
      tpu.wait_dma2 semaphore(%run_scoped3A : memref<!tpu.dma_semaphore, #tpu.memory_space<semaphore_mem>>) src(%arg11 : memref<10112xf32, #tpu.memory_space<vmem>>) dst(%dma_wait3A_64 : memref<10112xf32, #tpu.memory_space<hbm>>)
      tpu.yield
    }) : () -> ()
    %mul3A_55 = arith.constant 40448 : i32
    %mul3A_56 = arith.muli %add3A, %mul3A_55 : i32
    %add3A_57 = arith.constant 20224 : i32
    %add3A_58 = arith.addi %mul3A_56, %add3A_57 : i32
    "tpu.region"() ({
      %run_scoped3A = tpu.sem_alloc : memref<!tpu.dma_semaphore, #tpu.memory_space<semaphore_mem>>
      %dma_start3A = tpu.memref_slice %arg5[%add3A_58] : memref<1294336xf32, #tpu.memory_space<hbm>> -> memref<10112xf32, #tpu.memory_space<hbm>>
      %dma_start3A_63 = tpu.memref_slice %arg5[%add3A_58] : memref<1294336xf32, #tpu.memory_space<hbm>> -> memref<10112xf32, #tpu.memory_space<hbm>>
      tpu.enqueue_dma source(%arg12 : memref<10112xf32, #tpu.memory_space<vmem>>) target(%dma_start3A_63 : memref<10112xf32, #tpu.memory_space<hbm>>) target_semaphore(%run_scoped3A : memref<!tpu.dma_semaphore, #tpu.memory_space<semaphore_mem>>)
      %dma_wait3A = tpu.memref_slice %arg5[%add3A_58] : memref<1294336xf32, #tpu.memory_space<hbm>> -> memref<10112xf32, #tpu.memory_space<hbm>>
      %dma_wait3A_64 = tpu.memref_slice %arg5[%add3A_58] : memref<1294336xf32, #tpu.memory_space<hbm>> -> memref<10112xf32, #tpu.memory_space<hbm>>
      tpu.wait_dma2 semaphore(%run_scoped3A : memref<!tpu.dma_semaphore, #tpu.memory_space<semaphore_mem>>) src(%arg12 : memref<10112xf32, #tpu.memory_space<vmem>>) dst(%dma_wait3A_64 : memref<10112xf32, #tpu.memory_space<hbm>>)
      tpu.yield
    }) : () -> ()
    %mul3A_59 = arith.constant 40448 : i32
    %mul3A_60 = arith.muli %add3A, %mul3A_59 : i32
    %add3A_61 = arith.constant 30336 : i32
    %add3A_62 = arith.addi %mul3A_60, %add3A_61 : i32
    "tpu.region"() ({
      %run_scoped3A = tpu.sem_alloc : memref<!tpu.dma_semaphore, #tpu.memory_space<semaphore_mem>>
      %dma_start3A = tpu.memref_slice %arg5[%add3A_62] : memref<1294336xf32, #tpu.memory_space<hbm>> -> memref<10112xf32, #tpu.memory_space<hbm>>
      %dma_start3A_63 = tpu.memref_slice %arg5[%add3A_62] : memref<1294336xf32, #tpu.memory_space<hbm>> -> memref<10112xf32, #tpu.memory_space<hbm>>
      tpu.enqueue_dma source(%arg13 : memref<10112xf32, #tpu.memory_space<vmem>>) target(%dma_start3A_63 : memref<10112xf32, #tpu.memory_space<hbm>>) target_semaphore(%run_scoped3A : memref<!tpu.dma_semaphore, #tpu.memory_space<semaphore_mem>>)
      %dma_wait3A = tpu.memref_slice %arg5[%add3A_62] : memref<1294336xf32, #tpu.memory_space<hbm>> -> memref<10112xf32, #tpu.memory_space<hbm>>
      %dma_wait3A_64 = tpu.memref_slice %arg5[%add3A_62] : memref<1294336xf32, #tpu.memory_space<hbm>> -> memref<10112xf32, #tpu.memory_space<hbm>>
      tpu.wait_dma2 semaphore(%run_scoped3A : memref<!tpu.dma_semaphore, #tpu.memory_space<semaphore_mem>>) src(%arg13 : memref<10112xf32, #tpu.memory_space<vmem>>) dst(%dma_wait3A_64 : memref<10112xf32, #tpu.memory_space<hbm>>)
      tpu.yield
    }) : () -> ()
    return
  }
}

#map = affine_map<(d0, d1) -> (0)>
module attributes {stable_mosaic.version = 14 : i64} {
  func.func @_agg1_body(%arg0: i32, %arg1: i32, %arg2: memref<1294336xf32, #tpu.memory_space<hbm>>, %arg3: memref<327680xi32, #tpu.memory_space<hbm>>, %arg4: memref<327680xi32, #tpu.memory_space<hbm>>, %arg5: memref<1294336xf32, #tpu.memory_space<hbm>>, %arg6: memref<161792xf32, #tpu.memory_space<hbm>>, %arg7: memref<10112xf32, #tpu.memory_space<vmem>>, %arg8: memref<10112xf32, #tpu.memory_space<vmem>>, %arg9: memref<10112xf32, #tpu.memory_space<vmem>>, %arg10: memref<10112xf32, #tpu.memory_space<vmem>>, %arg11: memref<10112xf32, #tpu.memory_space<vmem>>, %arg12: memref<10112xf32, #tpu.memory_space<vmem>>, %arg13: memref<10112xf32, #tpu.memory_space<vmem>>, %arg14: memref<10112xf32, #tpu.memory_space<vmem>>, %arg15: memref<10112xf32, #tpu.memory_space<vmem>>, %arg16: memref<512xi32, #tpu.memory_space<vmem>>, %arg17: memref<512xi32, #tpu.memory_space<vmem>>) attributes {dimension_semantics = [#tpu.dimension_semantics<core_parallel>, #tpu.dimension_semantics<subcore_parallel>], iteration_bounds = array<i64: 2, 16>, scalar_prefetch = 0 : i64, scratch_operands = 11 : i64, tpu.core_type = #tpu.core_type<sc_vector_subcore>, window_params = [{transform_indices = #map}, {transform_indices = #map}, {transform_indices = #map}, {transform_indices = #map}, {transform_indices = #map}]} {
    %mul3A = arith.constant 16 : i32
    %mul3A_0 = arith.muli %arg0, %mul3A : i32
    %add3A = arith.addi %mul3A_0, %arg1 : i32
    %mul3A_1 = arith.constant 40448 : i32
    %mul3A_2 = arith.muli %add3A, %mul3A_1 : i32
    %add3A_3 = arith.constant 0 : i32
    %add3A_4 = arith.addi %mul3A_2, %add3A_3 : i32
    "tpu.region"() ({
      %run_scoped3A = tpu.sem_alloc : memref<!tpu.dma_semaphore, #tpu.memory_space<semaphore_mem>>
      %dma_start3A = tpu.memref_slice %arg2[%add3A_4] : memref<1294336xf32, #tpu.memory_space<hbm>> -> memref<10112xf32, #tpu.memory_space<hbm>>
      %dma_start3A_70 = tpu.memref_slice %arg2[%add3A_4] : memref<1294336xf32, #tpu.memory_space<hbm>> -> memref<10112xf32, #tpu.memory_space<hbm>>
      tpu.enqueue_dma source(%dma_start3A_70 : memref<10112xf32, #tpu.memory_space<hbm>>) target(%arg7 : memref<10112xf32, #tpu.memory_space<vmem>>) target_semaphore(%run_scoped3A : memref<!tpu.dma_semaphore, #tpu.memory_space<semaphore_mem>>)
      %dma_wait3A = tpu.memref_slice %arg2[%add3A_4] : memref<1294336xf32, #tpu.memory_space<hbm>> -> memref<10112xf32, #tpu.memory_space<hbm>>
      %dma_wait3A_71 = tpu.memref_slice %arg2[%add3A_4] : memref<1294336xf32, #tpu.memory_space<hbm>> -> memref<10112xf32, #tpu.memory_space<hbm>>
      tpu.wait_dma2 semaphore(%run_scoped3A : memref<!tpu.dma_semaphore, #tpu.memory_space<semaphore_mem>>) src(%dma_wait3A_71 : memref<10112xf32, #tpu.memory_space<hbm>>) dst(%arg7 : memref<10112xf32, #tpu.memory_space<vmem>>)
      tpu.yield
    }) : () -> ()
    %scan3A = arith.constant 0 : i32
    %scan3A_5 = arith.constant 0 : i32
    %scan3A_6 = arith.constant 632 : i32
    %scan3A_7 = arith.addi %scan3A_5, %scan3A_6 : i32
    %scan3A_8 = arith.constant 1 : i32
    scf.for %scan3A_70 = %scan3A_5 to %scan3A_7 step %scan3A_8  : i32 {
      %broadcast_in_dim3A_71 = arith.constant 0.000000e+00 : f32
      %broadcast_in_dim3A_72 = vector.broadcast %broadcast_in_dim3A_71 : f32 to vector<16xf32>
      %mul3A_73 = arith.constant 16 : i32
      %mul3A_74 = arith.muli %scan3A_70, %mul3A_73 : i32
      %swap3A = arith.index_cast %mul3A_74 : i32 to index
      %swap3A_75 = tpu.vector_load %arg11[%swap3A] {strides = array<i32>} : memref<10112xf32, #tpu.memory_space<vmem>>, vector<16xf32>,
      tpu.vector_store %arg11[%swap3A], %broadcast_in_dim3A_72 {strides = array<i32>} : memref<10112xf32, #tpu.memory_space<vmem>>, vector<16xf32>,
    }
    %scan3A_9 = arith.constant 632 : i32
    %mul3A_10 = arith.constant 40448 : i32
    %mul3A_11 = arith.muli %add3A, %mul3A_10 : i32
    %add3A_12 = arith.constant 10112 : i32
    %add3A_13 = arith.addi %mul3A_11, %add3A_12 : i32
    "tpu.region"() ({
      %run_scoped3A = tpu.sem_alloc : memref<!tpu.dma_semaphore, #tpu.memory_space<semaphore_mem>>
      %dma_start3A = tpu.memref_slice %arg2[%add3A_13] : memref<1294336xf32, #tpu.memory_space<hbm>> -> memref<10112xf32, #tpu.memory_space<hbm>>
      %dma_start3A_70 = tpu.memref_slice %arg2[%add3A_13] : memref<1294336xf32, #tpu.memory_space<hbm>> -> memref<10112xf32, #tpu.memory_space<hbm>>
      tpu.enqueue_dma source(%dma_start3A_70 : memref<10112xf32, #tpu.memory_space<hbm>>) target(%arg8 : memref<10112xf32, #tpu.memory_space<vmem>>) target_semaphore(%run_scoped3A : memref<!tpu.dma_semaphore, #tpu.memory_space<semaphore_mem>>)
      %dma_wait3A = tpu.memref_slice %arg2[%add3A_13] : memref<1294336xf32, #tpu.memory_space<hbm>> -> memref<10112xf32, #tpu.memory_space<hbm>>
      %dma_wait3A_71 = tpu.memref_slice %arg2[%add3A_13] : memref<1294336xf32, #tpu.memory_space<hbm>> -> memref<10112xf32, #tpu.memory_space<hbm>>
      tpu.wait_dma2 semaphore(%run_scoped3A : memref<!tpu.dma_semaphore, #tpu.memory_space<semaphore_mem>>) src(%dma_wait3A_71 : memref<10112xf32, #tpu.memory_space<hbm>>) dst(%arg8 : memref<10112xf32, #tpu.memory_space<vmem>>)
      tpu.yield
    }) : () -> ()
    %scan3A_14 = arith.constant 0 : i32
    %scan3A_15 = arith.constant 0 : i32
    %scan3A_16 = arith.constant 632 : i32
    %scan3A_17 = arith.addi %scan3A_15, %scan3A_16 : i32
    %scan3A_18 = arith.constant 1 : i32
    scf.for %scan3A_70 = %scan3A_15 to %scan3A_17 step %scan3A_18  : i32 {
      %broadcast_in_dim3A_71 = arith.constant 0.000000e+00 : f32
      %broadcast_in_dim3A_72 = vector.broadcast %broadcast_in_dim3A_71 : f32 to vector<16xf32>
      %mul3A_73 = arith.constant 16 : i32
      %mul3A_74 = arith.muli %scan3A_70, %mul3A_73 : i32
      %swap3A = arith.index_cast %mul3A_74 : i32 to index
      %swap3A_75 = tpu.vector_load %arg12[%swap3A] {strides = array<i32>} : memref<10112xf32, #tpu.memory_space<vmem>>, vector<16xf32>,
      tpu.vector_store %arg12[%swap3A], %broadcast_in_dim3A_72 {strides = array<i32>} : memref<10112xf32, #tpu.memory_space<vmem>>, vector<16xf32>,
    }
    %scan3A_19 = arith.constant 632 : i32
    %mul3A_20 = arith.constant 40448 : i32
    %mul3A_21 = arith.muli %add3A, %mul3A_20 : i32
    %add3A_22 = arith.constant 20224 : i32
    %add3A_23 = arith.addi %mul3A_21, %add3A_22 : i32
    "tpu.region"() ({
      %run_scoped3A = tpu.sem_alloc : memref<!tpu.dma_semaphore, #tpu.memory_space<semaphore_mem>>
      %dma_start3A = tpu.memref_slice %arg2[%add3A_23] : memref<1294336xf32, #tpu.memory_space<hbm>> -> memref<10112xf32, #tpu.memory_space<hbm>>
      %dma_start3A_70 = tpu.memref_slice %arg2[%add3A_23] : memref<1294336xf32, #tpu.memory_space<hbm>> -> memref<10112xf32, #tpu.memory_space<hbm>>
      tpu.enqueue_dma source(%dma_start3A_70 : memref<10112xf32, #tpu.memory_space<hbm>>) target(%arg9 : memref<10112xf32, #tpu.memory_space<vmem>>) target_semaphore(%run_scoped3A : memref<!tpu.dma_semaphore, #tpu.memory_space<semaphore_mem>>)
      %dma_wait3A = tpu.memref_slice %arg2[%add3A_23] : memref<1294336xf32, #tpu.memory_space<hbm>> -> memref<10112xf32, #tpu.memory_space<hbm>>
      %dma_wait3A_71 = tpu.memref_slice %arg2[%add3A_23] : memref<1294336xf32, #tpu.memory_space<hbm>> -> memref<10112xf32, #tpu.memory_space<hbm>>
      tpu.wait_dma2 semaphore(%run_scoped3A : memref<!tpu.dma_semaphore, #tpu.memory_space<semaphore_mem>>) src(%dma_wait3A_71 : memref<10112xf32, #tpu.memory_space<hbm>>) dst(%arg9 : memref<10112xf32, #tpu.memory_space<vmem>>)
      tpu.yield
    }) : () -> ()
    %scan3A_24 = arith.constant 0 : i32
    %scan3A_25 = arith.constant 0 : i32
    %scan3A_26 = arith.constant 632 : i32
    %scan3A_27 = arith.addi %scan3A_25, %scan3A_26 : i32
    %scan3A_28 = arith.constant 1 : i32
    scf.for %scan3A_70 = %scan3A_25 to %scan3A_27 step %scan3A_28  : i32 {
      %broadcast_in_dim3A_71 = arith.constant 0.000000e+00 : f32
      %broadcast_in_dim3A_72 = vector.broadcast %broadcast_in_dim3A_71 : f32 to vector<16xf32>
      %mul3A_73 = arith.constant 16 : i32
      %mul3A_74 = arith.muli %scan3A_70, %mul3A_73 : i32
      %swap3A = arith.index_cast %mul3A_74 : i32 to index
      %swap3A_75 = tpu.vector_load %arg13[%swap3A] {strides = array<i32>} : memref<10112xf32, #tpu.memory_space<vmem>>, vector<16xf32>,
      tpu.vector_store %arg13[%swap3A], %broadcast_in_dim3A_72 {strides = array<i32>} : memref<10112xf32, #tpu.memory_space<vmem>>, vector<16xf32>,
    }
    %scan3A_29 = arith.constant 632 : i32
    %mul3A_30 = arith.constant 40448 : i32
    %mul3A_31 = arith.muli %add3A, %mul3A_30 : i32
    %add3A_32 = arith.constant 30336 : i32
    %add3A_33 = arith.addi %mul3A_31, %add3A_32 : i32
    "tpu.region"() ({
      %run_scoped3A = tpu.sem_alloc : memref<!tpu.dma_semaphore, #tpu.memory_space<semaphore_mem>>
      %dma_start3A = tpu.memref_slice %arg2[%add3A_33] : memref<1294336xf32, #tpu.memory_space<hbm>> -> memref<10112xf32, #tpu.memory_space<hbm>>
      %dma_start3A_70 = tpu.memref_slice %arg2[%add3A_33] : memref<1294336xf32, #tpu.memory_space<hbm>> -> memref<10112xf32, #tpu.memory_space<hbm>>
      tpu.enqueue_dma source(%dma_start3A_70 : memref<10112xf32, #tpu.memory_space<hbm>>) target(%arg10 : memref<10112xf32, #tpu.memory_space<vmem>>) target_semaphore(%run_scoped3A : memref<!tpu.dma_semaphore, #tpu.memory_space<semaphore_mem>>)
      %dma_wait3A = tpu.memref_slice %arg2[%add3A_33] : memref<1294336xf32, #tpu.memory_space<hbm>> -> memref<10112xf32, #tpu.memory_space<hbm>>
      %dma_wait3A_71 = tpu.memref_slice %arg2[%add3A_33] : memref<1294336xf32, #tpu.memory_space<hbm>> -> memref<10112xf32, #tpu.memory_space<hbm>>
      tpu.wait_dma2 semaphore(%run_scoped3A : memref<!tpu.dma_semaphore, #tpu.memory_space<semaphore_mem>>) src(%dma_wait3A_71 : memref<10112xf32, #tpu.memory_space<hbm>>) dst(%arg10 : memref<10112xf32, #tpu.memory_space<vmem>>)
      tpu.yield
    }) : () -> ()
    %scan3A_34 = arith.constant 0 : i32
    %scan3A_35 = arith.constant 0 : i32
    %scan3A_36 = arith.constant 632 : i32
    %scan3A_37 = arith.addi %scan3A_35, %scan3A_36 : i32
    %scan3A_38 = arith.constant 1 : i32
    scf.for %scan3A_70 = %scan3A_35 to %scan3A_37 step %scan3A_38  : i32 {
      %broadcast_in_dim3A_71 = arith.constant 0.000000e+00 : f32
      %broadcast_in_dim3A_72 = vector.broadcast %broadcast_in_dim3A_71 : f32 to vector<16xf32>
      %mul3A_73 = arith.constant 16 : i32
      %mul3A_74 = arith.muli %scan3A_70, %mul3A_73 : i32
      %swap3A = arith.index_cast %mul3A_74 : i32 to index
      %swap3A_75 = tpu.vector_load %arg14[%swap3A] {strides = array<i32>} : memref<10112xf32, #tpu.memory_space<vmem>>, vector<16xf32>,
      tpu.vector_store %arg14[%swap3A], %broadcast_in_dim3A_72 {strides = array<i32>} : memref<10112xf32, #tpu.memory_space<vmem>>, vector<16xf32>,
    }
    %scan3A_39 = arith.constant 632 : i32
    %broadcast_in_dim3A = arith.constant 1.000000e+00 : f32
    %broadcast_in_dim3A_40 = vector.broadcast %broadcast_in_dim3A : f32 to vector<16xf32>
    %eq3A = arith.constant 0 : i32
    %eq3A_41 = arith.cmpi eq, %arg0, %eq3A : i32
    %convert_element_type3A = arith.extui %eq3A_41 : i1 to i32
    %cond3A = arith.constant 0 : i32
    %cond3A_42 = arith.cmpi ne, %convert_element_type3A, %cond3A : i32
    scf.if %cond3A_42 {
      %scan3A_70 = arith.constant 0 : i32
      %scan3A_71 = arith.constant 0 : i32
      %scan3A_72 = arith.constant 632 : i32
      %scan3A_73 = arith.addi %scan3A_71, %scan3A_72 : i32
      %scan3A_74 = arith.constant 1 : i32
      scf.for %scan3A_76 = %scan3A_71 to %scan3A_73 step %scan3A_74  : i32 {
        %broadcast_in_dim3A_77 = arith.constant 0.000000e+00 : f32
        %broadcast_in_dim3A_78 = vector.broadcast %broadcast_in_dim3A_77 : f32 to vector<16xf32>
        %mul3A_79 = arith.constant 16 : i32
        %mul3A_80 = arith.muli %scan3A_76, %mul3A_79 : i32
        %swap3A = arith.index_cast %mul3A_80 : i32 to index
        %swap3A_81 = tpu.vector_load %arg15[%swap3A] {strides = array<i32>} : memref<10112xf32, #tpu.memory_space<vmem>>, vector<16xf32>,
        tpu.vector_store %arg15[%swap3A], %broadcast_in_dim3A_78 {strides = array<i32>} : memref<10112xf32, #tpu.memory_space<vmem>>, vector<16xf32>,
      }
      %scan3A_75 = arith.constant 632 : i32
    } else {
    }
    %scan3A_43 = arith.constant 0 : i32
    %scan3A_44 = arith.constant 0 : i32
    %scan3A_45 = arith.constant 640 : i32
    %scan3A_46 = arith.addi %scan3A_44, %scan3A_45 : i32
    %scan3A_47 = arith.constant 1 : i32
    scf.for %scan3A_70 = %scan3A_44 to %scan3A_46 step %scan3A_47  : i32 {
      %mul3A_71 = arith.constant 512 : i32
      %mul3A_72 = arith.muli %scan3A_70, %mul3A_71 : i32
      "tpu.region"() ({
        %run_scoped3A = tpu.sem_alloc : memref<!tpu.dma_semaphore, #tpu.memory_space<semaphore_mem>>
        %dma_start3A = tpu.memref_slice %arg3[%mul3A_72] : memref<327680xi32, #tpu.memory_space<hbm>> -> memref<512xi32, #tpu.memory_space<hbm>>
        %dma_start3A_993 = tpu.memref_slice %arg3[%mul3A_72] : memref<327680xi32, #tpu.memory_space<hbm>> -> memref<512xi32, #tpu.memory_space<hbm>>
        tpu.enqueue_dma source(%dma_start3A_993 : memref<512xi32, #tpu.memory_space<hbm>>) target(%arg16 : memref<512xi32, #tpu.memory_space<vmem>>) target_semaphore(%run_scoped3A : memref<!tpu.dma_semaphore, #tpu.memory_space<semaphore_mem>>)
        %dma_wait3A = tpu.memref_slice %arg3[%mul3A_72] : memref<327680xi32, #tpu.memory_space<hbm>> -> memref<512xi32, #tpu.memory_space<hbm>>
        %dma_wait3A_994 = tpu.memref_slice %arg3[%mul3A_72] : memref<327680xi32, #tpu.memory_space<hbm>> -> memref<512xi32, #tpu.memory_space<hbm>>
        tpu.wait_dma2 semaphore(%run_scoped3A : memref<!tpu.dma_semaphore, #tpu.memory_space<semaphore_mem>>) src(%dma_wait3A_994 : memref<512xi32, #tpu.memory_space<hbm>>) dst(%arg16 : memref<512xi32, #tpu.memory_space<vmem>>)
        tpu.yield
      }) : () -> ()
      "tpu.region"() ({
        %run_scoped3A = tpu.sem_alloc : memref<!tpu.dma_semaphore, #tpu.memory_space<semaphore_mem>>
        %dma_start3A = tpu.memref_slice %arg4[%mul3A_72] : memref<327680xi32, #tpu.memory_space<hbm>> -> memref<512xi32, #tpu.memory_space<hbm>>
        %dma_start3A_993 = tpu.memref_slice %arg4[%mul3A_72] : memref<327680xi32, #tpu.memory_space<hbm>> -> memref<512xi32, #tpu.memory_space<hbm>>
        tpu.enqueue_dma source(%dma_start3A_993 : memref<512xi32, #tpu.memory_space<hbm>>) target(%arg17 : memref<512xi32, #tpu.memory_space<vmem>>) target_semaphore(%run_scoped3A : memref<!tpu.dma_semaphore, #tpu.memory_space<semaphore_mem>>)
        %dma_wait3A = tpu.memref_slice %arg4[%mul3A_72] : memref<327680xi32, #tpu.memory_space<hbm>> -> memref<512xi32, #tpu.memory_space<hbm>>
        %dma_wait3A_994 = tpu.memref_slice %arg4[%mul3A_72] : memref<327680xi32, #tpu.memory_space<hbm>> -> memref<512xi32, #tpu.memory_space<hbm>>
        tpu.wait_dma2 semaphore(%run_scoped3A : memref<!tpu.dma_semaphore, #tpu.memory_space<semaphore_mem>>) src(%dma_wait3A_994 : memref<512xi32, #tpu.memory_space<hbm>>) dst(%arg17 : memref<512xi32, #tpu.memory_space<vmem>>)
        tpu.yield
      }) : () -> ()
      %get3A = arith.constant 0 : index
      %get3A_73 = tpu.vector_load %arg16[%get3A] {strides = array<i32>} : memref<512xi32, #tpu.memory_space<vmem>>, vector<16xi32>,
      %get3A_74 = arith.constant 0 : index
      %get3A_75 = tpu.vector_load %arg17[%get3A_74] {strides = array<i32>} : memref<512xi32, #tpu.memory_space<vmem>>, vector<16xi32>,
      %gather3A = tpu.vector_load_idx %arg7[%get3A_73] : memref<10112xf32, #tpu.memory_space<vmem>>[vector<16xi32>], vector<16xf32>,
      tpu.vector_store_idx %arg11[%get3A_75], %gather3A {add = true} : memref<10112xf32, #tpu.memory_space<vmem>>[vector<16xi32>], vector<16xf32>,
      %gather3A_76 = tpu.vector_load_idx %arg8[%get3A_73] : memref<10112xf32, #tpu.memory_space<vmem>>[vector<16xi32>], vector<16xf32>,
      tpu.vector_store_idx %arg12[%get3A_75], %gather3A_76 {add = true} : memref<10112xf32, #tpu.memory_space<vmem>>[vector<16xi32>], vector<16xf32>,
      %gather3A_77 = tpu.vector_load_idx %arg9[%get3A_73] : memref<10112xf32, #tpu.memory_space<vmem>>[vector<16xi32>], vector<16xf32>,
      tpu.vector_store_idx %arg13[%get3A_75], %gather3A_77 {add = true} : memref<10112xf32, #tpu.memory_space<vmem>>[vector<16xi32>], vector<16xf32>,
      %gather3A_78 = tpu.vector_load_idx %arg10[%get3A_73] : memref<10112xf32, #tpu.memory_space<vmem>>[vector<16xi32>], vector<16xf32>,
      tpu.vector_store_idx %arg14[%get3A_75], %gather3A_78 {add = true} : memref<10112xf32, #tpu.memory_space<vmem>>[vector<16xi32>], vector<16xf32>,
      %jit3A = arith.constant 16 : i32
      %eq3A_79 = arith.constant 0 : i32
      %eq3A_80 = arith.cmpi eq, %jit3A, %eq3A_79 : i32
      %jit3A_81 = arith.constant 1 : i32
      %select_n3A = arith.select %eq3A_80, %jit3A_81, %jit3A : i32
      %rem3A = arith.remsi %scan3A_70, %select_n3A : i32
      %ne3A = arith.constant 0 : i32
      %ne3A_82 = arith.cmpi ne, %rem3A, %ne3A : i32
      %lt3A = arith.constant 0 : i32
      %lt3A_83 = arith.cmpi slt, %rem3A, %lt3A : i32
      %lt3A_84 = arith.constant 0 : i32
      %lt3A_85 = arith.cmpi slt, %select_n3A, %lt3A_84 : i32
      %ne3A_86 = arith.xori %lt3A_83, %lt3A_85 : i1
      %and3A = arith.andi %ne3A_86, %ne3A_82 : i1
      %add3A_87 = arith.addi %rem3A, %select_n3A : i32
      %select_n3A_88 = arith.select %and3A, %add3A_87, %rem3A : i32
      %eq3A_89 = arith.cmpi eq, %select_n3A_88, %arg1 : i32
      %eq3A_90 = arith.constant 0 : i32
      %eq3A_91 = arith.cmpi eq, %arg0, %eq3A_90 : i32
      %and3A_92 = arith.andi %eq3A_89, %eq3A_91 : i1
      %broadcast_in_dim3A_93 = vector.broadcast %and3A_92 : i1 to vector<16xi1>
      tpu.vector_store_idx %arg15[%get3A_75], %broadcast_in_dim3A_40 masked %broadcast_in_dim3A_93 {add = true} : memref<10112xf32, #tpu.memory_space<vmem>>[vector<16xi32>], vector<16xf32>, vector<16xi1>
      %get3A_94 = arith.constant 16 : index
      %get3A_95 = tpu.vector_load %arg16[%get3A_94] {strides = array<i32>} : memref<512xi32, #tpu.memory_space<vmem>>, vector<16xi32>,
      %get3A_96 = arith.constant 16 : index
      %get3A_97 = tpu.vector_load %arg17[%get3A_96] {strides = array<i32>} : memref<512xi32, #tpu.memory_space<vmem>>, vector<16xi32>,
      %gather3A_98 = tpu.vector_load_idx %arg7[%get3A_95] : memref<10112xf32, #tpu.memory_space<vmem>>[vector<16xi32>], vector<16xf32>,
      tpu.vector_store_idx %arg11[%get3A_97], %gather3A_98 {add = true} : memref<10112xf32, #tpu.memory_space<vmem>>[vector<16xi32>], vector<16xf32>,
      %gather3A_99 = tpu.vector_load_idx %arg8[%get3A_95] : memref<10112xf32, #tpu.memory_space<vmem>>[vector<16xi32>], vector<16xf32>,
      tpu.vector_store_idx %arg12[%get3A_97], %gather3A_99 {add = true} : memref<10112xf32, #tpu.memory_space<vmem>>[vector<16xi32>], vector<16xf32>,
      %gather3A_100 = tpu.vector_load_idx %arg9[%get3A_95] : memref<10112xf32, #tpu.memory_space<vmem>>[vector<16xi32>], vector<16xf32>,
      tpu.vector_store_idx %arg13[%get3A_97], %gather3A_100 {add = true} : memref<10112xf32, #tpu.memory_space<vmem>>[vector<16xi32>], vector<16xf32>,
      %gather3A_101 = tpu.vector_load_idx %arg10[%get3A_95] : memref<10112xf32, #tpu.memory_space<vmem>>[vector<16xi32>], vector<16xf32>,
      tpu.vector_store_idx %arg14[%get3A_97], %gather3A_101 {add = true} : memref<10112xf32, #tpu.memory_space<vmem>>[vector<16xi32>], vector<16xf32>,
      %jit3A_102 = arith.constant 16 : i32
      %eq3A_103 = arith.constant 0 : i32
      %eq3A_104 = arith.cmpi eq, %jit3A_102, %eq3A_103 : i32
      %jit3A_105 = arith.constant 1 : i32
      %select_n3A_106 = arith.select %eq3A_104, %jit3A_105, %jit3A_102 : i32
      %rem3A_107 = arith.remsi %scan3A_70, %select_n3A_106 : i32
      %ne3A_108 = arith.constant 0 : i32
      %ne3A_109 = arith.cmpi ne, %rem3A_107, %ne3A_108 : i32
      %lt3A_110 = arith.constant 0 : i32
      %lt3A_111 = arith.cmpi slt, %rem3A_107, %lt3A_110 : i32
      %lt3A_112 = arith.constant 0 : i32
      %lt3A_113 = arith.cmpi slt, %select_n3A_106, %lt3A_112 : i32
      %ne3A_114 = arith.xori %lt3A_111, %lt3A_113 : i1
      %and3A_115 = arith.andi %ne3A_114, %ne3A_109 : i1
      %add3A_116 = arith.addi %rem3A_107, %select_n3A_106 : i32
      %select_n3A_117 = arith.select %and3A_115, %add3A_116, %rem3A_107 : i32
      %eq3A_118 = arith.cmpi eq, %select_n3A_117, %arg1 : i32
      %eq3A_119 = arith.constant 0 : i32
      %eq3A_120 = arith.cmpi eq, %arg0, %eq3A_119 : i32
      %and3A_121 = arith.andi %eq3A_118, %eq3A_120 : i1
      %broadcast_in_dim3A_122 = vector.broadcast %and3A_121 : i1 to vector<16xi1>
      tpu.vector_store_idx %arg15[%get3A_97], %broadcast_in_dim3A_40 masked %broadcast_in_dim3A_122 {add = true} : memref<10112xf32, #tpu.memory_space<vmem>>[vector<16xi32>], vector<16xf32>, vector<16xi1>
      %get3A_123 = arith.constant 32 : index
      %get3A_124 = tpu.vector_load %arg16[%get3A_123] {strides = array<i32>} : memref<512xi32, #tpu.memory_space<vmem>>, vector<16xi32>,
      %get3A_125 = arith.constant 32 : index
      %get3A_126 = tpu.vector_load %arg17[%get3A_125] {strides = array<i32>} : memref<512xi32, #tpu.memory_space<vmem>>, vector<16xi32>,
      %gather3A_127 = tpu.vector_load_idx %arg7[%get3A_124] : memref<10112xf32, #tpu.memory_space<vmem>>[vector<16xi32>], vector<16xf32>,
      tpu.vector_store_idx %arg11[%get3A_126], %gather3A_127 {add = true} : memref<10112xf32, #tpu.memory_space<vmem>>[vector<16xi32>], vector<16xf32>,
      %gather3A_128 = tpu.vector_load_idx %arg8[%get3A_124] : memref<10112xf32, #tpu.memory_space<vmem>>[vector<16xi32>], vector<16xf32>,
      tpu.vector_store_idx %arg12[%get3A_126], %gather3A_128 {add = true} : memref<10112xf32, #tpu.memory_space<vmem>>[vector<16xi32>], vector<16xf32>,
      %gather3A_129 = tpu.vector_load_idx %arg9[%get3A_124] : memref<10112xf32, #tpu.memory_space<vmem>>[vector<16xi32>], vector<16xf32>,
      tpu.vector_store_idx %arg13[%get3A_126], %gather3A_129 {add = true} : memref<10112xf32, #tpu.memory_space<vmem>>[vector<16xi32>], vector<16xf32>,
      %gather3A_130 = tpu.vector_load_idx %arg10[%get3A_124] : memref<10112xf32, #tpu.memory_space<vmem>>[vector<16xi32>], vector<16xf32>,
      tpu.vector_store_idx %arg14[%get3A_126], %gather3A_130 {add = true} : memref<10112xf32, #tpu.memory_space<vmem>>[vector<16xi32>], vector<16xf32>,
      %jit3A_131 = arith.constant 16 : i32
      %eq3A_132 = arith.constant 0 : i32
      %eq3A_133 = arith.cmpi eq, %jit3A_131, %eq3A_132 : i32
      %jit3A_134 = arith.constant 1 : i32
      %select_n3A_135 = arith.select %eq3A_133, %jit3A_134, %jit3A_131 : i32
      %rem3A_136 = arith.remsi %scan3A_70, %select_n3A_135 : i32
      %ne3A_137 = arith.constant 0 : i32
      %ne3A_138 = arith.cmpi ne, %rem3A_136, %ne3A_137 : i32
      %lt3A_139 = arith.constant 0 : i32
      %lt3A_140 = arith.cmpi slt, %rem3A_136, %lt3A_139 : i32
      %lt3A_141 = arith.constant 0 : i32
      %lt3A_142 = arith.cmpi slt, %select_n3A_135, %lt3A_141 : i32
      %ne3A_143 = arith.xori %lt3A_140, %lt3A_142 : i1
      %and3A_144 = arith.andi %ne3A_143, %ne3A_138 : i1
      %add3A_145 = arith.addi %rem3A_136, %select_n3A_135 : i32
      %select_n3A_146 = arith.select %and3A_144, %add3A_145, %rem3A_136 : i32
      %eq3A_147 = arith.cmpi eq, %select_n3A_146, %arg1 : i32
      %eq3A_148 = arith.constant 0 : i32
      %eq3A_149 = arith.cmpi eq, %arg0, %eq3A_148 : i32
      %and3A_150 = arith.andi %eq3A_147, %eq3A_149 : i1
      %broadcast_in_dim3A_151 = vector.broadcast %and3A_150 : i1 to vector<16xi1>
      tpu.vector_store_idx %arg15[%get3A_126], %broadcast_in_dim3A_40 masked %broadcast_in_dim3A_151 {add = true} : memref<10112xf32, #tpu.memory_space<vmem>>[vector<16xi32>], vector<16xf32>, vector<16xi1>
      %get3A_152 = arith.constant 48 : index
      %get3A_153 = tpu.vector_load %arg16[%get3A_152] {strides = array<i32>} : memref<512xi32, #tpu.memory_space<vmem>>, vector<16xi32>,
      %get3A_154 = arith.constant 48 : index
      %get3A_155 = tpu.vector_load %arg17[%get3A_154] {strides = array<i32>} : memref<512xi32, #tpu.memory_space<vmem>>, vector<16xi32>,
      %gather3A_156 = tpu.vector_load_idx %arg7[%get3A_153] : memref<10112xf32, #tpu.memory_space<vmem>>[vector<16xi32>], vector<16xf32>,
      tpu.vector_store_idx %arg11[%get3A_155], %gather3A_156 {add = true} : memref<10112xf32, #tpu.memory_space<vmem>>[vector<16xi32>], vector<16xf32>,
      %gather3A_157 = tpu.vector_load_idx %arg8[%get3A_153] : memref<10112xf32, #tpu.memory_space<vmem>>[vector<16xi32>], vector<16xf32>,
      tpu.vector_store_idx %arg12[%get3A_155], %gather3A_157 {add = true} : memref<10112xf32, #tpu.memory_space<vmem>>[vector<16xi32>], vector<16xf32>,
      %gather3A_158 = tpu.vector_load_idx %arg9[%get3A_153] : memref<10112xf32, #tpu.memory_space<vmem>>[vector<16xi32>], vector<16xf32>,
      tpu.vector_store_idx %arg13[%get3A_155], %gather3A_158 {add = true} : memref<10112xf32, #tpu.memory_space<vmem>>[vector<16xi32>], vector<16xf32>,
      %gather3A_159 = tpu.vector_load_idx %arg10[%get3A_153] : memref<10112xf32, #tpu.memory_space<vmem>>[vector<16xi32>], vector<16xf32>,
      tpu.vector_store_idx %arg14[%get3A_155], %gather3A_159 {add = true} : memref<10112xf32, #tpu.memory_space<vmem>>[vector<16xi32>], vector<16xf32>,
      %jit3A_160 = arith.constant 16 : i32
      %eq3A_161 = arith.constant 0 : i32
      %eq3A_162 = arith.cmpi eq, %jit3A_160, %eq3A_161 : i32
      %jit3A_163 = arith.constant 1 : i32
      %select_n3A_164 = arith.select %eq3A_162, %jit3A_163, %jit3A_160 : i32
      %rem3A_165 = arith.remsi %scan3A_70, %select_n3A_164 : i32
      %ne3A_166 = arith.constant 0 : i32
      %ne3A_167 = arith.cmpi ne, %rem3A_165, %ne3A_166 : i32
      %lt3A_168 = arith.constant 0 : i32
      %lt3A_169 = arith.cmpi slt, %rem3A_165, %lt3A_168 : i32
      %lt3A_170 = arith.constant 0 : i32
      %lt3A_171 = arith.cmpi slt, %select_n3A_164, %lt3A_170 : i32
      %ne3A_172 = arith.xori %lt3A_169, %lt3A_171 : i1
      %and3A_173 = arith.andi %ne3A_172, %ne3A_167 : i1
      %add3A_174 = arith.addi %rem3A_165, %select_n3A_164 : i32
      %select_n3A_175 = arith.select %and3A_173, %add3A_174, %rem3A_165 : i32
      %eq3A_176 = arith.cmpi eq, %select_n3A_175, %arg1 : i32
      %eq3A_177 = arith.constant 0 : i32
      %eq3A_178 = arith.cmpi eq, %arg0, %eq3A_177 : i32
      %and3A_179 = arith.andi %eq3A_176, %eq3A_178 : i1
      %broadcast_in_dim3A_180 = vector.broadcast %and3A_179 : i1 to vector<16xi1>
      tpu.vector_store_idx %arg15[%get3A_155], %broadcast_in_dim3A_40 masked %broadcast_in_dim3A_180 {add = true} : memref<10112xf32, #tpu.memory_space<vmem>>[vector<16xi32>], vector<16xf32>, vector<16xi1>
      %get3A_181 = arith.constant 64 : index
      %get3A_182 = tpu.vector_load %arg16[%get3A_181] {strides = array<i32>} : memref<512xi32, #tpu.memory_space<vmem>>, vector<16xi32>,
      %get3A_183 = arith.constant 64 : index
      %get3A_184 = tpu.vector_load %arg17[%get3A_183] {strides = array<i32>} : memref<512xi32, #tpu.memory_space<vmem>>, vector<16xi32>,
      %gather3A_185 = tpu.vector_load_idx %arg7[%get3A_182] : memref<10112xf32, #tpu.memory_space<vmem>>[vector<16xi32>], vector<16xf32>,
      tpu.vector_store_idx %arg11[%get3A_184], %gather3A_185 {add = true} : memref<10112xf32, #tpu.memory_space<vmem>>[vector<16xi32>], vector<16xf32>,
      %gather3A_186 = tpu.vector_load_idx %arg8[%get3A_182] : memref<10112xf32, #tpu.memory_space<vmem>>[vector<16xi32>], vector<16xf32>,
      tpu.vector_store_idx %arg12[%get3A_184], %gather3A_186 {add = true} : memref<10112xf32, #tpu.memory_space<vmem>>[vector<16xi32>], vector<16xf32>,
      %gather3A_187 = tpu.vector_load_idx %arg9[%get3A_182] : memref<10112xf32, #tpu.memory_space<vmem>>[vector<16xi32>], vector<16xf32>,
      tpu.vector_store_idx %arg13[%get3A_184], %gather3A_187 {add = true} : memref<10112xf32, #tpu.memory_space<vmem>>[vector<16xi32>], vector<16xf32>,
      %gather3A_188 = tpu.vector_load_idx %arg10[%get3A_182] : memref<10112xf32, #tpu.memory_space<vmem>>[vector<16xi32>], vector<16xf32>,
      tpu.vector_store_idx %arg14[%get3A_184], %gather3A_188 {add = true} : memref<10112xf32, #tpu.memory_space<vmem>>[vector<16xi32>], vector<16xf32>,
      %jit3A_189 = arith.constant 16 : i32
      %eq3A_190 = arith.constant 0 : i32
      %eq3A_191 = arith.cmpi eq, %jit3A_189, %eq3A_190 : i32
      %jit3A_192 = arith.constant 1 : i32
      %select_n3A_193 = arith.select %eq3A_191, %jit3A_192, %jit3A_189 : i32
      %rem3A_194 = arith.remsi %scan3A_70, %select_n3A_193 : i32
      %ne3A_195 = arith.constant 0 : i32
      %ne3A_196 = arith.cmpi ne, %rem3A_194, %ne3A_195 : i32
      %lt3A_197 = arith.constant 0 : i32
      %lt3A_198 = arith.cmpi slt, %rem3A_194, %lt3A_197 : i32
      %lt3A_199 = arith.constant 0 : i32
      %lt3A_200 = arith.cmpi slt, %select_n3A_193, %lt3A_199 : i32
      %ne3A_201 = arith.xori %lt3A_198, %lt3A_200 : i1
      %and3A_202 = arith.andi %ne3A_201, %ne3A_196 : i1
      %add3A_203 = arith.addi %rem3A_194, %select_n3A_193 : i32
      %select_n3A_204 = arith.select %and3A_202, %add3A_203, %rem3A_194 : i32
      %eq3A_205 = arith.cmpi eq, %select_n3A_204, %arg1 : i32
      %eq3A_206 = arith.constant 0 : i32
      %eq3A_207 = arith.cmpi eq, %arg0, %eq3A_206 : i32
      %and3A_208 = arith.andi %eq3A_205, %eq3A_207 : i1
      %broadcast_in_dim3A_209 = vector.broadcast %and3A_208 : i1 to vector<16xi1>
      tpu.vector_store_idx %arg15[%get3A_184], %broadcast_in_dim3A_40 masked %broadcast_in_dim3A_209 {add = true} : memref<10112xf32, #tpu.memory_space<vmem>>[vector<16xi32>], vector<16xf32>, vector<16xi1>
      %get3A_210 = arith.constant 80 : index
      %get3A_211 = tpu.vector_load %arg16[%get3A_210] {strides = array<i32>} : memref<512xi32, #tpu.memory_space<vmem>>, vector<16xi32>,
      %get3A_212 = arith.constant 80 : index
      %get3A_213 = tpu.vector_load %arg17[%get3A_212] {strides = array<i32>} : memref<512xi32, #tpu.memory_space<vmem>>, vector<16xi32>,
      %gather3A_214 = tpu.vector_load_idx %arg7[%get3A_211] : memref<10112xf32, #tpu.memory_space<vmem>>[vector<16xi32>], vector<16xf32>,
      tpu.vector_store_idx %arg11[%get3A_213], %gather3A_214 {add = true} : memref<10112xf32, #tpu.memory_space<vmem>>[vector<16xi32>], vector<16xf32>,
      %gather3A_215 = tpu.vector_load_idx %arg8[%get3A_211] : memref<10112xf32, #tpu.memory_space<vmem>>[vector<16xi32>], vector<16xf32>,
      tpu.vector_store_idx %arg12[%get3A_213], %gather3A_215 {add = true} : memref<10112xf32, #tpu.memory_space<vmem>>[vector<16xi32>], vector<16xf32>,
      %gather3A_216 = tpu.vector_load_idx %arg9[%get3A_211] : memref<10112xf32, #tpu.memory_space<vmem>>[vector<16xi32>], vector<16xf32>,
      tpu.vector_store_idx %arg13[%get3A_213], %gather3A_216 {add = true} : memref<10112xf32, #tpu.memory_space<vmem>>[vector<16xi32>], vector<16xf32>,
      %gather3A_217 = tpu.vector_load_idx %arg10[%get3A_211] : memref<10112xf32, #tpu.memory_space<vmem>>[vector<16xi32>], vector<16xf32>,
      tpu.vector_store_idx %arg14[%get3A_213], %gather3A_217 {add = true} : memref<10112xf32, #tpu.memory_space<vmem>>[vector<16xi32>], vector<16xf32>,
      %jit3A_218 = arith.constant 16 : i32
      %eq3A_219 = arith.constant 0 : i32
      %eq3A_220 = arith.cmpi eq, %jit3A_218, %eq3A_219 : i32
      %jit3A_221 = arith.constant 1 : i32
      %select_n3A_222 = arith.select %eq3A_220, %jit3A_221, %jit3A_218 : i32
      %rem3A_223 = arith.remsi %scan3A_70, %select_n3A_222 : i32
      %ne3A_224 = arith.constant 0 : i32
      %ne3A_225 = arith.cmpi ne, %rem3A_223, %ne3A_224 : i32
      %lt3A_226 = arith.constant 0 : i32
      %lt3A_227 = arith.cmpi slt, %rem3A_223, %lt3A_226 : i32
      %lt3A_228 = arith.constant 0 : i32
      %lt3A_229 = arith.cmpi slt, %select_n3A_222, %lt3A_228 : i32
      %ne3A_230 = arith.xori %lt3A_227, %lt3A_229 : i1
      %and3A_231 = arith.andi %ne3A_230, %ne3A_225 : i1
      %add3A_232 = arith.addi %rem3A_223, %select_n3A_222 : i32
      %select_n3A_233 = arith.select %and3A_231, %add3A_232, %rem3A_223 : i32
      %eq3A_234 = arith.cmpi eq, %select_n3A_233, %arg1 : i32
      %eq3A_235 = arith.constant 0 : i32
      %eq3A_236 = arith.cmpi eq, %arg0, %eq3A_235 : i32
      %and3A_237 = arith.andi %eq3A_234, %eq3A_236 : i1
      %broadcast_in_dim3A_238 = vector.broadcast %and3A_237 : i1 to vector<16xi1>
      tpu.vector_store_idx %arg15[%get3A_213], %broadcast_in_dim3A_40 masked %broadcast_in_dim3A_238 {add = true} : memref<10112xf32, #tpu.memory_space<vmem>>[vector<16xi32>], vector<16xf32>, vector<16xi1>
      %get3A_239 = arith.constant 96 : index
      %get3A_240 = tpu.vector_load %arg16[%get3A_239] {strides = array<i32>} : memref<512xi32, #tpu.memory_space<vmem>>, vector<16xi32>,
      %get3A_241 = arith.constant 96 : index
      %get3A_242 = tpu.vector_load %arg17[%get3A_241] {strides = array<i32>} : memref<512xi32, #tpu.memory_space<vmem>>, vector<16xi32>,
      %gather3A_243 = tpu.vector_load_idx %arg7[%get3A_240] : memref<10112xf32, #tpu.memory_space<vmem>>[vector<16xi32>], vector<16xf32>,
      tpu.vector_store_idx %arg11[%get3A_242], %gather3A_243 {add = true} : memref<10112xf32, #tpu.memory_space<vmem>>[vector<16xi32>], vector<16xf32>,
      %gather3A_244 = tpu.vector_load_idx %arg8[%get3A_240] : memref<10112xf32, #tpu.memory_space<vmem>>[vector<16xi32>], vector<16xf32>,
      tpu.vector_store_idx %arg12[%get3A_242], %gather3A_244 {add = true} : memref<10112xf32, #tpu.memory_space<vmem>>[vector<16xi32>], vector<16xf32>,
      %gather3A_245 = tpu.vector_load_idx %arg9[%get3A_240] : memref<10112xf32, #tpu.memory_space<vmem>>[vector<16xi32>], vector<16xf32>,
      tpu.vector_store_idx %arg13[%get3A_242], %gather3A_245 {add = true} : memref<10112xf32, #tpu.memory_space<vmem>>[vector<16xi32>], vector<16xf32>,
      %gather3A_246 = tpu.vector_load_idx %arg10[%get3A_240] : memref<10112xf32, #tpu.memory_space<vmem>>[vector<16xi32>], vector<16xf32>,
      tpu.vector_store_idx %arg14[%get3A_242], %gather3A_246 {add = true} : memref<10112xf32, #tpu.memory_space<vmem>>[vector<16xi32>], vector<16xf32>,
      %jit3A_247 = arith.constant 16 : i32
      %eq3A_248 = arith.constant 0 : i32
      %eq3A_249 = arith.cmpi eq, %jit3A_247, %eq3A_248 : i32
      %jit3A_250 = arith.constant 1 : i32
      %select_n3A_251 = arith.select %eq3A_249, %jit3A_250, %jit3A_247 : i32
      %rem3A_252 = arith.remsi %scan3A_70, %select_n3A_251 : i32
      %ne3A_253 = arith.constant 0 : i32
      %ne3A_254 = arith.cmpi ne, %rem3A_252, %ne3A_253 : i32
      %lt3A_255 = arith.constant 0 : i32
      %lt3A_256 = arith.cmpi slt, %rem3A_252, %lt3A_255 : i32
      %lt3A_257 = arith.constant 0 : i32
      %lt3A_258 = arith.cmpi slt, %select_n3A_251, %lt3A_257 : i32
      %ne3A_259 = arith.xori %lt3A_256, %lt3A_258 : i1
      %and3A_260 = arith.andi %ne3A_259, %ne3A_254 : i1
      %add3A_261 = arith.addi %rem3A_252, %select_n3A_251 : i32
      %select_n3A_262 = arith.select %and3A_260, %add3A_261, %rem3A_252 : i32
      %eq3A_263 = arith.cmpi eq, %select_n3A_262, %arg1 : i32
      %eq3A_264 = arith.constant 0 : i32
      %eq3A_265 = arith.cmpi eq, %arg0, %eq3A_264 : i32
      %and3A_266 = arith.andi %eq3A_263, %eq3A_265 : i1
      %broadcast_in_dim3A_267 = vector.broadcast %and3A_266 : i1 to vector<16xi1>
      tpu.vector_store_idx %arg15[%get3A_242], %broadcast_in_dim3A_40 masked %broadcast_in_dim3A_267 {add = true} : memref<10112xf32, #tpu.memory_space<vmem>>[vector<16xi32>], vector<16xf32>, vector<16xi1>
      %get3A_268 = arith.constant 112 : index
      %get3A_269 = tpu.vector_load %arg16[%get3A_268] {strides = array<i32>} : memref<512xi32, #tpu.memory_space<vmem>>, vector<16xi32>,
      %get3A_270 = arith.constant 112 : index
      %get3A_271 = tpu.vector_load %arg17[%get3A_270] {strides = array<i32>} : memref<512xi32, #tpu.memory_space<vmem>>, vector<16xi32>,
      %gather3A_272 = tpu.vector_load_idx %arg7[%get3A_269] : memref<10112xf32, #tpu.memory_space<vmem>>[vector<16xi32>], vector<16xf32>,
      tpu.vector_store_idx %arg11[%get3A_271], %gather3A_272 {add = true} : memref<10112xf32, #tpu.memory_space<vmem>>[vector<16xi32>], vector<16xf32>,
      %gather3A_273 = tpu.vector_load_idx %arg8[%get3A_269] : memref<10112xf32, #tpu.memory_space<vmem>>[vector<16xi32>], vector<16xf32>,
      tpu.vector_store_idx %arg12[%get3A_271], %gather3A_273 {add = true} : memref<10112xf32, #tpu.memory_space<vmem>>[vector<16xi32>], vector<16xf32>,
      %gather3A_274 = tpu.vector_load_idx %arg9[%get3A_269] : memref<10112xf32, #tpu.memory_space<vmem>>[vector<16xi32>], vector<16xf32>,
      tpu.vector_store_idx %arg13[%get3A_271], %gather3A_274 {add = true} : memref<10112xf32, #tpu.memory_space<vmem>>[vector<16xi32>], vector<16xf32>,
      %gather3A_275 = tpu.vector_load_idx %arg10[%get3A_269] : memref<10112xf32, #tpu.memory_space<vmem>>[vector<16xi32>], vector<16xf32>,
      tpu.vector_store_idx %arg14[%get3A_271], %gather3A_275 {add = true} : memref<10112xf32, #tpu.memory_space<vmem>>[vector<16xi32>], vector<16xf32>,
      %jit3A_276 = arith.constant 16 : i32
      %eq3A_277 = arith.constant 0 : i32
      %eq3A_278 = arith.cmpi eq, %jit3A_276, %eq3A_277 : i32
      %jit3A_279 = arith.constant 1 : i32
      %select_n3A_280 = arith.select %eq3A_278, %jit3A_279, %jit3A_276 : i32
      %rem3A_281 = arith.remsi %scan3A_70, %select_n3A_280 : i32
      %ne3A_282 = arith.constant 0 : i32
      %ne3A_283 = arith.cmpi ne, %rem3A_281, %ne3A_282 : i32
      %lt3A_284 = arith.constant 0 : i32
      %lt3A_285 = arith.cmpi slt, %rem3A_281, %lt3A_284 : i32
      %lt3A_286 = arith.constant 0 : i32
      %lt3A_287 = arith.cmpi slt, %select_n3A_280, %lt3A_286 : i32
      %ne3A_288 = arith.xori %lt3A_285, %lt3A_287 : i1
      %and3A_289 = arith.andi %ne3A_288, %ne3A_283 : i1
      %add3A_290 = arith.addi %rem3A_281, %select_n3A_280 : i32
      %select_n3A_291 = arith.select %and3A_289, %add3A_290, %rem3A_281 : i32
      %eq3A_292 = arith.cmpi eq, %select_n3A_291, %arg1 : i32
      %eq3A_293 = arith.constant 0 : i32
      %eq3A_294 = arith.cmpi eq, %arg0, %eq3A_293 : i32
      %and3A_295 = arith.andi %eq3A_292, %eq3A_294 : i1
      %broadcast_in_dim3A_296 = vector.broadcast %and3A_295 : i1 to vector<16xi1>
      tpu.vector_store_idx %arg15[%get3A_271], %broadcast_in_dim3A_40 masked %broadcast_in_dim3A_296 {add = true} : memref<10112xf32, #tpu.memory_space<vmem>>[vector<16xi32>], vector<16xf32>, vector<16xi1>
      %get3A_297 = arith.constant 128 : index
      %get3A_298 = tpu.vector_load %arg16[%get3A_297] {strides = array<i32>} : memref<512xi32, #tpu.memory_space<vmem>>, vector<16xi32>,
      %get3A_299 = arith.constant 128 : index
      %get3A_300 = tpu.vector_load %arg17[%get3A_299] {strides = array<i32>} : memref<512xi32, #tpu.memory_space<vmem>>, vector<16xi32>,
      %gather3A_301 = tpu.vector_load_idx %arg7[%get3A_298] : memref<10112xf32, #tpu.memory_space<vmem>>[vector<16xi32>], vector<16xf32>,
      tpu.vector_store_idx %arg11[%get3A_300], %gather3A_301 {add = true} : memref<10112xf32, #tpu.memory_space<vmem>>[vector<16xi32>], vector<16xf32>,
      %gather3A_302 = tpu.vector_load_idx %arg8[%get3A_298] : memref<10112xf32, #tpu.memory_space<vmem>>[vector<16xi32>], vector<16xf32>,
      tpu.vector_store_idx %arg12[%get3A_300], %gather3A_302 {add = true} : memref<10112xf32, #tpu.memory_space<vmem>>[vector<16xi32>], vector<16xf32>,
      %gather3A_303 = tpu.vector_load_idx %arg9[%get3A_298] : memref<10112xf32, #tpu.memory_space<vmem>>[vector<16xi32>], vector<16xf32>,
      tpu.vector_store_idx %arg13[%get3A_300], %gather3A_303 {add = true} : memref<10112xf32, #tpu.memory_space<vmem>>[vector<16xi32>], vector<16xf32>,
      %gather3A_304 = tpu.vector_load_idx %arg10[%get3A_298] : memref<10112xf32, #tpu.memory_space<vmem>>[vector<16xi32>], vector<16xf32>,
      tpu.vector_store_idx %arg14[%get3A_300], %gather3A_304 {add = true} : memref<10112xf32, #tpu.memory_space<vmem>>[vector<16xi32>], vector<16xf32>,
      %jit3A_305 = arith.constant 16 : i32
      %eq3A_306 = arith.constant 0 : i32
      %eq3A_307 = arith.cmpi eq, %jit3A_305, %eq3A_306 : i32
      %jit3A_308 = arith.constant 1 : i32
      %select_n3A_309 = arith.select %eq3A_307, %jit3A_308, %jit3A_305 : i32
      %rem3A_310 = arith.remsi %scan3A_70, %select_n3A_309 : i32
      %ne3A_311 = arith.constant 0 : i32
      %ne3A_312 = arith.cmpi ne, %rem3A_310, %ne3A_311 : i32
      %lt3A_313 = arith.constant 0 : i32
      %lt3A_314 = arith.cmpi slt, %rem3A_310, %lt3A_313 : i32
      %lt3A_315 = arith.constant 0 : i32
      %lt3A_316 = arith.cmpi slt, %select_n3A_309, %lt3A_315 : i32
      %ne3A_317 = arith.xori %lt3A_314, %lt3A_316 : i1
      %and3A_318 = arith.andi %ne3A_317, %ne3A_312 : i1
      %add3A_319 = arith.addi %rem3A_310, %select_n3A_309 : i32
      %select_n3A_320 = arith.select %and3A_318, %add3A_319, %rem3A_310 : i32
      %eq3A_321 = arith.cmpi eq, %select_n3A_320, %arg1 : i32
      %eq3A_322 = arith.constant 0 : i32
      %eq3A_323 = arith.cmpi eq, %arg0, %eq3A_322 : i32
      %and3A_324 = arith.andi %eq3A_321, %eq3A_323 : i1
      %broadcast_in_dim3A_325 = vector.broadcast %and3A_324 : i1 to vector<16xi1>
      tpu.vector_store_idx %arg15[%get3A_300], %broadcast_in_dim3A_40 masked %broadcast_in_dim3A_325 {add = true} : memref<10112xf32, #tpu.memory_space<vmem>>[vector<16xi32>], vector<16xf32>, vector<16xi1>
      %get3A_326 = arith.constant 144 : index
      %get3A_327 = tpu.vector_load %arg16[%get3A_326] {strides = array<i32>} : memref<512xi32, #tpu.memory_space<vmem>>, vector<16xi32>,
      %get3A_328 = arith.constant 144 : index
      %get3A_329 = tpu.vector_load %arg17[%get3A_328] {strides = array<i32>} : memref<512xi32, #tpu.memory_space<vmem>>, vector<16xi32>,
      %gather3A_330 = tpu.vector_load_idx %arg7[%get3A_327] : memref<10112xf32, #tpu.memory_space<vmem>>[vector<16xi32>], vector<16xf32>,
      tpu.vector_store_idx %arg11[%get3A_329], %gather3A_330 {add = true} : memref<10112xf32, #tpu.memory_space<vmem>>[vector<16xi32>], vector<16xf32>,
      %gather3A_331 = tpu.vector_load_idx %arg8[%get3A_327] : memref<10112xf32, #tpu.memory_space<vmem>>[vector<16xi32>], vector<16xf32>,
      tpu.vector_store_idx %arg12[%get3A_329], %gather3A_331 {add = true} : memref<10112xf32, #tpu.memory_space<vmem>>[vector<16xi32>], vector<16xf32>,
      %gather3A_332 = tpu.vector_load_idx %arg9[%get3A_327] : memref<10112xf32, #tpu.memory_space<vmem>>[vector<16xi32>], vector<16xf32>,
      tpu.vector_store_idx %arg13[%get3A_329], %gather3A_332 {add = true} : memref<10112xf32, #tpu.memory_space<vmem>>[vector<16xi32>], vector<16xf32>,
      %gather3A_333 = tpu.vector_load_idx %arg10[%get3A_327] : memref<10112xf32, #tpu.memory_space<vmem>>[vector<16xi32>], vector<16xf32>,
      tpu.vector_store_idx %arg14[%get3A_329], %gather3A_333 {add = true} : memref<10112xf32, #tpu.memory_space<vmem>>[vector<16xi32>], vector<16xf32>,
      %jit3A_334 = arith.constant 16 : i32
      %eq3A_335 = arith.constant 0 : i32
      %eq3A_336 = arith.cmpi eq, %jit3A_334, %eq3A_335 : i32
      %jit3A_337 = arith.constant 1 : i32
      %select_n3A_338 = arith.select %eq3A_336, %jit3A_337, %jit3A_334 : i32
      %rem3A_339 = arith.remsi %scan3A_70, %select_n3A_338 : i32
      %ne3A_340 = arith.constant 0 : i32
      %ne3A_341 = arith.cmpi ne, %rem3A_339, %ne3A_340 : i32
      %lt3A_342 = arith.constant 0 : i32
      %lt3A_343 = arith.cmpi slt, %rem3A_339, %lt3A_342 : i32
      %lt3A_344 = arith.constant 0 : i32
      %lt3A_345 = arith.cmpi slt, %select_n3A_338, %lt3A_344 : i32
      %ne3A_346 = arith.xori %lt3A_343, %lt3A_345 : i1
      %and3A_347 = arith.andi %ne3A_346, %ne3A_341 : i1
      %add3A_348 = arith.addi %rem3A_339, %select_n3A_338 : i32
      %select_n3A_349 = arith.select %and3A_347, %add3A_348, %rem3A_339 : i32
      %eq3A_350 = arith.cmpi eq, %select_n3A_349, %arg1 : i32
      %eq3A_351 = arith.constant 0 : i32
      %eq3A_352 = arith.cmpi eq, %arg0, %eq3A_351 : i32
      %and3A_353 = arith.andi %eq3A_350, %eq3A_352 : i1
      %broadcast_in_dim3A_354 = vector.broadcast %and3A_353 : i1 to vector<16xi1>
      tpu.vector_store_idx %arg15[%get3A_329], %broadcast_in_dim3A_40 masked %broadcast_in_dim3A_354 {add = true} : memref<10112xf32, #tpu.memory_space<vmem>>[vector<16xi32>], vector<16xf32>, vector<16xi1>
      %get3A_355 = arith.constant 160 : index
      %get3A_356 = tpu.vector_load %arg16[%get3A_355] {strides = array<i32>} : memref<512xi32, #tpu.memory_space<vmem>>, vector<16xi32>,
      %get3A_357 = arith.constant 160 : index
      %get3A_358 = tpu.vector_load %arg17[%get3A_357] {strides = array<i32>} : memref<512xi32, #tpu.memory_space<vmem>>, vector<16xi32>,
      %gather3A_359 = tpu.vector_load_idx %arg7[%get3A_356] : memref<10112xf32, #tpu.memory_space<vmem>>[vector<16xi32>], vector<16xf32>,
      tpu.vector_store_idx %arg11[%get3A_358], %gather3A_359 {add = true} : memref<10112xf32, #tpu.memory_space<vmem>>[vector<16xi32>], vector<16xf32>,
      %gather3A_360 = tpu.vector_load_idx %arg8[%get3A_356] : memref<10112xf32, #tpu.memory_space<vmem>>[vector<16xi32>], vector<16xf32>,
      tpu.vector_store_idx %arg12[%get3A_358], %gather3A_360 {add = true} : memref<10112xf32, #tpu.memory_space<vmem>>[vector<16xi32>], vector<16xf32>,
      %gather3A_361 = tpu.vector_load_idx %arg9[%get3A_356] : memref<10112xf32, #tpu.memory_space<vmem>>[vector<16xi32>], vector<16xf32>,
      tpu.vector_store_idx %arg13[%get3A_358], %gather3A_361 {add = true} : memref<10112xf32, #tpu.memory_space<vmem>>[vector<16xi32>], vector<16xf32>,
      %gather3A_362 = tpu.vector_load_idx %arg10[%get3A_356] : memref<10112xf32, #tpu.memory_space<vmem>>[vector<16xi32>], vector<16xf32>,
      tpu.vector_store_idx %arg14[%get3A_358], %gather3A_362 {add = true} : memref<10112xf32, #tpu.memory_space<vmem>>[vector<16xi32>], vector<16xf32>,
      %jit3A_363 = arith.constant 16 : i32
      %eq3A_364 = arith.constant 0 : i32
      %eq3A_365 = arith.cmpi eq, %jit3A_363, %eq3A_364 : i32
      %jit3A_366 = arith.constant 1 : i32
      %select_n3A_367 = arith.select %eq3A_365, %jit3A_366, %jit3A_363 : i32
      %rem3A_368 = arith.remsi %scan3A_70, %select_n3A_367 : i32
      %ne3A_369 = arith.constant 0 : i32
      %ne3A_370 = arith.cmpi ne, %rem3A_368, %ne3A_369 : i32
      %lt3A_371 = arith.constant 0 : i32
      %lt3A_372 = arith.cmpi slt, %rem3A_368, %lt3A_371 : i32
      %lt3A_373 = arith.constant 0 : i32
      %lt3A_374 = arith.cmpi slt, %select_n3A_367, %lt3A_373 : i32
      %ne3A_375 = arith.xori %lt3A_372, %lt3A_374 : i1
      %and3A_376 = arith.andi %ne3A_375, %ne3A_370 : i1
      %add3A_377 = arith.addi %rem3A_368, %select_n3A_367 : i32
      %select_n3A_378 = arith.select %and3A_376, %add3A_377, %rem3A_368 : i32
      %eq3A_379 = arith.cmpi eq, %select_n3A_378, %arg1 : i32
      %eq3A_380 = arith.constant 0 : i32
      %eq3A_381 = arith.cmpi eq, %arg0, %eq3A_380 : i32
      %and3A_382 = arith.andi %eq3A_379, %eq3A_381 : i1
      %broadcast_in_dim3A_383 = vector.broadcast %and3A_382 : i1 to vector<16xi1>
      tpu.vector_store_idx %arg15[%get3A_358], %broadcast_in_dim3A_40 masked %broadcast_in_dim3A_383 {add = true} : memref<10112xf32, #tpu.memory_space<vmem>>[vector<16xi32>], vector<16xf32>, vector<16xi1>
      %get3A_384 = arith.constant 176 : index
      %get3A_385 = tpu.vector_load %arg16[%get3A_384] {strides = array<i32>} : memref<512xi32, #tpu.memory_space<vmem>>, vector<16xi32>,
      %get3A_386 = arith.constant 176 : index
      %get3A_387 = tpu.vector_load %arg17[%get3A_386] {strides = array<i32>} : memref<512xi32, #tpu.memory_space<vmem>>, vector<16xi32>,
      %gather3A_388 = tpu.vector_load_idx %arg7[%get3A_385] : memref<10112xf32, #tpu.memory_space<vmem>>[vector<16xi32>], vector<16xf32>,
      tpu.vector_store_idx %arg11[%get3A_387], %gather3A_388 {add = true} : memref<10112xf32, #tpu.memory_space<vmem>>[vector<16xi32>], vector<16xf32>,
      %gather3A_389 = tpu.vector_load_idx %arg8[%get3A_385] : memref<10112xf32, #tpu.memory_space<vmem>>[vector<16xi32>], vector<16xf32>,
      tpu.vector_store_idx %arg12[%get3A_387], %gather3A_389 {add = true} : memref<10112xf32, #tpu.memory_space<vmem>>[vector<16xi32>], vector<16xf32>,
      %gather3A_390 = tpu.vector_load_idx %arg9[%get3A_385] : memref<10112xf32, #tpu.memory_space<vmem>>[vector<16xi32>], vector<16xf32>,
      tpu.vector_store_idx %arg13[%get3A_387], %gather3A_390 {add = true} : memref<10112xf32, #tpu.memory_space<vmem>>[vector<16xi32>], vector<16xf32>,
      %gather3A_391 = tpu.vector_load_idx %arg10[%get3A_385] : memref<10112xf32, #tpu.memory_space<vmem>>[vector<16xi32>], vector<16xf32>,
      tpu.vector_store_idx %arg14[%get3A_387], %gather3A_391 {add = true} : memref<10112xf32, #tpu.memory_space<vmem>>[vector<16xi32>], vector<16xf32>,
      %jit3A_392 = arith.constant 16 : i32
      %eq3A_393 = arith.constant 0 : i32
      %eq3A_394 = arith.cmpi eq, %jit3A_392, %eq3A_393 : i32
      %jit3A_395 = arith.constant 1 : i32
      %select_n3A_396 = arith.select %eq3A_394, %jit3A_395, %jit3A_392 : i32
      %rem3A_397 = arith.remsi %scan3A_70, %select_n3A_396 : i32
      %ne3A_398 = arith.constant 0 : i32
      %ne3A_399 = arith.cmpi ne, %rem3A_397, %ne3A_398 : i32
      %lt3A_400 = arith.constant 0 : i32
      %lt3A_401 = arith.cmpi slt, %rem3A_397, %lt3A_400 : i32
      %lt3A_402 = arith.constant 0 : i32
      %lt3A_403 = arith.cmpi slt, %select_n3A_396, %lt3A_402 : i32
      %ne3A_404 = arith.xori %lt3A_401, %lt3A_403 : i1
      %and3A_405 = arith.andi %ne3A_404, %ne3A_399 : i1
      %add3A_406 = arith.addi %rem3A_397, %select_n3A_396 : i32
      %select_n3A_407 = arith.select %and3A_405, %add3A_406, %rem3A_397 : i32
      %eq3A_408 = arith.cmpi eq, %select_n3A_407, %arg1 : i32
      %eq3A_409 = arith.constant 0 : i32
      %eq3A_410 = arith.cmpi eq, %arg0, %eq3A_409 : i32
      %and3A_411 = arith.andi %eq3A_408, %eq3A_410 : i1
      %broadcast_in_dim3A_412 = vector.broadcast %and3A_411 : i1 to vector<16xi1>
      tpu.vector_store_idx %arg15[%get3A_387], %broadcast_in_dim3A_40 masked %broadcast_in_dim3A_412 {add = true} : memref<10112xf32, #tpu.memory_space<vmem>>[vector<16xi32>], vector<16xf32>, vector<16xi1>
      %get3A_413 = arith.constant 192 : index
      %get3A_414 = tpu.vector_load %arg16[%get3A_413] {strides = array<i32>} : memref<512xi32, #tpu.memory_space<vmem>>, vector<16xi32>,
      %get3A_415 = arith.constant 192 : index
      %get3A_416 = tpu.vector_load %arg17[%get3A_415] {strides = array<i32>} : memref<512xi32, #tpu.memory_space<vmem>>, vector<16xi32>,
      %gather3A_417 = tpu.vector_load_idx %arg7[%get3A_414] : memref<10112xf32, #tpu.memory_space<vmem>>[vector<16xi32>], vector<16xf32>,
      tpu.vector_store_idx %arg11[%get3A_416], %gather3A_417 {add = true} : memref<10112xf32, #tpu.memory_space<vmem>>[vector<16xi32>], vector<16xf32>,
      %gather3A_418 = tpu.vector_load_idx %arg8[%get3A_414] : memref<10112xf32, #tpu.memory_space<vmem>>[vector<16xi32>], vector<16xf32>,
      tpu.vector_store_idx %arg12[%get3A_416], %gather3A_418 {add = true} : memref<10112xf32, #tpu.memory_space<vmem>>[vector<16xi32>], vector<16xf32>,
      %gather3A_419 = tpu.vector_load_idx %arg9[%get3A_414] : memref<10112xf32, #tpu.memory_space<vmem>>[vector<16xi32>], vector<16xf32>,
      tpu.vector_store_idx %arg13[%get3A_416], %gather3A_419 {add = true} : memref<10112xf32, #tpu.memory_space<vmem>>[vector<16xi32>], vector<16xf32>,
      %gather3A_420 = tpu.vector_load_idx %arg10[%get3A_414] : memref<10112xf32, #tpu.memory_space<vmem>>[vector<16xi32>], vector<16xf32>,
      tpu.vector_store_idx %arg14[%get3A_416], %gather3A_420 {add = true} : memref<10112xf32, #tpu.memory_space<vmem>>[vector<16xi32>], vector<16xf32>,
      %jit3A_421 = arith.constant 16 : i32
      %eq3A_422 = arith.constant 0 : i32
      %eq3A_423 = arith.cmpi eq, %jit3A_421, %eq3A_422 : i32
      %jit3A_424 = arith.constant 1 : i32
      %select_n3A_425 = arith.select %eq3A_423, %jit3A_424, %jit3A_421 : i32
      %rem3A_426 = arith.remsi %scan3A_70, %select_n3A_425 : i32
      %ne3A_427 = arith.constant 0 : i32
      %ne3A_428 = arith.cmpi ne, %rem3A_426, %ne3A_427 : i32
      %lt3A_429 = arith.constant 0 : i32
      %lt3A_430 = arith.cmpi slt, %rem3A_426, %lt3A_429 : i32
      %lt3A_431 = arith.constant 0 : i32
      %lt3A_432 = arith.cmpi slt, %select_n3A_425, %lt3A_431 : i32
      %ne3A_433 = arith.xori %lt3A_430, %lt3A_432 : i1
      %and3A_434 = arith.andi %ne3A_433, %ne3A_428 : i1
      %add3A_435 = arith.addi %rem3A_426, %select_n3A_425 : i32
      %select_n3A_436 = arith.select %and3A_434, %add3A_435, %rem3A_426 : i32
      %eq3A_437 = arith.cmpi eq, %select_n3A_436, %arg1 : i32
      %eq3A_438 = arith.constant 0 : i32
      %eq3A_439 = arith.cmpi eq, %arg0, %eq3A_438 : i32
      %and3A_440 = arith.andi %eq3A_437, %eq3A_439 : i1
      %broadcast_in_dim3A_441 = vector.broadcast %and3A_440 : i1 to vector<16xi1>
      tpu.vector_store_idx %arg15[%get3A_416], %broadcast_in_dim3A_40 masked %broadcast_in_dim3A_441 {add = true} : memref<10112xf32, #tpu.memory_space<vmem>>[vector<16xi32>], vector<16xf32>, vector<16xi1>
      %get3A_442 = arith.constant 208 : index
      %get3A_443 = tpu.vector_load %arg16[%get3A_442] {strides = array<i32>} : memref<512xi32, #tpu.memory_space<vmem>>, vector<16xi32>,
      %get3A_444 = arith.constant 208 : index
      %get3A_445 = tpu.vector_load %arg17[%get3A_444] {strides = array<i32>} : memref<512xi32, #tpu.memory_space<vmem>>, vector<16xi32>,
      %gather3A_446 = tpu.vector_load_idx %arg7[%get3A_443] : memref<10112xf32, #tpu.memory_space<vmem>>[vector<16xi32>], vector<16xf32>,
      tpu.vector_store_idx %arg11[%get3A_445], %gather3A_446 {add = true} : memref<10112xf32, #tpu.memory_space<vmem>>[vector<16xi32>], vector<16xf32>,
      %gather3A_447 = tpu.vector_load_idx %arg8[%get3A_443] : memref<10112xf32, #tpu.memory_space<vmem>>[vector<16xi32>], vector<16xf32>,
      tpu.vector_store_idx %arg12[%get3A_445], %gather3A_447 {add = true} : memref<10112xf32, #tpu.memory_space<vmem>>[vector<16xi32>], vector<16xf32>,
      %gather3A_448 = tpu.vector_load_idx %arg9[%get3A_443] : memref<10112xf32, #tpu.memory_space<vmem>>[vector<16xi32>], vector<16xf32>,
      tpu.vector_store_idx %arg13[%get3A_445], %gather3A_448 {add = true} : memref<10112xf32, #tpu.memory_space<vmem>>[vector<16xi32>], vector<16xf32>,
      %gather3A_449 = tpu.vector_load_idx %arg10[%get3A_443] : memref<10112xf32, #tpu.memory_space<vmem>>[vector<16xi32>], vector<16xf32>,
      tpu.vector_store_idx %arg14[%get3A_445], %gather3A_449 {add = true} : memref<10112xf32, #tpu.memory_space<vmem>>[vector<16xi32>], vector<16xf32>,
      %jit3A_450 = arith.constant 16 : i32
      %eq3A_451 = arith.constant 0 : i32
      %eq3A_452 = arith.cmpi eq, %jit3A_450, %eq3A_451 : i32
      %jit3A_453 = arith.constant 1 : i32
      %select_n3A_454 = arith.select %eq3A_452, %jit3A_453, %jit3A_450 : i32
      %rem3A_455 = arith.remsi %scan3A_70, %select_n3A_454 : i32
      %ne3A_456 = arith.constant 0 : i32
      %ne3A_457 = arith.cmpi ne, %rem3A_455, %ne3A_456 : i32
      %lt3A_458 = arith.constant 0 : i32
      %lt3A_459 = arith.cmpi slt, %rem3A_455, %lt3A_458 : i32
      %lt3A_460 = arith.constant 0 : i32
      %lt3A_461 = arith.cmpi slt, %select_n3A_454, %lt3A_460 : i32
      %ne3A_462 = arith.xori %lt3A_459, %lt3A_461 : i1
      %and3A_463 = arith.andi %ne3A_462, %ne3A_457 : i1
      %add3A_464 = arith.addi %rem3A_455, %select_n3A_454 : i32
      %select_n3A_465 = arith.select %and3A_463, %add3A_464, %rem3A_455 : i32
      %eq3A_466 = arith.cmpi eq, %select_n3A_465, %arg1 : i32
      %eq3A_467 = arith.constant 0 : i32
      %eq3A_468 = arith.cmpi eq, %arg0, %eq3A_467 : i32
      %and3A_469 = arith.andi %eq3A_466, %eq3A_468 : i1
      %broadcast_in_dim3A_470 = vector.broadcast %and3A_469 : i1 to vector<16xi1>
      tpu.vector_store_idx %arg15[%get3A_445], %broadcast_in_dim3A_40 masked %broadcast_in_dim3A_470 {add = true} : memref<10112xf32, #tpu.memory_space<vmem>>[vector<16xi32>], vector<16xf32>, vector<16xi1>
      %get3A_471 = arith.constant 224 : index
      %get3A_472 = tpu.vector_load %arg16[%get3A_471] {strides = array<i32>} : memref<512xi32, #tpu.memory_space<vmem>>, vector<16xi32>,
      %get3A_473 = arith.constant 224 : index
      %get3A_474 = tpu.vector_load %arg17[%get3A_473] {strides = array<i32>} : memref<512xi32, #tpu.memory_space<vmem>>, vector<16xi32>,
      %gather3A_475 = tpu.vector_load_idx %arg7[%get3A_472] : memref<10112xf32, #tpu.memory_space<vmem>>[vector<16xi32>], vector<16xf32>,
      tpu.vector_store_idx %arg11[%get3A_474], %gather3A_475 {add = true} : memref<10112xf32, #tpu.memory_space<vmem>>[vector<16xi32>], vector<16xf32>,
      %gather3A_476 = tpu.vector_load_idx %arg8[%get3A_472] : memref<10112xf32, #tpu.memory_space<vmem>>[vector<16xi32>], vector<16xf32>,
      tpu.vector_store_idx %arg12[%get3A_474], %gather3A_476 {add = true} : memref<10112xf32, #tpu.memory_space<vmem>>[vector<16xi32>], vector<16xf32>,
      %gather3A_477 = tpu.vector_load_idx %arg9[%get3A_472] : memref<10112xf32, #tpu.memory_space<vmem>>[vector<16xi32>], vector<16xf32>,
      tpu.vector_store_idx %arg13[%get3A_474], %gather3A_477 {add = true} : memref<10112xf32, #tpu.memory_space<vmem>>[vector<16xi32>], vector<16xf32>,
      %gather3A_478 = tpu.vector_load_idx %arg10[%get3A_472] : memref<10112xf32, #tpu.memory_space<vmem>>[vector<16xi32>], vector<16xf32>,
      tpu.vector_store_idx %arg14[%get3A_474], %gather3A_478 {add = true} : memref<10112xf32, #tpu.memory_space<vmem>>[vector<16xi32>], vector<16xf32>,
      %jit3A_479 = arith.constant 16 : i32
      %eq3A_480 = arith.constant 0 : i32
      %eq3A_481 = arith.cmpi eq, %jit3A_479, %eq3A_480 : i32
      %jit3A_482 = arith.constant 1 : i32
      %select_n3A_483 = arith.select %eq3A_481, %jit3A_482, %jit3A_479 : i32
      %rem3A_484 = arith.remsi %scan3A_70, %select_n3A_483 : i32
      %ne3A_485 = arith.constant 0 : i32
      %ne3A_486 = arith.cmpi ne, %rem3A_484, %ne3A_485 : i32
      %lt3A_487 = arith.constant 0 : i32
      %lt3A_488 = arith.cmpi slt, %rem3A_484, %lt3A_487 : i32
      %lt3A_489 = arith.constant 0 : i32
      %lt3A_490 = arith.cmpi slt, %select_n3A_483, %lt3A_489 : i32
      %ne3A_491 = arith.xori %lt3A_488, %lt3A_490 : i1
      %and3A_492 = arith.andi %ne3A_491, %ne3A_486 : i1
      %add3A_493 = arith.addi %rem3A_484, %select_n3A_483 : i32
      %select_n3A_494 = arith.select %and3A_492, %add3A_493, %rem3A_484 : i32
      %eq3A_495 = arith.cmpi eq, %select_n3A_494, %arg1 : i32
      %eq3A_496 = arith.constant 0 : i32
      %eq3A_497 = arith.cmpi eq, %arg0, %eq3A_496 : i32
      %and3A_498 = arith.andi %eq3A_495, %eq3A_497 : i1
      %broadcast_in_dim3A_499 = vector.broadcast %and3A_498 : i1 to vector<16xi1>
      tpu.vector_store_idx %arg15[%get3A_474], %broadcast_in_dim3A_40 masked %broadcast_in_dim3A_499 {add = true} : memref<10112xf32, #tpu.memory_space<vmem>>[vector<16xi32>], vector<16xf32>, vector<16xi1>
      %get3A_500 = arith.constant 240 : index
      %get3A_501 = tpu.vector_load %arg16[%get3A_500] {strides = array<i32>} : memref<512xi32, #tpu.memory_space<vmem>>, vector<16xi32>,
      %get3A_502 = arith.constant 240 : index
      %get3A_503 = tpu.vector_load %arg17[%get3A_502] {strides = array<i32>} : memref<512xi32, #tpu.memory_space<vmem>>, vector<16xi32>,
      %gather3A_504 = tpu.vector_load_idx %arg7[%get3A_501] : memref<10112xf32, #tpu.memory_space<vmem>>[vector<16xi32>], vector<16xf32>,
      tpu.vector_store_idx %arg11[%get3A_503], %gather3A_504 {add = true} : memref<10112xf32, #tpu.memory_space<vmem>>[vector<16xi32>], vector<16xf32>,
      %gather3A_505 = tpu.vector_load_idx %arg8[%get3A_501] : memref<10112xf32, #tpu.memory_space<vmem>>[vector<16xi32>], vector<16xf32>,
      tpu.vector_store_idx %arg12[%get3A_503], %gather3A_505 {add = true} : memref<10112xf32, #tpu.memory_space<vmem>>[vector<16xi32>], vector<16xf32>,
      %gather3A_506 = tpu.vector_load_idx %arg9[%get3A_501] : memref<10112xf32, #tpu.memory_space<vmem>>[vector<16xi32>], vector<16xf32>,
      tpu.vector_store_idx %arg13[%get3A_503], %gather3A_506 {add = true} : memref<10112xf32, #tpu.memory_space<vmem>>[vector<16xi32>], vector<16xf32>,
      %gather3A_507 = tpu.vector_load_idx %arg10[%get3A_501] : memref<10112xf32, #tpu.memory_space<vmem>>[vector<16xi32>], vector<16xf32>,
      tpu.vector_store_idx %arg14[%get3A_503], %gather3A_507 {add = true} : memref<10112xf32, #tpu.memory_space<vmem>>[vector<16xi32>], vector<16xf32>,
      %jit3A_508 = arith.constant 16 : i32
      %eq3A_509 = arith.constant 0 : i32
      %eq3A_510 = arith.cmpi eq, %jit3A_508, %eq3A_509 : i32
      %jit3A_511 = arith.constant 1 : i32
      %select_n3A_512 = arith.select %eq3A_510, %jit3A_511, %jit3A_508 : i32
      %rem3A_513 = arith.remsi %scan3A_70, %select_n3A_512 : i32
      %ne3A_514 = arith.constant 0 : i32
      %ne3A_515 = arith.cmpi ne, %rem3A_513, %ne3A_514 : i32
      %lt3A_516 = arith.constant 0 : i32
      %lt3A_517 = arith.cmpi slt, %rem3A_513, %lt3A_516 : i32
      %lt3A_518 = arith.constant 0 : i32
      %lt3A_519 = arith.cmpi slt, %select_n3A_512, %lt3A_518 : i32
      %ne3A_520 = arith.xori %lt3A_517, %lt3A_519 : i1
      %and3A_521 = arith.andi %ne3A_520, %ne3A_515 : i1
      %add3A_522 = arith.addi %rem3A_513, %select_n3A_512 : i32
      %select_n3A_523 = arith.select %and3A_521, %add3A_522, %rem3A_513 : i32
      %eq3A_524 = arith.cmpi eq, %select_n3A_523, %arg1 : i32
      %eq3A_525 = arith.constant 0 : i32
      %eq3A_526 = arith.cmpi eq, %arg0, %eq3A_525 : i32
      %and3A_527 = arith.andi %eq3A_524, %eq3A_526 : i1
      %broadcast_in_dim3A_528 = vector.broadcast %and3A_527 : i1 to vector<16xi1>
      tpu.vector_store_idx %arg15[%get3A_503], %broadcast_in_dim3A_40 masked %broadcast_in_dim3A_528 {add = true} : memref<10112xf32, #tpu.memory_space<vmem>>[vector<16xi32>], vector<16xf32>, vector<16xi1>
      %get3A_529 = arith.constant 256 : index
      %get3A_530 = tpu.vector_load %arg16[%get3A_529] {strides = array<i32>} : memref<512xi32, #tpu.memory_space<vmem>>, vector<16xi32>,
      %get3A_531 = arith.constant 256 : index
      %get3A_532 = tpu.vector_load %arg17[%get3A_531] {strides = array<i32>} : memref<512xi32, #tpu.memory_space<vmem>>, vector<16xi32>,
      %gather3A_533 = tpu.vector_load_idx %arg7[%get3A_530] : memref<10112xf32, #tpu.memory_space<vmem>>[vector<16xi32>], vector<16xf32>,
      tpu.vector_store_idx %arg11[%get3A_532], %gather3A_533 {add = true} : memref<10112xf32, #tpu.memory_space<vmem>>[vector<16xi32>], vector<16xf32>,
      %gather3A_534 = tpu.vector_load_idx %arg8[%get3A_530] : memref<10112xf32, #tpu.memory_space<vmem>>[vector<16xi32>], vector<16xf32>,
      tpu.vector_store_idx %arg12[%get3A_532], %gather3A_534 {add = true} : memref<10112xf32, #tpu.memory_space<vmem>>[vector<16xi32>], vector<16xf32>,
      %gather3A_535 = tpu.vector_load_idx %arg9[%get3A_530] : memref<10112xf32, #tpu.memory_space<vmem>>[vector<16xi32>], vector<16xf32>,
      tpu.vector_store_idx %arg13[%get3A_532], %gather3A_535 {add = true} : memref<10112xf32, #tpu.memory_space<vmem>>[vector<16xi32>], vector<16xf32>,
      %gather3A_536 = tpu.vector_load_idx %arg10[%get3A_530] : memref<10112xf32, #tpu.memory_space<vmem>>[vector<16xi32>], vector<16xf32>,
      tpu.vector_store_idx %arg14[%get3A_532], %gather3A_536 {add = true} : memref<10112xf32, #tpu.memory_space<vmem>>[vector<16xi32>], vector<16xf32>,
      %jit3A_537 = arith.constant 16 : i32
      %eq3A_538 = arith.constant 0 : i32
      %eq3A_539 = arith.cmpi eq, %jit3A_537, %eq3A_538 : i32
      %jit3A_540 = arith.constant 1 : i32
      %select_n3A_541 = arith.select %eq3A_539, %jit3A_540, %jit3A_537 : i32
      %rem3A_542 = arith.remsi %scan3A_70, %select_n3A_541 : i32
      %ne3A_543 = arith.constant 0 : i32
      %ne3A_544 = arith.cmpi ne, %rem3A_542, %ne3A_543 : i32
      %lt3A_545 = arith.constant 0 : i32
      %lt3A_546 = arith.cmpi slt, %rem3A_542, %lt3A_545 : i32
      %lt3A_547 = arith.constant 0 : i32
      %lt3A_548 = arith.cmpi slt, %select_n3A_541, %lt3A_547 : i32
      %ne3A_549 = arith.xori %lt3A_546, %lt3A_548 : i1
      %and3A_550 = arith.andi %ne3A_549, %ne3A_544 : i1
      %add3A_551 = arith.addi %rem3A_542, %select_n3A_541 : i32
      %select_n3A_552 = arith.select %and3A_550, %add3A_551, %rem3A_542 : i32
      %eq3A_553 = arith.cmpi eq, %select_n3A_552, %arg1 : i32
      %eq3A_554 = arith.constant 0 : i32
      %eq3A_555 = arith.cmpi eq, %arg0, %eq3A_554 : i32
      %and3A_556 = arith.andi %eq3A_553, %eq3A_555 : i1
      %broadcast_in_dim3A_557 = vector.broadcast %and3A_556 : i1 to vector<16xi1>
      tpu.vector_store_idx %arg15[%get3A_532], %broadcast_in_dim3A_40 masked %broadcast_in_dim3A_557 {add = true} : memref<10112xf32, #tpu.memory_space<vmem>>[vector<16xi32>], vector<16xf32>, vector<16xi1>
      %get3A_558 = arith.constant 272 : index
      %get3A_559 = tpu.vector_load %arg16[%get3A_558] {strides = array<i32>} : memref<512xi32, #tpu.memory_space<vmem>>, vector<16xi32>,
      %get3A_560 = arith.constant 272 : index
      %get3A_561 = tpu.vector_load %arg17[%get3A_560] {strides = array<i32>} : memref<512xi32, #tpu.memory_space<vmem>>, vector<16xi32>,
      %gather3A_562 = tpu.vector_load_idx %arg7[%get3A_559] : memref<10112xf32, #tpu.memory_space<vmem>>[vector<16xi32>], vector<16xf32>,
      tpu.vector_store_idx %arg11[%get3A_561], %gather3A_562 {add = true} : memref<10112xf32, #tpu.memory_space<vmem>>[vector<16xi32>], vector<16xf32>,
      %gather3A_563 = tpu.vector_load_idx %arg8[%get3A_559] : memref<10112xf32, #tpu.memory_space<vmem>>[vector<16xi32>], vector<16xf32>,
      tpu.vector_store_idx %arg12[%get3A_561], %gather3A_563 {add = true} : memref<10112xf32, #tpu.memory_space<vmem>>[vector<16xi32>], vector<16xf32>,
      %gather3A_564 = tpu.vector_load_idx %arg9[%get3A_559] : memref<10112xf32, #tpu.memory_space<vmem>>[vector<16xi32>], vector<16xf32>,
      tpu.vector_store_idx %arg13[%get3A_561], %gather3A_564 {add = true} : memref<10112xf32, #tpu.memory_space<vmem>>[vector<16xi32>], vector<16xf32>,
      %gather3A_565 = tpu.vector_load_idx %arg10[%get3A_559] : memref<10112xf32, #tpu.memory_space<vmem>>[vector<16xi32>], vector<16xf32>,
      tpu.vector_store_idx %arg14[%get3A_561], %gather3A_565 {add = true} : memref<10112xf32, #tpu.memory_space<vmem>>[vector<16xi32>], vector<16xf32>,
      %jit3A_566 = arith.constant 16 : i32
      %eq3A_567 = arith.constant 0 : i32
      %eq3A_568 = arith.cmpi eq, %jit3A_566, %eq3A_567 : i32
      %jit3A_569 = arith.constant 1 : i32
      %select_n3A_570 = arith.select %eq3A_568, %jit3A_569, %jit3A_566 : i32
      %rem3A_571 = arith.remsi %scan3A_70, %select_n3A_570 : i32
      %ne3A_572 = arith.constant 0 : i32
      %ne3A_573 = arith.cmpi ne, %rem3A_571, %ne3A_572 : i32
      %lt3A_574 = arith.constant 0 : i32
      %lt3A_575 = arith.cmpi slt, %rem3A_571, %lt3A_574 : i32
      %lt3A_576 = arith.constant 0 : i32
      %lt3A_577 = arith.cmpi slt, %select_n3A_570, %lt3A_576 : i32
      %ne3A_578 = arith.xori %lt3A_575, %lt3A_577 : i1
      %and3A_579 = arith.andi %ne3A_578, %ne3A_573 : i1
      %add3A_580 = arith.addi %rem3A_571, %select_n3A_570 : i32
      %select_n3A_581 = arith.select %and3A_579, %add3A_580, %rem3A_571 : i32
      %eq3A_582 = arith.cmpi eq, %select_n3A_581, %arg1 : i32
      %eq3A_583 = arith.constant 0 : i32
      %eq3A_584 = arith.cmpi eq, %arg0, %eq3A_583 : i32
      %and3A_585 = arith.andi %eq3A_582, %eq3A_584 : i1
      %broadcast_in_dim3A_586 = vector.broadcast %and3A_585 : i1 to vector<16xi1>
      tpu.vector_store_idx %arg15[%get3A_561], %broadcast_in_dim3A_40 masked %broadcast_in_dim3A_586 {add = true} : memref<10112xf32, #tpu.memory_space<vmem>>[vector<16xi32>], vector<16xf32>, vector<16xi1>
      %get3A_587 = arith.constant 288 : index
      %get3A_588 = tpu.vector_load %arg16[%get3A_587] {strides = array<i32>} : memref<512xi32, #tpu.memory_space<vmem>>, vector<16xi32>,
      %get3A_589 = arith.constant 288 : index
      %get3A_590 = tpu.vector_load %arg17[%get3A_589] {strides = array<i32>} : memref<512xi32, #tpu.memory_space<vmem>>, vector<16xi32>,
      %gather3A_591 = tpu.vector_load_idx %arg7[%get3A_588] : memref<10112xf32, #tpu.memory_space<vmem>>[vector<16xi32>], vector<16xf32>,
      tpu.vector_store_idx %arg11[%get3A_590], %gather3A_591 {add = true} : memref<10112xf32, #tpu.memory_space<vmem>>[vector<16xi32>], vector<16xf32>,
      %gather3A_592 = tpu.vector_load_idx %arg8[%get3A_588] : memref<10112xf32, #tpu.memory_space<vmem>>[vector<16xi32>], vector<16xf32>,
      tpu.vector_store_idx %arg12[%get3A_590], %gather3A_592 {add = true} : memref<10112xf32, #tpu.memory_space<vmem>>[vector<16xi32>], vector<16xf32>,
      %gather3A_593 = tpu.vector_load_idx %arg9[%get3A_588] : memref<10112xf32, #tpu.memory_space<vmem>>[vector<16xi32>], vector<16xf32>,
      tpu.vector_store_idx %arg13[%get3A_590], %gather3A_593 {add = true} : memref<10112xf32, #tpu.memory_space<vmem>>[vector<16xi32>], vector<16xf32>,
      %gather3A_594 = tpu.vector_load_idx %arg10[%get3A_588] : memref<10112xf32, #tpu.memory_space<vmem>>[vector<16xi32>], vector<16xf32>,
      tpu.vector_store_idx %arg14[%get3A_590], %gather3A_594 {add = true} : memref<10112xf32, #tpu.memory_space<vmem>>[vector<16xi32>], vector<16xf32>,
      %jit3A_595 = arith.constant 16 : i32
      %eq3A_596 = arith.constant 0 : i32
      %eq3A_597 = arith.cmpi eq, %jit3A_595, %eq3A_596 : i32
      %jit3A_598 = arith.constant 1 : i32
      %select_n3A_599 = arith.select %eq3A_597, %jit3A_598, %jit3A_595 : i32
      %rem3A_600 = arith.remsi %scan3A_70, %select_n3A_599 : i32
      %ne3A_601 = arith.constant 0 : i32
      %ne3A_602 = arith.cmpi ne, %rem3A_600, %ne3A_601 : i32
      %lt3A_603 = arith.constant 0 : i32
      %lt3A_604 = arith.cmpi slt, %rem3A_600, %lt3A_603 : i32
      %lt3A_605 = arith.constant 0 : i32
      %lt3A_606 = arith.cmpi slt, %select_n3A_599, %lt3A_605 : i32
      %ne3A_607 = arith.xori %lt3A_604, %lt3A_606 : i1
      %and3A_608 = arith.andi %ne3A_607, %ne3A_602 : i1
      %add3A_609 = arith.addi %rem3A_600, %select_n3A_599 : i32
      %select_n3A_610 = arith.select %and3A_608, %add3A_609, %rem3A_600 : i32
      %eq3A_611 = arith.cmpi eq, %select_n3A_610, %arg1 : i32
      %eq3A_612 = arith.constant 0 : i32
      %eq3A_613 = arith.cmpi eq, %arg0, %eq3A_612 : i32
      %and3A_614 = arith.andi %eq3A_611, %eq3A_613 : i1
      %broadcast_in_dim3A_615 = vector.broadcast %and3A_614 : i1 to vector<16xi1>
      tpu.vector_store_idx %arg15[%get3A_590], %broadcast_in_dim3A_40 masked %broadcast_in_dim3A_615 {add = true} : memref<10112xf32, #tpu.memory_space<vmem>>[vector<16xi32>], vector<16xf32>, vector<16xi1>
      %get3A_616 = arith.constant 304 : index
      %get3A_617 = tpu.vector_load %arg16[%get3A_616] {strides = array<i32>} : memref<512xi32, #tpu.memory_space<vmem>>, vector<16xi32>,
      %get3A_618 = arith.constant 304 : index
      %get3A_619 = tpu.vector_load %arg17[%get3A_618] {strides = array<i32>} : memref<512xi32, #tpu.memory_space<vmem>>, vector<16xi32>,
      %gather3A_620 = tpu.vector_load_idx %arg7[%get3A_617] : memref<10112xf32, #tpu.memory_space<vmem>>[vector<16xi32>], vector<16xf32>,
      tpu.vector_store_idx %arg11[%get3A_619], %gather3A_620 {add = true} : memref<10112xf32, #tpu.memory_space<vmem>>[vector<16xi32>], vector<16xf32>,
      %gather3A_621 = tpu.vector_load_idx %arg8[%get3A_617] : memref<10112xf32, #tpu.memory_space<vmem>>[vector<16xi32>], vector<16xf32>,
      tpu.vector_store_idx %arg12[%get3A_619], %gather3A_621 {add = true} : memref<10112xf32, #tpu.memory_space<vmem>>[vector<16xi32>], vector<16xf32>,
      %gather3A_622 = tpu.vector_load_idx %arg9[%get3A_617] : memref<10112xf32, #tpu.memory_space<vmem>>[vector<16xi32>], vector<16xf32>,
      tpu.vector_store_idx %arg13[%get3A_619], %gather3A_622 {add = true} : memref<10112xf32, #tpu.memory_space<vmem>>[vector<16xi32>], vector<16xf32>,
      %gather3A_623 = tpu.vector_load_idx %arg10[%get3A_617] : memref<10112xf32, #tpu.memory_space<vmem>>[vector<16xi32>], vector<16xf32>,
      tpu.vector_store_idx %arg14[%get3A_619], %gather3A_623 {add = true} : memref<10112xf32, #tpu.memory_space<vmem>>[vector<16xi32>], vector<16xf32>,
      %jit3A_624 = arith.constant 16 : i32
      %eq3A_625 = arith.constant 0 : i32
      %eq3A_626 = arith.cmpi eq, %jit3A_624, %eq3A_625 : i32
      %jit3A_627 = arith.constant 1 : i32
      %select_n3A_628 = arith.select %eq3A_626, %jit3A_627, %jit3A_624 : i32
      %rem3A_629 = arith.remsi %scan3A_70, %select_n3A_628 : i32
      %ne3A_630 = arith.constant 0 : i32
      %ne3A_631 = arith.cmpi ne, %rem3A_629, %ne3A_630 : i32
      %lt3A_632 = arith.constant 0 : i32
      %lt3A_633 = arith.cmpi slt, %rem3A_629, %lt3A_632 : i32
      %lt3A_634 = arith.constant 0 : i32
      %lt3A_635 = arith.cmpi slt, %select_n3A_628, %lt3A_634 : i32
      %ne3A_636 = arith.xori %lt3A_633, %lt3A_635 : i1
      %and3A_637 = arith.andi %ne3A_636, %ne3A_631 : i1
      %add3A_638 = arith.addi %rem3A_629, %select_n3A_628 : i32
      %select_n3A_639 = arith.select %and3A_637, %add3A_638, %rem3A_629 : i32
      %eq3A_640 = arith.cmpi eq, %select_n3A_639, %arg1 : i32
      %eq3A_641 = arith.constant 0 : i32
      %eq3A_642 = arith.cmpi eq, %arg0, %eq3A_641 : i32
      %and3A_643 = arith.andi %eq3A_640, %eq3A_642 : i1
      %broadcast_in_dim3A_644 = vector.broadcast %and3A_643 : i1 to vector<16xi1>
      tpu.vector_store_idx %arg15[%get3A_619], %broadcast_in_dim3A_40 masked %broadcast_in_dim3A_644 {add = true} : memref<10112xf32, #tpu.memory_space<vmem>>[vector<16xi32>], vector<16xf32>, vector<16xi1>
      %get3A_645 = arith.constant 320 : index
      %get3A_646 = tpu.vector_load %arg16[%get3A_645] {strides = array<i32>} : memref<512xi32, #tpu.memory_space<vmem>>, vector<16xi32>,
      %get3A_647 = arith.constant 320 : index
      %get3A_648 = tpu.vector_load %arg17[%get3A_647] {strides = array<i32>} : memref<512xi32, #tpu.memory_space<vmem>>, vector<16xi32>,
      %gather3A_649 = tpu.vector_load_idx %arg7[%get3A_646] : memref<10112xf32, #tpu.memory_space<vmem>>[vector<16xi32>], vector<16xf32>,
      tpu.vector_store_idx %arg11[%get3A_648], %gather3A_649 {add = true} : memref<10112xf32, #tpu.memory_space<vmem>>[vector<16xi32>], vector<16xf32>,
      %gather3A_650 = tpu.vector_load_idx %arg8[%get3A_646] : memref<10112xf32, #tpu.memory_space<vmem>>[vector<16xi32>], vector<16xf32>,
      tpu.vector_store_idx %arg12[%get3A_648], %gather3A_650 {add = true} : memref<10112xf32, #tpu.memory_space<vmem>>[vector<16xi32>], vector<16xf32>,
      %gather3A_651 = tpu.vector_load_idx %arg9[%get3A_646] : memref<10112xf32, #tpu.memory_space<vmem>>[vector<16xi32>], vector<16xf32>,
      tpu.vector_store_idx %arg13[%get3A_648], %gather3A_651 {add = true} : memref<10112xf32, #tpu.memory_space<vmem>>[vector<16xi32>], vector<16xf32>,
      %gather3A_652 = tpu.vector_load_idx %arg10[%get3A_646] : memref<10112xf32, #tpu.memory_space<vmem>>[vector<16xi32>], vector<16xf32>,
      tpu.vector_store_idx %arg14[%get3A_648], %gather3A_652 {add = true} : memref<10112xf32, #tpu.memory_space<vmem>>[vector<16xi32>], vector<16xf32>,
      %jit3A_653 = arith.constant 16 : i32
      %eq3A_654 = arith.constant 0 : i32
      %eq3A_655 = arith.cmpi eq, %jit3A_653, %eq3A_654 : i32
      %jit3A_656 = arith.constant 1 : i32
      %select_n3A_657 = arith.select %eq3A_655, %jit3A_656, %jit3A_653 : i32
      %rem3A_658 = arith.remsi %scan3A_70, %select_n3A_657 : i32
      %ne3A_659 = arith.constant 0 : i32
      %ne3A_660 = arith.cmpi ne, %rem3A_658, %ne3A_659 : i32
      %lt3A_661 = arith.constant 0 : i32
      %lt3A_662 = arith.cmpi slt, %rem3A_658, %lt3A_661 : i32
      %lt3A_663 = arith.constant 0 : i32
      %lt3A_664 = arith.cmpi slt, %select_n3A_657, %lt3A_663 : i32
      %ne3A_665 = arith.xori %lt3A_662, %lt3A_664 : i1
      %and3A_666 = arith.andi %ne3A_665, %ne3A_660 : i1
      %add3A_667 = arith.addi %rem3A_658, %select_n3A_657 : i32
      %select_n3A_668 = arith.select %and3A_666, %add3A_667, %rem3A_658 : i32
      %eq3A_669 = arith.cmpi eq, %select_n3A_668, %arg1 : i32
      %eq3A_670 = arith.constant 0 : i32
      %eq3A_671 = arith.cmpi eq, %arg0, %eq3A_670 : i32
      %and3A_672 = arith.andi %eq3A_669, %eq3A_671 : i1
      %broadcast_in_dim3A_673 = vector.broadcast %and3A_672 : i1 to vector<16xi1>
      tpu.vector_store_idx %arg15[%get3A_648], %broadcast_in_dim3A_40 masked %broadcast_in_dim3A_673 {add = true} : memref<10112xf32, #tpu.memory_space<vmem>>[vector<16xi32>], vector<16xf32>, vector<16xi1>
      %get3A_674 = arith.constant 336 : index
      %get3A_675 = tpu.vector_load %arg16[%get3A_674] {strides = array<i32>} : memref<512xi32, #tpu.memory_space<vmem>>, vector<16xi32>,
      %get3A_676 = arith.constant 336 : index
      %get3A_677 = tpu.vector_load %arg17[%get3A_676] {strides = array<i32>} : memref<512xi32, #tpu.memory_space<vmem>>, vector<16xi32>,
      %gather3A_678 = tpu.vector_load_idx %arg7[%get3A_675] : memref<10112xf32, #tpu.memory_space<vmem>>[vector<16xi32>], vector<16xf32>,
      tpu.vector_store_idx %arg11[%get3A_677], %gather3A_678 {add = true} : memref<10112xf32, #tpu.memory_space<vmem>>[vector<16xi32>], vector<16xf32>,
      %gather3A_679 = tpu.vector_load_idx %arg8[%get3A_675] : memref<10112xf32, #tpu.memory_space<vmem>>[vector<16xi32>], vector<16xf32>,
      tpu.vector_store_idx %arg12[%get3A_677], %gather3A_679 {add = true} : memref<10112xf32, #tpu.memory_space<vmem>>[vector<16xi32>], vector<16xf32>,
      %gather3A_680 = tpu.vector_load_idx %arg9[%get3A_675] : memref<10112xf32, #tpu.memory_space<vmem>>[vector<16xi32>], vector<16xf32>,
      tpu.vector_store_idx %arg13[%get3A_677], %gather3A_680 {add = true} : memref<10112xf32, #tpu.memory_space<vmem>>[vector<16xi32>], vector<16xf32>,
      %gather3A_681 = tpu.vector_load_idx %arg10[%get3A_675] : memref<10112xf32, #tpu.memory_space<vmem>>[vector<16xi32>], vector<16xf32>,
      tpu.vector_store_idx %arg14[%get3A_677], %gather3A_681 {add = true} : memref<10112xf32, #tpu.memory_space<vmem>>[vector<16xi32>], vector<16xf32>,
      %jit3A_682 = arith.constant 16 : i32
      %eq3A_683 = arith.constant 0 : i32
      %eq3A_684 = arith.cmpi eq, %jit3A_682, %eq3A_683 : i32
      %jit3A_685 = arith.constant 1 : i32
      %select_n3A_686 = arith.select %eq3A_684, %jit3A_685, %jit3A_682 : i32
      %rem3A_687 = arith.remsi %scan3A_70, %select_n3A_686 : i32
      %ne3A_688 = arith.constant 0 : i32
      %ne3A_689 = arith.cmpi ne, %rem3A_687, %ne3A_688 : i32
      %lt3A_690 = arith.constant 0 : i32
      %lt3A_691 = arith.cmpi slt, %rem3A_687, %lt3A_690 : i32
      %lt3A_692 = arith.constant 0 : i32
      %lt3A_693 = arith.cmpi slt, %select_n3A_686, %lt3A_692 : i32
      %ne3A_694 = arith.xori %lt3A_691, %lt3A_693 : i1
      %and3A_695 = arith.andi %ne3A_694, %ne3A_689 : i1
      %add3A_696 = arith.addi %rem3A_687, %select_n3A_686 : i32
      %select_n3A_697 = arith.select %and3A_695, %add3A_696, %rem3A_687 : i32
      %eq3A_698 = arith.cmpi eq, %select_n3A_697, %arg1 : i32
      %eq3A_699 = arith.constant 0 : i32
      %eq3A_700 = arith.cmpi eq, %arg0, %eq3A_699 : i32
      %and3A_701 = arith.andi %eq3A_698, %eq3A_700 : i1
      %broadcast_in_dim3A_702 = vector.broadcast %and3A_701 : i1 to vector<16xi1>
      tpu.vector_store_idx %arg15[%get3A_677], %broadcast_in_dim3A_40 masked %broadcast_in_dim3A_702 {add = true} : memref<10112xf32, #tpu.memory_space<vmem>>[vector<16xi32>], vector<16xf32>, vector<16xi1>
      %get3A_703 = arith.constant 352 : index
      %get3A_704 = tpu.vector_load %arg16[%get3A_703] {strides = array<i32>} : memref<512xi32, #tpu.memory_space<vmem>>, vector<16xi32>,
      %get3A_705 = arith.constant 352 : index
      %get3A_706 = tpu.vector_load %arg17[%get3A_705] {strides = array<i32>} : memref<512xi32, #tpu.memory_space<vmem>>, vector<16xi32>,
      %gather3A_707 = tpu.vector_load_idx %arg7[%get3A_704] : memref<10112xf32, #tpu.memory_space<vmem>>[vector<16xi32>], vector<16xf32>,
      tpu.vector_store_idx %arg11[%get3A_706], %gather3A_707 {add = true} : memref<10112xf32, #tpu.memory_space<vmem>>[vector<16xi32>], vector<16xf32>,
      %gather3A_708 = tpu.vector_load_idx %arg8[%get3A_704] : memref<10112xf32, #tpu.memory_space<vmem>>[vector<16xi32>], vector<16xf32>,
      tpu.vector_store_idx %arg12[%get3A_706], %gather3A_708 {add = true} : memref<10112xf32, #tpu.memory_space<vmem>>[vector<16xi32>], vector<16xf32>,
      %gather3A_709 = tpu.vector_load_idx %arg9[%get3A_704] : memref<10112xf32, #tpu.memory_space<vmem>>[vector<16xi32>], vector<16xf32>,
      tpu.vector_store_idx %arg13[%get3A_706], %gather3A_709 {add = true} : memref<10112xf32, #tpu.memory_space<vmem>>[vector<16xi32>], vector<16xf32>,
      %gather3A_710 = tpu.vector_load_idx %arg10[%get3A_704] : memref<10112xf32, #tpu.memory_space<vmem>>[vector<16xi32>], vector<16xf32>,
      tpu.vector_store_idx %arg14[%get3A_706], %gather3A_710 {add = true} : memref<10112xf32, #tpu.memory_space<vmem>>[vector<16xi32>], vector<16xf32>,
      %jit3A_711 = arith.constant 16 : i32
      %eq3A_712 = arith.constant 0 : i32
      %eq3A_713 = arith.cmpi eq, %jit3A_711, %eq3A_712 : i32
      %jit3A_714 = arith.constant 1 : i32
      %select_n3A_715 = arith.select %eq3A_713, %jit3A_714, %jit3A_711 : i32
      %rem3A_716 = arith.remsi %scan3A_70, %select_n3A_715 : i32
      %ne3A_717 = arith.constant 0 : i32
      %ne3A_718 = arith.cmpi ne, %rem3A_716, %ne3A_717 : i32
      %lt3A_719 = arith.constant 0 : i32
      %lt3A_720 = arith.cmpi slt, %rem3A_716, %lt3A_719 : i32
      %lt3A_721 = arith.constant 0 : i32
      %lt3A_722 = arith.cmpi slt, %select_n3A_715, %lt3A_721 : i32
      %ne3A_723 = arith.xori %lt3A_720, %lt3A_722 : i1
      %and3A_724 = arith.andi %ne3A_723, %ne3A_718 : i1
      %add3A_725 = arith.addi %rem3A_716, %select_n3A_715 : i32
      %select_n3A_726 = arith.select %and3A_724, %add3A_725, %rem3A_716 : i32
      %eq3A_727 = arith.cmpi eq, %select_n3A_726, %arg1 : i32
      %eq3A_728 = arith.constant 0 : i32
      %eq3A_729 = arith.cmpi eq, %arg0, %eq3A_728 : i32
      %and3A_730 = arith.andi %eq3A_727, %eq3A_729 : i1
      %broadcast_in_dim3A_731 = vector.broadcast %and3A_730 : i1 to vector<16xi1>
      tpu.vector_store_idx %arg15[%get3A_706], %broadcast_in_dim3A_40 masked %broadcast_in_dim3A_731 {add = true} : memref<10112xf32, #tpu.memory_space<vmem>>[vector<16xi32>], vector<16xf32>, vector<16xi1>
      %get3A_732 = arith.constant 368 : index
      %get3A_733 = tpu.vector_load %arg16[%get3A_732] {strides = array<i32>} : memref<512xi32, #tpu.memory_space<vmem>>, vector<16xi32>,
      %get3A_734 = arith.constant 368 : index
      %get3A_735 = tpu.vector_load %arg17[%get3A_734] {strides = array<i32>} : memref<512xi32, #tpu.memory_space<vmem>>, vector<16xi32>,
      %gather3A_736 = tpu.vector_load_idx %arg7[%get3A_733] : memref<10112xf32, #tpu.memory_space<vmem>>[vector<16xi32>], vector<16xf32>,
      tpu.vector_store_idx %arg11[%get3A_735], %gather3A_736 {add = true} : memref<10112xf32, #tpu.memory_space<vmem>>[vector<16xi32>], vector<16xf32>,
      %gather3A_737 = tpu.vector_load_idx %arg8[%get3A_733] : memref<10112xf32, #tpu.memory_space<vmem>>[vector<16xi32>], vector<16xf32>,
      tpu.vector_store_idx %arg12[%get3A_735], %gather3A_737 {add = true} : memref<10112xf32, #tpu.memory_space<vmem>>[vector<16xi32>], vector<16xf32>,
      %gather3A_738 = tpu.vector_load_idx %arg9[%get3A_733] : memref<10112xf32, #tpu.memory_space<vmem>>[vector<16xi32>], vector<16xf32>,
      tpu.vector_store_idx %arg13[%get3A_735], %gather3A_738 {add = true} : memref<10112xf32, #tpu.memory_space<vmem>>[vector<16xi32>], vector<16xf32>,
      %gather3A_739 = tpu.vector_load_idx %arg10[%get3A_733] : memref<10112xf32, #tpu.memory_space<vmem>>[vector<16xi32>], vector<16xf32>,
      tpu.vector_store_idx %arg14[%get3A_735], %gather3A_739 {add = true} : memref<10112xf32, #tpu.memory_space<vmem>>[vector<16xi32>], vector<16xf32>,
      %jit3A_740 = arith.constant 16 : i32
      %eq3A_741 = arith.constant 0 : i32
      %eq3A_742 = arith.cmpi eq, %jit3A_740, %eq3A_741 : i32
      %jit3A_743 = arith.constant 1 : i32
      %select_n3A_744 = arith.select %eq3A_742, %jit3A_743, %jit3A_740 : i32
      %rem3A_745 = arith.remsi %scan3A_70, %select_n3A_744 : i32
      %ne3A_746 = arith.constant 0 : i32
      %ne3A_747 = arith.cmpi ne, %rem3A_745, %ne3A_746 : i32
      %lt3A_748 = arith.constant 0 : i32
      %lt3A_749 = arith.cmpi slt, %rem3A_745, %lt3A_748 : i32
      %lt3A_750 = arith.constant 0 : i32
      %lt3A_751 = arith.cmpi slt, %select_n3A_744, %lt3A_750 : i32
      %ne3A_752 = arith.xori %lt3A_749, %lt3A_751 : i1
      %and3A_753 = arith.andi %ne3A_752, %ne3A_747 : i1
      %add3A_754 = arith.addi %rem3A_745, %select_n3A_744 : i32
      %select_n3A_755 = arith.select %and3A_753, %add3A_754, %rem3A_745 : i32
      %eq3A_756 = arith.cmpi eq, %select_n3A_755, %arg1 : i32
      %eq3A_757 = arith.constant 0 : i32
      %eq3A_758 = arith.cmpi eq, %arg0, %eq3A_757 : i32
      %and3A_759 = arith.andi %eq3A_756, %eq3A_758 : i1
      %broadcast_in_dim3A_760 = vector.broadcast %and3A_759 : i1 to vector<16xi1>
      tpu.vector_store_idx %arg15[%get3A_735], %broadcast_in_dim3A_40 masked %broadcast_in_dim3A_760 {add = true} : memref<10112xf32, #tpu.memory_space<vmem>>[vector<16xi32>], vector<16xf32>, vector<16xi1>
      %get3A_761 = arith.constant 384 : index
      %get3A_762 = tpu.vector_load %arg16[%get3A_761] {strides = array<i32>} : memref<512xi32, #tpu.memory_space<vmem>>, vector<16xi32>,
      %get3A_763 = arith.constant 384 : index
      %get3A_764 = tpu.vector_load %arg17[%get3A_763] {strides = array<i32>} : memref<512xi32, #tpu.memory_space<vmem>>, vector<16xi32>,
      %gather3A_765 = tpu.vector_load_idx %arg7[%get3A_762] : memref<10112xf32, #tpu.memory_space<vmem>>[vector<16xi32>], vector<16xf32>,
      tpu.vector_store_idx %arg11[%get3A_764], %gather3A_765 {add = true} : memref<10112xf32, #tpu.memory_space<vmem>>[vector<16xi32>], vector<16xf32>,
      %gather3A_766 = tpu.vector_load_idx %arg8[%get3A_762] : memref<10112xf32, #tpu.memory_space<vmem>>[vector<16xi32>], vector<16xf32>,
      tpu.vector_store_idx %arg12[%get3A_764], %gather3A_766 {add = true} : memref<10112xf32, #tpu.memory_space<vmem>>[vector<16xi32>], vector<16xf32>,
      %gather3A_767 = tpu.vector_load_idx %arg9[%get3A_762] : memref<10112xf32, #tpu.memory_space<vmem>>[vector<16xi32>], vector<16xf32>,
      tpu.vector_store_idx %arg13[%get3A_764], %gather3A_767 {add = true} : memref<10112xf32, #tpu.memory_space<vmem>>[vector<16xi32>], vector<16xf32>,
      %gather3A_768 = tpu.vector_load_idx %arg10[%get3A_762] : memref<10112xf32, #tpu.memory_space<vmem>>[vector<16xi32>], vector<16xf32>,
      tpu.vector_store_idx %arg14[%get3A_764], %gather3A_768 {add = true} : memref<10112xf32, #tpu.memory_space<vmem>>[vector<16xi32>], vector<16xf32>,
      %jit3A_769 = arith.constant 16 : i32
      %eq3A_770 = arith.constant 0 : i32
      %eq3A_771 = arith.cmpi eq, %jit3A_769, %eq3A_770 : i32
      %jit3A_772 = arith.constant 1 : i32
      %select_n3A_773 = arith.select %eq3A_771, %jit3A_772, %jit3A_769 : i32
      %rem3A_774 = arith.remsi %scan3A_70, %select_n3A_773 : i32
      %ne3A_775 = arith.constant 0 : i32
      %ne3A_776 = arith.cmpi ne, %rem3A_774, %ne3A_775 : i32
      %lt3A_777 = arith.constant 0 : i32
      %lt3A_778 = arith.cmpi slt, %rem3A_774, %lt3A_777 : i32
      %lt3A_779 = arith.constant 0 : i32
      %lt3A_780 = arith.cmpi slt, %select_n3A_773, %lt3A_779 : i32
      %ne3A_781 = arith.xori %lt3A_778, %lt3A_780 : i1
      %and3A_782 = arith.andi %ne3A_781, %ne3A_776 : i1
      %add3A_783 = arith.addi %rem3A_774, %select_n3A_773 : i32
      %select_n3A_784 = arith.select %and3A_782, %add3A_783, %rem3A_774 : i32
      %eq3A_785 = arith.cmpi eq, %select_n3A_784, %arg1 : i32
      %eq3A_786 = arith.constant 0 : i32
      %eq3A_787 = arith.cmpi eq, %arg0, %eq3A_786 : i32
      %and3A_788 = arith.andi %eq3A_785, %eq3A_787 : i1
      %broadcast_in_dim3A_789 = vector.broadcast %and3A_788 : i1 to vector<16xi1>
      tpu.vector_store_idx %arg15[%get3A_764], %broadcast_in_dim3A_40 masked %broadcast_in_dim3A_789 {add = true} : memref<10112xf32, #tpu.memory_space<vmem>>[vector<16xi32>], vector<16xf32>, vector<16xi1>
      %get3A_790 = arith.constant 400 : index
      %get3A_791 = tpu.vector_load %arg16[%get3A_790] {strides = array<i32>} : memref<512xi32, #tpu.memory_space<vmem>>, vector<16xi32>,
      %get3A_792 = arith.constant 400 : index
      %get3A_793 = tpu.vector_load %arg17[%get3A_792] {strides = array<i32>} : memref<512xi32, #tpu.memory_space<vmem>>, vector<16xi32>,
      %gather3A_794 = tpu.vector_load_idx %arg7[%get3A_791] : memref<10112xf32, #tpu.memory_space<vmem>>[vector<16xi32>], vector<16xf32>,
      tpu.vector_store_idx %arg11[%get3A_793], %gather3A_794 {add = true} : memref<10112xf32, #tpu.memory_space<vmem>>[vector<16xi32>], vector<16xf32>,
      %gather3A_795 = tpu.vector_load_idx %arg8[%get3A_791] : memref<10112xf32, #tpu.memory_space<vmem>>[vector<16xi32>], vector<16xf32>,
      tpu.vector_store_idx %arg12[%get3A_793], %gather3A_795 {add = true} : memref<10112xf32, #tpu.memory_space<vmem>>[vector<16xi32>], vector<16xf32>,
      %gather3A_796 = tpu.vector_load_idx %arg9[%get3A_791] : memref<10112xf32, #tpu.memory_space<vmem>>[vector<16xi32>], vector<16xf32>,
      tpu.vector_store_idx %arg13[%get3A_793], %gather3A_796 {add = true} : memref<10112xf32, #tpu.memory_space<vmem>>[vector<16xi32>], vector<16xf32>,
      %gather3A_797 = tpu.vector_load_idx %arg10[%get3A_791] : memref<10112xf32, #tpu.memory_space<vmem>>[vector<16xi32>], vector<16xf32>,
      tpu.vector_store_idx %arg14[%get3A_793], %gather3A_797 {add = true} : memref<10112xf32, #tpu.memory_space<vmem>>[vector<16xi32>], vector<16xf32>,
      %jit3A_798 = arith.constant 16 : i32
      %eq3A_799 = arith.constant 0 : i32
      %eq3A_800 = arith.cmpi eq, %jit3A_798, %eq3A_799 : i32
      %jit3A_801 = arith.constant 1 : i32
      %select_n3A_802 = arith.select %eq3A_800, %jit3A_801, %jit3A_798 : i32
      %rem3A_803 = arith.remsi %scan3A_70, %select_n3A_802 : i32
      %ne3A_804 = arith.constant 0 : i32
      %ne3A_805 = arith.cmpi ne, %rem3A_803, %ne3A_804 : i32
      %lt3A_806 = arith.constant 0 : i32
      %lt3A_807 = arith.cmpi slt, %rem3A_803, %lt3A_806 : i32
      %lt3A_808 = arith.constant 0 : i32
      %lt3A_809 = arith.cmpi slt, %select_n3A_802, %lt3A_808 : i32
      %ne3A_810 = arith.xori %lt3A_807, %lt3A_809 : i1
      %and3A_811 = arith.andi %ne3A_810, %ne3A_805 : i1
      %add3A_812 = arith.addi %rem3A_803, %select_n3A_802 : i32
      %select_n3A_813 = arith.select %and3A_811, %add3A_812, %rem3A_803 : i32
      %eq3A_814 = arith.cmpi eq, %select_n3A_813, %arg1 : i32
      %eq3A_815 = arith.constant 0 : i32
      %eq3A_816 = arith.cmpi eq, %arg0, %eq3A_815 : i32
      %and3A_817 = arith.andi %eq3A_814, %eq3A_816 : i1
      %broadcast_in_dim3A_818 = vector.broadcast %and3A_817 : i1 to vector<16xi1>
      tpu.vector_store_idx %arg15[%get3A_793], %broadcast_in_dim3A_40 masked %broadcast_in_dim3A_818 {add = true} : memref<10112xf32, #tpu.memory_space<vmem>>[vector<16xi32>], vector<16xf32>, vector<16xi1>
      %get3A_819 = arith.constant 416 : index
      %get3A_820 = tpu.vector_load %arg16[%get3A_819] {strides = array<i32>} : memref<512xi32, #tpu.memory_space<vmem>>, vector<16xi32>,
      %get3A_821 = arith.constant 416 : index
      %get3A_822 = tpu.vector_load %arg17[%get3A_821] {strides = array<i32>} : memref<512xi32, #tpu.memory_space<vmem>>, vector<16xi32>,
      %gather3A_823 = tpu.vector_load_idx %arg7[%get3A_820] : memref<10112xf32, #tpu.memory_space<vmem>>[vector<16xi32>], vector<16xf32>,
      tpu.vector_store_idx %arg11[%get3A_822], %gather3A_823 {add = true} : memref<10112xf32, #tpu.memory_space<vmem>>[vector<16xi32>], vector<16xf32>,
      %gather3A_824 = tpu.vector_load_idx %arg8[%get3A_820] : memref<10112xf32, #tpu.memory_space<vmem>>[vector<16xi32>], vector<16xf32>,
      tpu.vector_store_idx %arg12[%get3A_822], %gather3A_824 {add = true} : memref<10112xf32, #tpu.memory_space<vmem>>[vector<16xi32>], vector<16xf32>,
      %gather3A_825 = tpu.vector_load_idx %arg9[%get3A_820] : memref<10112xf32, #tpu.memory_space<vmem>>[vector<16xi32>], vector<16xf32>,
      tpu.vector_store_idx %arg13[%get3A_822], %gather3A_825 {add = true} : memref<10112xf32, #tpu.memory_space<vmem>>[vector<16xi32>], vector<16xf32>,
      %gather3A_826 = tpu.vector_load_idx %arg10[%get3A_820] : memref<10112xf32, #tpu.memory_space<vmem>>[vector<16xi32>], vector<16xf32>,
      tpu.vector_store_idx %arg14[%get3A_822], %gather3A_826 {add = true} : memref<10112xf32, #tpu.memory_space<vmem>>[vector<16xi32>], vector<16xf32>,
      %jit3A_827 = arith.constant 16 : i32
      %eq3A_828 = arith.constant 0 : i32
      %eq3A_829 = arith.cmpi eq, %jit3A_827, %eq3A_828 : i32
      %jit3A_830 = arith.constant 1 : i32
      %select_n3A_831 = arith.select %eq3A_829, %jit3A_830, %jit3A_827 : i32
      %rem3A_832 = arith.remsi %scan3A_70, %select_n3A_831 : i32
      %ne3A_833 = arith.constant 0 : i32
      %ne3A_834 = arith.cmpi ne, %rem3A_832, %ne3A_833 : i32
      %lt3A_835 = arith.constant 0 : i32
      %lt3A_836 = arith.cmpi slt, %rem3A_832, %lt3A_835 : i32
      %lt3A_837 = arith.constant 0 : i32
      %lt3A_838 = arith.cmpi slt, %select_n3A_831, %lt3A_837 : i32
      %ne3A_839 = arith.xori %lt3A_836, %lt3A_838 : i1
      %and3A_840 = arith.andi %ne3A_839, %ne3A_834 : i1
      %add3A_841 = arith.addi %rem3A_832, %select_n3A_831 : i32
      %select_n3A_842 = arith.select %and3A_840, %add3A_841, %rem3A_832 : i32
      %eq3A_843 = arith.cmpi eq, %select_n3A_842, %arg1 : i32
      %eq3A_844 = arith.constant 0 : i32
      %eq3A_845 = arith.cmpi eq, %arg0, %eq3A_844 : i32
      %and3A_846 = arith.andi %eq3A_843, %eq3A_845 : i1
      %broadcast_in_dim3A_847 = vector.broadcast %and3A_846 : i1 to vector<16xi1>
      tpu.vector_store_idx %arg15[%get3A_822], %broadcast_in_dim3A_40 masked %broadcast_in_dim3A_847 {add = true} : memref<10112xf32, #tpu.memory_space<vmem>>[vector<16xi32>], vector<16xf32>, vector<16xi1>
      %get3A_848 = arith.constant 432 : index
      %get3A_849 = tpu.vector_load %arg16[%get3A_848] {strides = array<i32>} : memref<512xi32, #tpu.memory_space<vmem>>, vector<16xi32>,
      %get3A_850 = arith.constant 432 : index
      %get3A_851 = tpu.vector_load %arg17[%get3A_850] {strides = array<i32>} : memref<512xi32, #tpu.memory_space<vmem>>, vector<16xi32>,
      %gather3A_852 = tpu.vector_load_idx %arg7[%get3A_849] : memref<10112xf32, #tpu.memory_space<vmem>>[vector<16xi32>], vector<16xf32>,
      tpu.vector_store_idx %arg11[%get3A_851], %gather3A_852 {add = true} : memref<10112xf32, #tpu.memory_space<vmem>>[vector<16xi32>], vector<16xf32>,
      %gather3A_853 = tpu.vector_load_idx %arg8[%get3A_849] : memref<10112xf32, #tpu.memory_space<vmem>>[vector<16xi32>], vector<16xf32>,
      tpu.vector_store_idx %arg12[%get3A_851], %gather3A_853 {add = true} : memref<10112xf32, #tpu.memory_space<vmem>>[vector<16xi32>], vector<16xf32>,
      %gather3A_854 = tpu.vector_load_idx %arg9[%get3A_849] : memref<10112xf32, #tpu.memory_space<vmem>>[vector<16xi32>], vector<16xf32>,
      tpu.vector_store_idx %arg13[%get3A_851], %gather3A_854 {add = true} : memref<10112xf32, #tpu.memory_space<vmem>>[vector<16xi32>], vector<16xf32>,
      %gather3A_855 = tpu.vector_load_idx %arg10[%get3A_849] : memref<10112xf32, #tpu.memory_space<vmem>>[vector<16xi32>], vector<16xf32>,
      tpu.vector_store_idx %arg14[%get3A_851], %gather3A_855 {add = true} : memref<10112xf32, #tpu.memory_space<vmem>>[vector<16xi32>], vector<16xf32>,
      %jit3A_856 = arith.constant 16 : i32
      %eq3A_857 = arith.constant 0 : i32
      %eq3A_858 = arith.cmpi eq, %jit3A_856, %eq3A_857 : i32
      %jit3A_859 = arith.constant 1 : i32
      %select_n3A_860 = arith.select %eq3A_858, %jit3A_859, %jit3A_856 : i32
      %rem3A_861 = arith.remsi %scan3A_70, %select_n3A_860 : i32
      %ne3A_862 = arith.constant 0 : i32
      %ne3A_863 = arith.cmpi ne, %rem3A_861, %ne3A_862 : i32
      %lt3A_864 = arith.constant 0 : i32
      %lt3A_865 = arith.cmpi slt, %rem3A_861, %lt3A_864 : i32
      %lt3A_866 = arith.constant 0 : i32
      %lt3A_867 = arith.cmpi slt, %select_n3A_860, %lt3A_866 : i32
      %ne3A_868 = arith.xori %lt3A_865, %lt3A_867 : i1
      %and3A_869 = arith.andi %ne3A_868, %ne3A_863 : i1
      %add3A_870 = arith.addi %rem3A_861, %select_n3A_860 : i32
      %select_n3A_871 = arith.select %and3A_869, %add3A_870, %rem3A_861 : i32
      %eq3A_872 = arith.cmpi eq, %select_n3A_871, %arg1 : i32
      %eq3A_873 = arith.constant 0 : i32
      %eq3A_874 = arith.cmpi eq, %arg0, %eq3A_873 : i32
      %and3A_875 = arith.andi %eq3A_872, %eq3A_874 : i1
      %broadcast_in_dim3A_876 = vector.broadcast %and3A_875 : i1 to vector<16xi1>
      tpu.vector_store_idx %arg15[%get3A_851], %broadcast_in_dim3A_40 masked %broadcast_in_dim3A_876 {add = true} : memref<10112xf32, #tpu.memory_space<vmem>>[vector<16xi32>], vector<16xf32>, vector<16xi1>
      %get3A_877 = arith.constant 448 : index
      %get3A_878 = tpu.vector_load %arg16[%get3A_877] {strides = array<i32>} : memref<512xi32, #tpu.memory_space<vmem>>, vector<16xi32>,
      %get3A_879 = arith.constant 448 : index
      %get3A_880 = tpu.vector_load %arg17[%get3A_879] {strides = array<i32>} : memref<512xi32, #tpu.memory_space<vmem>>, vector<16xi32>,
      %gather3A_881 = tpu.vector_load_idx %arg7[%get3A_878] : memref<10112xf32, #tpu.memory_space<vmem>>[vector<16xi32>], vector<16xf32>,
      tpu.vector_store_idx %arg11[%get3A_880], %gather3A_881 {add = true} : memref<10112xf32, #tpu.memory_space<vmem>>[vector<16xi32>], vector<16xf32>,
      %gather3A_882 = tpu.vector_load_idx %arg8[%get3A_878] : memref<10112xf32, #tpu.memory_space<vmem>>[vector<16xi32>], vector<16xf32>,
      tpu.vector_store_idx %arg12[%get3A_880], %gather3A_882 {add = true} : memref<10112xf32, #tpu.memory_space<vmem>>[vector<16xi32>], vector<16xf32>,
      %gather3A_883 = tpu.vector_load_idx %arg9[%get3A_878] : memref<10112xf32, #tpu.memory_space<vmem>>[vector<16xi32>], vector<16xf32>,
      tpu.vector_store_idx %arg13[%get3A_880], %gather3A_883 {add = true} : memref<10112xf32, #tpu.memory_space<vmem>>[vector<16xi32>], vector<16xf32>,
      %gather3A_884 = tpu.vector_load_idx %arg10[%get3A_878] : memref<10112xf32, #tpu.memory_space<vmem>>[vector<16xi32>], vector<16xf32>,
      tpu.vector_store_idx %arg14[%get3A_880], %gather3A_884 {add = true} : memref<10112xf32, #tpu.memory_space<vmem>>[vector<16xi32>], vector<16xf32>,
      %jit3A_885 = arith.constant 16 : i32
      %eq3A_886 = arith.constant 0 : i32
      %eq3A_887 = arith.cmpi eq, %jit3A_885, %eq3A_886 : i32
      %jit3A_888 = arith.constant 1 : i32
      %select_n3A_889 = arith.select %eq3A_887, %jit3A_888, %jit3A_885 : i32
      %rem3A_890 = arith.remsi %scan3A_70, %select_n3A_889 : i32
      %ne3A_891 = arith.constant 0 : i32
      %ne3A_892 = arith.cmpi ne, %rem3A_890, %ne3A_891 : i32
      %lt3A_893 = arith.constant 0 : i32
      %lt3A_894 = arith.cmpi slt, %rem3A_890, %lt3A_893 : i32
      %lt3A_895 = arith.constant 0 : i32
      %lt3A_896 = arith.cmpi slt, %select_n3A_889, %lt3A_895 : i32
      %ne3A_897 = arith.xori %lt3A_894, %lt3A_896 : i1
      %and3A_898 = arith.andi %ne3A_897, %ne3A_892 : i1
      %add3A_899 = arith.addi %rem3A_890, %select_n3A_889 : i32
      %select_n3A_900 = arith.select %and3A_898, %add3A_899, %rem3A_890 : i32
      %eq3A_901 = arith.cmpi eq, %select_n3A_900, %arg1 : i32
      %eq3A_902 = arith.constant 0 : i32
      %eq3A_903 = arith.cmpi eq, %arg0, %eq3A_902 : i32
      %and3A_904 = arith.andi %eq3A_901, %eq3A_903 : i1
      %broadcast_in_dim3A_905 = vector.broadcast %and3A_904 : i1 to vector<16xi1>
      tpu.vector_store_idx %arg15[%get3A_880], %broadcast_in_dim3A_40 masked %broadcast_in_dim3A_905 {add = true} : memref<10112xf32, #tpu.memory_space<vmem>>[vector<16xi32>], vector<16xf32>, vector<16xi1>
      %get3A_906 = arith.constant 464 : index
      %get3A_907 = tpu.vector_load %arg16[%get3A_906] {strides = array<i32>} : memref<512xi32, #tpu.memory_space<vmem>>, vector<16xi32>,
      %get3A_908 = arith.constant 464 : index
      %get3A_909 = tpu.vector_load %arg17[%get3A_908] {strides = array<i32>} : memref<512xi32, #tpu.memory_space<vmem>>, vector<16xi32>,
      %gather3A_910 = tpu.vector_load_idx %arg7[%get3A_907] : memref<10112xf32, #tpu.memory_space<vmem>>[vector<16xi32>], vector<16xf32>,
      tpu.vector_store_idx %arg11[%get3A_909], %gather3A_910 {add = true} : memref<10112xf32, #tpu.memory_space<vmem>>[vector<16xi32>], vector<16xf32>,
      %gather3A_911 = tpu.vector_load_idx %arg8[%get3A_907] : memref<10112xf32, #tpu.memory_space<vmem>>[vector<16xi32>], vector<16xf32>,
      tpu.vector_store_idx %arg12[%get3A_909], %gather3A_911 {add = true} : memref<10112xf32, #tpu.memory_space<vmem>>[vector<16xi32>], vector<16xf32>,
      %gather3A_912 = tpu.vector_load_idx %arg9[%get3A_907] : memref<10112xf32, #tpu.memory_space<vmem>>[vector<16xi32>], vector<16xf32>,
      tpu.vector_store_idx %arg13[%get3A_909], %gather3A_912 {add = true} : memref<10112xf32, #tpu.memory_space<vmem>>[vector<16xi32>], vector<16xf32>,
      %gather3A_913 = tpu.vector_load_idx %arg10[%get3A_907] : memref<10112xf32, #tpu.memory_space<vmem>>[vector<16xi32>], vector<16xf32>,
      tpu.vector_store_idx %arg14[%get3A_909], %gather3A_913 {add = true} : memref<10112xf32, #tpu.memory_space<vmem>>[vector<16xi32>], vector<16xf32>,
      %jit3A_914 = arith.constant 16 : i32
      %eq3A_915 = arith.constant 0 : i32
      %eq3A_916 = arith.cmpi eq, %jit3A_914, %eq3A_915 : i32
      %jit3A_917 = arith.constant 1 : i32
      %select_n3A_918 = arith.select %eq3A_916, %jit3A_917, %jit3A_914 : i32
      %rem3A_919 = arith.remsi %scan3A_70, %select_n3A_918 : i32
      %ne3A_920 = arith.constant 0 : i32
      %ne3A_921 = arith.cmpi ne, %rem3A_919, %ne3A_920 : i32
      %lt3A_922 = arith.constant 0 : i32
      %lt3A_923 = arith.cmpi slt, %rem3A_919, %lt3A_922 : i32
      %lt3A_924 = arith.constant 0 : i32
      %lt3A_925 = arith.cmpi slt, %select_n3A_918, %lt3A_924 : i32
      %ne3A_926 = arith.xori %lt3A_923, %lt3A_925 : i1
      %and3A_927 = arith.andi %ne3A_926, %ne3A_921 : i1
      %add3A_928 = arith.addi %rem3A_919, %select_n3A_918 : i32
      %select_n3A_929 = arith.select %and3A_927, %add3A_928, %rem3A_919 : i32
      %eq3A_930 = arith.cmpi eq, %select_n3A_929, %arg1 : i32
      %eq3A_931 = arith.constant 0 : i32
      %eq3A_932 = arith.cmpi eq, %arg0, %eq3A_931 : i32
      %and3A_933 = arith.andi %eq3A_930, %eq3A_932 : i1
      %broadcast_in_dim3A_934 = vector.broadcast %and3A_933 : i1 to vector<16xi1>
      tpu.vector_store_idx %arg15[%get3A_909], %broadcast_in_dim3A_40 masked %broadcast_in_dim3A_934 {add = true} : memref<10112xf32, #tpu.memory_space<vmem>>[vector<16xi32>], vector<16xf32>, vector<16xi1>
      %get3A_935 = arith.constant 480 : index
      %get3A_936 = tpu.vector_load %arg16[%get3A_935] {strides = array<i32>} : memref<512xi32, #tpu.memory_space<vmem>>, vector<16xi32>,
      %get3A_937 = arith.constant 480 : index
      %get3A_938 = tpu.vector_load %arg17[%get3A_937] {strides = array<i32>} : memref<512xi32, #tpu.memory_space<vmem>>, vector<16xi32>,
      %gather3A_939 = tpu.vector_load_idx %arg7[%get3A_936] : memref<10112xf32, #tpu.memory_space<vmem>>[vector<16xi32>], vector<16xf32>,
      tpu.vector_store_idx %arg11[%get3A_938], %gather3A_939 {add = true} : memref<10112xf32, #tpu.memory_space<vmem>>[vector<16xi32>], vector<16xf32>,
      %gather3A_940 = tpu.vector_load_idx %arg8[%get3A_936] : memref<10112xf32, #tpu.memory_space<vmem>>[vector<16xi32>], vector<16xf32>,
      tpu.vector_store_idx %arg12[%get3A_938], %gather3A_940 {add = true} : memref<10112xf32, #tpu.memory_space<vmem>>[vector<16xi32>], vector<16xf32>,
      %gather3A_941 = tpu.vector_load_idx %arg9[%get3A_936] : memref<10112xf32, #tpu.memory_space<vmem>>[vector<16xi32>], vector<16xf32>,
      tpu.vector_store_idx %arg13[%get3A_938], %gather3A_941 {add = true} : memref<10112xf32, #tpu.memory_space<vmem>>[vector<16xi32>], vector<16xf32>,
      %gather3A_942 = tpu.vector_load_idx %arg10[%get3A_936] : memref<10112xf32, #tpu.memory_space<vmem>>[vector<16xi32>], vector<16xf32>,
      tpu.vector_store_idx %arg14[%get3A_938], %gather3A_942 {add = true} : memref<10112xf32, #tpu.memory_space<vmem>>[vector<16xi32>], vector<16xf32>,
      %jit3A_943 = arith.constant 16 : i32
      %eq3A_944 = arith.constant 0 : i32
      %eq3A_945 = arith.cmpi eq, %jit3A_943, %eq3A_944 : i32
      %jit3A_946 = arith.constant 1 : i32
      %select_n3A_947 = arith.select %eq3A_945, %jit3A_946, %jit3A_943 : i32
      %rem3A_948 = arith.remsi %scan3A_70, %select_n3A_947 : i32
      %ne3A_949 = arith.constant 0 : i32
      %ne3A_950 = arith.cmpi ne, %rem3A_948, %ne3A_949 : i32
      %lt3A_951 = arith.constant 0 : i32
      %lt3A_952 = arith.cmpi slt, %rem3A_948, %lt3A_951 : i32
      %lt3A_953 = arith.constant 0 : i32
      %lt3A_954 = arith.cmpi slt, %select_n3A_947, %lt3A_953 : i32
      %ne3A_955 = arith.xori %lt3A_952, %lt3A_954 : i1
      %and3A_956 = arith.andi %ne3A_955, %ne3A_950 : i1
      %add3A_957 = arith.addi %rem3A_948, %select_n3A_947 : i32
      %select_n3A_958 = arith.select %and3A_956, %add3A_957, %rem3A_948 : i32
      %eq3A_959 = arith.cmpi eq, %select_n3A_958, %arg1 : i32
      %eq3A_960 = arith.constant 0 : i32
      %eq3A_961 = arith.cmpi eq, %arg0, %eq3A_960 : i32
      %and3A_962 = arith.andi %eq3A_959, %eq3A_961 : i1
      %broadcast_in_dim3A_963 = vector.broadcast %and3A_962 : i1 to vector<16xi1>
      tpu.vector_store_idx %arg15[%get3A_938], %broadcast_in_dim3A_40 masked %broadcast_in_dim3A_963 {add = true} : memref<10112xf32, #tpu.memory_space<vmem>>[vector<16xi32>], vector<16xf32>, vector<16xi1>
      %get3A_964 = arith.constant 496 : index
      %get3A_965 = tpu.vector_load %arg16[%get3A_964] {strides = array<i32>} : memref<512xi32, #tpu.memory_space<vmem>>, vector<16xi32>,
      %get3A_966 = arith.constant 496 : index
      %get3A_967 = tpu.vector_load %arg17[%get3A_966] {strides = array<i32>} : memref<512xi32, #tpu.memory_space<vmem>>, vector<16xi32>,
      %gather3A_968 = tpu.vector_load_idx %arg7[%get3A_965] : memref<10112xf32, #tpu.memory_space<vmem>>[vector<16xi32>], vector<16xf32>,
      tpu.vector_store_idx %arg11[%get3A_967], %gather3A_968 {add = true} : memref<10112xf32, #tpu.memory_space<vmem>>[vector<16xi32>], vector<16xf32>,
      %gather3A_969 = tpu.vector_load_idx %arg8[%get3A_965] : memref<10112xf32, #tpu.memory_space<vmem>>[vector<16xi32>], vector<16xf32>,
      tpu.vector_store_idx %arg12[%get3A_967], %gather3A_969 {add = true} : memref<10112xf32, #tpu.memory_space<vmem>>[vector<16xi32>], vector<16xf32>,
      %gather3A_970 = tpu.vector_load_idx %arg9[%get3A_965] : memref<10112xf32, #tpu.memory_space<vmem>>[vector<16xi32>], vector<16xf32>,
      tpu.vector_store_idx %arg13[%get3A_967], %gather3A_970 {add = true} : memref<10112xf32, #tpu.memory_space<vmem>>[vector<16xi32>], vector<16xf32>,
      %gather3A_971 = tpu.vector_load_idx %arg10[%get3A_965] : memref<10112xf32, #tpu.memory_space<vmem>>[vector<16xi32>], vector<16xf32>,
      tpu.vector_store_idx %arg14[%get3A_967], %gather3A_971 {add = true} : memref<10112xf32, #tpu.memory_space<vmem>>[vector<16xi32>], vector<16xf32>,
      %jit3A_972 = arith.constant 16 : i32
      %eq3A_973 = arith.constant 0 : i32
      %eq3A_974 = arith.cmpi eq, %jit3A_972, %eq3A_973 : i32
      %jit3A_975 = arith.constant 1 : i32
      %select_n3A_976 = arith.select %eq3A_974, %jit3A_975, %jit3A_972 : i32
      %rem3A_977 = arith.remsi %scan3A_70, %select_n3A_976 : i32
      %ne3A_978 = arith.constant 0 : i32
      %ne3A_979 = arith.cmpi ne, %rem3A_977, %ne3A_978 : i32
      %lt3A_980 = arith.constant 0 : i32
      %lt3A_981 = arith.cmpi slt, %rem3A_977, %lt3A_980 : i32
      %lt3A_982 = arith.constant 0 : i32
      %lt3A_983 = arith.cmpi slt, %select_n3A_976, %lt3A_982 : i32
      %ne3A_984 = arith.xori %lt3A_981, %lt3A_983 : i1
      %and3A_985 = arith.andi %ne3A_984, %ne3A_979 : i1
      %add3A_986 = arith.addi %rem3A_977, %select_n3A_976 : i32
      %select_n3A_987 = arith.select %and3A_985, %add3A_986, %rem3A_977 : i32
      %eq3A_988 = arith.cmpi eq, %select_n3A_987, %arg1 : i32
      %eq3A_989 = arith.constant 0 : i32
      %eq3A_990 = arith.cmpi eq, %arg0, %eq3A_989 : i32
      %and3A_991 = arith.andi %eq3A_988, %eq3A_990 : i1
      %broadcast_in_dim3A_992 = vector.broadcast %and3A_991 : i1 to vector<16xi1>
      tpu.vector_store_idx %arg15[%get3A_967], %broadcast_in_dim3A_40 masked %broadcast_in_dim3A_992 {add = true} : memref<10112xf32, #tpu.memory_space<vmem>>[vector<16xi32>], vector<16xf32>, vector<16xi1>
    }
    %scan3A_48 = arith.constant 640 : i32
    %mul3A_49 = arith.constant 40448 : i32
    %mul3A_50 = arith.muli %add3A, %mul3A_49 : i32
    %add3A_51 = arith.constant 0 : i32
    %add3A_52 = arith.addi %mul3A_50, %add3A_51 : i32
    "tpu.region"() ({
      %run_scoped3A = tpu.sem_alloc : memref<!tpu.dma_semaphore, #tpu.memory_space<semaphore_mem>>
      %dma_start3A = tpu.memref_slice %arg5[%add3A_52] : memref<1294336xf32, #tpu.memory_space<hbm>> -> memref<10112xf32, #tpu.memory_space<hbm>>
      %dma_start3A_70 = tpu.memref_slice %arg5[%add3A_52] : memref<1294336xf32, #tpu.memory_space<hbm>> -> memref<10112xf32, #tpu.memory_space<hbm>>
      tpu.enqueue_dma source(%arg11 : memref<10112xf32, #tpu.memory_space<vmem>>) target(%dma_start3A_70 : memref<10112xf32, #tpu.memory_space<hbm>>) target_semaphore(%run_scoped3A : memref<!tpu.dma_semaphore, #tpu.memory_space<semaphore_mem>>)
      %dma_wait3A = tpu.memref_slice %arg5[%add3A_52] : memref<1294336xf32, #tpu.memory_space<hbm>> -> memref<10112xf32, #tpu.memory_space<hbm>>
      %dma_wait3A_71 = tpu.memref_slice %arg5[%add3A_52] : memref<1294336xf32, #tpu.memory_space<hbm>> -> memref<10112xf32, #tpu.memory_space<hbm>>
      tpu.wait_dma2 semaphore(%run_scoped3A : memref<!tpu.dma_semaphore, #tpu.memory_space<semaphore_mem>>) src(%arg11 : memref<10112xf32, #tpu.memory_space<vmem>>) dst(%dma_wait3A_71 : memref<10112xf32, #tpu.memory_space<hbm>>)
      tpu.yield
    }) : () -> ()
    %mul3A_53 = arith.constant 40448 : i32
    %mul3A_54 = arith.muli %add3A, %mul3A_53 : i32
    %add3A_55 = arith.constant 10112 : i32
    %add3A_56 = arith.addi %mul3A_54, %add3A_55 : i32
    "tpu.region"() ({
      %run_scoped3A = tpu.sem_alloc : memref<!tpu.dma_semaphore, #tpu.memory_space<semaphore_mem>>
      %dma_start3A = tpu.memref_slice %arg5[%add3A_56] : memref<1294336xf32, #tpu.memory_space<hbm>> -> memref<10112xf32, #tpu.memory_space<hbm>>
      %dma_start3A_70 = tpu.memref_slice %arg5[%add3A_56] : memref<1294336xf32, #tpu.memory_space<hbm>> -> memref<10112xf32, #tpu.memory_space<hbm>>
      tpu.enqueue_dma source(%arg12 : memref<10112xf32, #tpu.memory_space<vmem>>) target(%dma_start3A_70 : memref<10112xf32, #tpu.memory_space<hbm>>) target_semaphore(%run_scoped3A : memref<!tpu.dma_semaphore, #tpu.memory_space<semaphore_mem>>)
      %dma_wait3A = tpu.memref_slice %arg5[%add3A_56] : memref<1294336xf32, #tpu.memory_space<hbm>> -> memref<10112xf32, #tpu.memory_space<hbm>>
      %dma_wait3A_71 = tpu.memref_slice %arg5[%add3A_56] : memref<1294336xf32, #tpu.memory_space<hbm>> -> memref<10112xf32, #tpu.memory_space<hbm>>
      tpu.wait_dma2 semaphore(%run_scoped3A : memref<!tpu.dma_semaphore, #tpu.memory_space<semaphore_mem>>) src(%arg12 : memref<10112xf32, #tpu.memory_space<vmem>>) dst(%dma_wait3A_71 : memref<10112xf32, #tpu.memory_space<hbm>>)
      tpu.yield
    }) : () -> ()
    %mul3A_57 = arith.constant 40448 : i32
    %mul3A_58 = arith.muli %add3A, %mul3A_57 : i32
    %add3A_59 = arith.constant 20224 : i32
    %add3A_60 = arith.addi %mul3A_58, %add3A_59 : i32
    "tpu.region"() ({
      %run_scoped3A = tpu.sem_alloc : memref<!tpu.dma_semaphore, #tpu.memory_space<semaphore_mem>>
      %dma_start3A = tpu.memref_slice %arg5[%add3A_60] : memref<1294336xf32, #tpu.memory_space<hbm>> -> memref<10112xf32, #tpu.memory_space<hbm>>
      %dma_start3A_70 = tpu.memref_slice %arg5[%add3A_60] : memref<1294336xf32, #tpu.memory_space<hbm>> -> memref<10112xf32, #tpu.memory_space<hbm>>
      tpu.enqueue_dma source(%arg13 : memref<10112xf32, #tpu.memory_space<vmem>>) target(%dma_start3A_70 : memref<10112xf32, #tpu.memory_space<hbm>>) target_semaphore(%run_scoped3A : memref<!tpu.dma_semaphore, #tpu.memory_space<semaphore_mem>>)
      %dma_wait3A = tpu.memref_slice %arg5[%add3A_60] : memref<1294336xf32, #tpu.memory_space<hbm>> -> memref<10112xf32, #tpu.memory_space<hbm>>
      %dma_wait3A_71 = tpu.memref_slice %arg5[%add3A_60] : memref<1294336xf32, #tpu.memory_space<hbm>> -> memref<10112xf32, #tpu.memory_space<hbm>>
      tpu.wait_dma2 semaphore(%run_scoped3A : memref<!tpu.dma_semaphore, #tpu.memory_space<semaphore_mem>>) src(%arg13 : memref<10112xf32, #tpu.memory_space<vmem>>) dst(%dma_wait3A_71 : memref<10112xf32, #tpu.memory_space<hbm>>)
      tpu.yield
    }) : () -> ()
    %mul3A_61 = arith.constant 40448 : i32
    %mul3A_62 = arith.muli %add3A, %mul3A_61 : i32
    %add3A_63 = arith.constant 30336 : i32
    %add3A_64 = arith.addi %mul3A_62, %add3A_63 : i32
    "tpu.region"() ({
      %run_scoped3A = tpu.sem_alloc : memref<!tpu.dma_semaphore, #tpu.memory_space<semaphore_mem>>
      %dma_start3A = tpu.memref_slice %arg5[%add3A_64] : memref<1294336xf32, #tpu.memory_space<hbm>> -> memref<10112xf32, #tpu.memory_space<hbm>>
      %dma_start3A_70 = tpu.memref_slice %arg5[%add3A_64] : memref<1294336xf32, #tpu.memory_space<hbm>> -> memref<10112xf32, #tpu.memory_space<hbm>>
      tpu.enqueue_dma source(%arg14 : memref<10112xf32, #tpu.memory_space<vmem>>) target(%dma_start3A_70 : memref<10112xf32, #tpu.memory_space<hbm>>) target_semaphore(%run_scoped3A : memref<!tpu.dma_semaphore, #tpu.memory_space<semaphore_mem>>)
      %dma_wait3A = tpu.memref_slice %arg5[%add3A_64] : memref<1294336xf32, #tpu.memory_space<hbm>> -> memref<10112xf32, #tpu.memory_space<hbm>>
      %dma_wait3A_71 = tpu.memref_slice %arg5[%add3A_64] : memref<1294336xf32, #tpu.memory_space<hbm>> -> memref<10112xf32, #tpu.memory_space<hbm>>
      tpu.wait_dma2 semaphore(%run_scoped3A : memref<!tpu.dma_semaphore, #tpu.memory_space<semaphore_mem>>) src(%arg14 : memref<10112xf32, #tpu.memory_space<vmem>>) dst(%dma_wait3A_71 : memref<10112xf32, #tpu.memory_space<hbm>>)
      tpu.yield
    }) : () -> ()
    %eq3A_65 = arith.constant 0 : i32
    %eq3A_66 = arith.cmpi eq, %arg0, %eq3A_65 : i32
    %convert_element_type3A_67 = arith.extui %eq3A_66 : i1 to i32
    %cond3A_68 = arith.constant 0 : i32
    %cond3A_69 = arith.cmpi ne, %convert_element_type3A_67, %cond3A_68 : i32
    scf.if %cond3A_69 {
      %mul3A_70 = arith.constant 10112 : i32
      %mul3A_71 = arith.muli %arg1, %mul3A_70 : i32
      "tpu.region"() ({
        %run_scoped3A = tpu.sem_alloc : memref<!tpu.dma_semaphore, #tpu.memory_space<semaphore_mem>>
        %dma_start3A = tpu.memref_slice %arg6[%mul3A_71] : memref<161792xf32, #tpu.memory_space<hbm>> -> memref<10112xf32, #tpu.memory_space<hbm>>
        %dma_start3A_72 = tpu.memref_slice %arg6[%mul3A_71] : memref<161792xf32, #tpu.memory_space<hbm>> -> memref<10112xf32, #tpu.memory_space<hbm>>
        tpu.enqueue_dma source(%arg15 : memref<10112xf32, #tpu.memory_space<vmem>>) target(%dma_start3A_72 : memref<10112xf32, #tpu.memory_space<hbm>>) target_semaphore(%run_scoped3A : memref<!tpu.dma_semaphore, #tpu.memory_space<semaphore_mem>>)
        %dma_wait3A = tpu.memref_slice %arg6[%mul3A_71] : memref<161792xf32, #tpu.memory_space<hbm>> -> memref<10112xf32, #tpu.memory_space<hbm>>
        %dma_wait3A_73 = tpu.memref_slice %arg6[%mul3A_71] : memref<161792xf32, #tpu.memory_space<hbm>> -> memref<10112xf32, #tpu.memory_space<hbm>>
        tpu.wait_dma2 semaphore(%run_scoped3A : memref<!tpu.dma_semaphore, #tpu.memory_space<semaphore_mem>>) src(%arg15 : memref<10112xf32, #tpu.memory_space<vmem>>) dst(%dma_wait3A_73 : memref<10112xf32, #tpu.memory_space<hbm>>)
        tpu.yield
      }) : () -> ()
    } else {
    }
    return
  }
}

module attributes {stable_mosaic.version = 14 : i64} {
  func.func @_tc1_body(%arg0: memref<128x10112xf32, #tpu.memory_space<vmem>>, %arg1: memref<128x10112xf32, #tpu.memory_space<vmem>>, %arg2: memref<16x10112xf32, #tpu.memory_space<vmem>>, %arg3: memref<128x128xf32, #tpu.memory_space<vmem>>, %arg4: memref<128x1xf32, #tpu.memory_space<vmem>>, %arg5: memref<128x128xf32, #tpu.memory_space<vmem>>, %arg6: memref<128x10112xf32, #tpu.memory_space<vmem>>) attributes {dimension_semantics = [], scalar_prefetch = 0 : i64, scratch_operands = 0 : i64, tpu.core_type = #tpu.core_type<tc>} {
    %get3A = arith.constant 0 : index
    %get3A_0 = arith.constant 0 : index
    %get3A_1 = vector.load %arg2[%get3A, %get3A_0] : memref<16x10112xf32, #tpu.memory_space<vmem>>, vector<16x10112xf32>
    %reduce_sum3A = arith.constant dense<0.000000e+00> : vector<10112xf32>
    %reduce_sum3A_2 = vector.multi_reduction <add>, %get3A_1, %reduce_sum3A [0] : vector<16x10112xf32> to vector<10112xf32>
    %broadcast_in_dim3A = vector.shape_cast %reduce_sum3A_2 : vector<10112xf32> to vector<1x10112xf32>
    %max3A = arith.constant 1.000000e+00 : f32
    %max3A_3 = vector.broadcast %max3A : f32 to vector<1x10112xf32>
    %max3A_4 = arith.maximumf %broadcast_in_dim3A, %max3A_3 : vector<1x10112xf32>
    %div3A = arith.constant 1.000000e+00 : f32
    %div3A_5 = vector.broadcast %div3A : f32 to vector<1x10112xf32>
    %div3A_6 = arith.divf %div3A_5, %max3A_4 : vector<1x10112xf32>
    %get3A_7 = arith.constant 0 : index
    %get3A_8 = arith.constant 0 : index
    %get3A_9 = vector.load %arg1[%get3A_7, %get3A_8] : memref<128x10112xf32, #tpu.memory_space<vmem>>, vector<128x10112xf32>
    %mul3A = vector.broadcast %div3A_6 : vector<1x10112xf32> to vector<128x10112xf32>
    %mul3A_10 = arith.mulf %get3A_9, %mul3A : vector<128x10112xf32>
    %get3A_11 = arith.constant 0 : index
    %get3A_12 = arith.constant 0 : index
    %get3A_13 = vector.load %arg3[%get3A_11, %get3A_12] : memref<128x128xf32, #tpu.memory_space<vmem>>, vector<128x128xf32>
    %dot_general3A = arith.constant dense<0.000000e+00> : vector<128x10112xf32>
    %dot_general3A_14 = tpu.matmul %get3A_13, %mul3A_10, %dot_general3A {dimension_numbers = #tpu.dot_dimension_numbers<[0], [0], [1], [1], [0, 1, 1, 1], [], []>, transpose_lhs_hint = false} : vector<128x128xf32>, vector<128x10112xf32>, vector<128x10112xf32> -> vector<128x10112xf32>
    %get3A_15 = arith.constant 0 : index
    %get3A_16 = arith.constant 0 : index
    %get3A_17 = vector.load %arg4[%get3A_15, %get3A_16] : memref<128x1xf32, #tpu.memory_space<vmem>>, vector<128x1xf32>
    %add3A = vector.broadcast %get3A_17 : vector<128x1xf32> to vector<128x10112xf32>
    %add3A_18 = arith.addf %dot_general3A_14, %add3A : vector<128x10112xf32>
    %get3A_19 = arith.constant 0 : index
    %get3A_20 = arith.constant 0 : index
    %get3A_21 = vector.load %arg5[%get3A_19, %get3A_20] : memref<128x128xf32, #tpu.memory_space<vmem>>, vector<128x128xf32>
    %get3A_22 = arith.constant 0 : index
    %get3A_23 = arith.constant 0 : index
    %get3A_24 = vector.load %arg0[%get3A_22, %get3A_23] : memref<128x10112xf32, #tpu.memory_space<vmem>>, vector<128x10112xf32>
    %dot_general3A_25 = arith.constant dense<0.000000e+00> : vector<128x10112xf32>
    %dot_general3A_26 = tpu.matmul %get3A_21, %get3A_24, %dot_general3A_25 {dimension_numbers = #tpu.dot_dimension_numbers<[0], [0], [1], [1], [0, 1, 1, 1], [], []>, transpose_lhs_hint = false} : vector<128x128xf32>, vector<128x10112xf32>, vector<128x10112xf32> -> vector<128x10112xf32>
    %add3A_27 = arith.addf %add3A_18, %dot_general3A_26 : vector<128x10112xf32>
    %max3A_28 = arith.constant 0.000000e+00 : f32
    %max3A_29 = vector.broadcast %max3A_28 : f32 to vector<128x10112xf32>
    %max3A_30 = arith.maximumf %add3A_27, %max3A_29 : vector<128x10112xf32>
    %swap3A = arith.constant 0 : index
    %swap3A_31 = arith.constant 0 : index
    %swap3A_32 = vector.load %arg6[%swap3A, %swap3A_31] : memref<128x10112xf32, #tpu.memory_space<vmem>>, vector<128x10112xf32>
    tpu.vector_store %arg6[%swap3A, %swap3A_31], %max3A_30 {strides = array<i32>} : memref<128x10112xf32, #tpu.memory_space<vmem>>, vector<128x10112xf32>,
    return
  }
}

module attributes {stable_mosaic.version = 14 : i64} {
  func.func @_tc2_body(%arg0: memref<128x10112xf32, #tpu.memory_space<vmem>>, %arg1: memref<128x10112xf32, #tpu.memory_space<vmem>>, %arg2: memref<16x10112xf32, #tpu.memory_space<vmem>>, %arg3: memref<128x128xf32, #tpu.memory_space<vmem>>, %arg4: memref<128x1xf32, #tpu.memory_space<vmem>>, %arg5: memref<128x128xf32, #tpu.memory_space<vmem>>, %arg6: memref<128x16xf32, #tpu.memory_space<vmem>>, %arg7: memref<1x16xf32, #tpu.memory_space<vmem>>, %arg8: memref<10112x16xf32, #tpu.memory_space<vmem>>) attributes {dimension_semantics = [], scalar_prefetch = 0 : i64, scratch_operands = 0 : i64, tpu.core_type = #tpu.core_type<tc>} {
    %get3A = arith.constant 0 : index
    %get3A_0 = arith.constant 0 : index
    %get3A_1 = vector.load %arg2[%get3A, %get3A_0] : memref<16x10112xf32, #tpu.memory_space<vmem>>, vector<16x10112xf32>
    %reduce_sum3A = arith.constant dense<0.000000e+00> : vector<10112xf32>
    %reduce_sum3A_2 = vector.multi_reduction <add>, %get3A_1, %reduce_sum3A [0] : vector<16x10112xf32> to vector<10112xf32>
    %broadcast_in_dim3A = vector.shape_cast %reduce_sum3A_2 : vector<10112xf32> to vector<1x10112xf32>
    %max3A = arith.constant 1.000000e+00 : f32
    %max3A_3 = vector.broadcast %max3A : f32 to vector<1x10112xf32>
    %max3A_4 = arith.maximumf %broadcast_in_dim3A, %max3A_3 : vector<1x10112xf32>
    %div3A = arith.constant 1.000000e+00 : f32
    %div3A_5 = vector.broadcast %div3A : f32 to vector<1x10112xf32>
    %div3A_6 = arith.divf %div3A_5, %max3A_4 : vector<1x10112xf32>
    %get3A_7 = arith.constant 0 : index
    %get3A_8 = arith.constant 0 : index
    %get3A_9 = vector.load %arg1[%get3A_7, %get3A_8] : memref<128x10112xf32, #tpu.memory_space<vmem>>, vector<128x10112xf32>
    %mul3A = vector.broadcast %div3A_6 : vector<1x10112xf32> to vector<128x10112xf32>
    %mul3A_10 = arith.mulf %get3A_9, %mul3A : vector<128x10112xf32>
    %get3A_11 = arith.constant 0 : index
    %get3A_12 = arith.constant 0 : index
    %get3A_13 = vector.load %arg3[%get3A_11, %get3A_12] : memref<128x128xf32, #tpu.memory_space<vmem>>, vector<128x128xf32>
    %dot_general3A = arith.constant dense<0.000000e+00> : vector<128x10112xf32>
    %dot_general3A_14 = tpu.matmul %get3A_13, %mul3A_10, %dot_general3A {dimension_numbers = #tpu.dot_dimension_numbers<[0], [0], [1], [1], [0, 1, 1, 1], [], []>, transpose_lhs_hint = false} : vector<128x128xf32>, vector<128x10112xf32>, vector<128x10112xf32> -> vector<128x10112xf32>
    %get3A_15 = arith.constant 0 : index
    %get3A_16 = arith.constant 0 : index
    %get3A_17 = vector.load %arg4[%get3A_15, %get3A_16] : memref<128x1xf32, #tpu.memory_space<vmem>>, vector<128x1xf32>
    %add3A = vector.broadcast %get3A_17 : vector<128x1xf32> to vector<128x10112xf32>
    %add3A_18 = arith.addf %dot_general3A_14, %add3A : vector<128x10112xf32>
    %get3A_19 = arith.constant 0 : index
    %get3A_20 = arith.constant 0 : index
    %get3A_21 = vector.load %arg5[%get3A_19, %get3A_20] : memref<128x128xf32, #tpu.memory_space<vmem>>, vector<128x128xf32>
    %get3A_22 = arith.constant 0 : index
    %get3A_23 = arith.constant 0 : index
    %get3A_24 = vector.load %arg0[%get3A_22, %get3A_23] : memref<128x10112xf32, #tpu.memory_space<vmem>>, vector<128x10112xf32>
    %dot_general3A_25 = arith.constant dense<0.000000e+00> : vector<128x10112xf32>
    %dot_general3A_26 = tpu.matmul %get3A_21, %get3A_24, %dot_general3A_25 {dimension_numbers = #tpu.dot_dimension_numbers<[0], [0], [1], [1], [0, 1, 1, 1], [], []>, transpose_lhs_hint = false} : vector<128x128xf32>, vector<128x10112xf32>, vector<128x10112xf32> -> vector<128x10112xf32>
    %add3A_27 = arith.addf %add3A_18, %dot_general3A_26 : vector<128x10112xf32>
    %max3A_28 = arith.constant 0.000000e+00 : f32
    %max3A_29 = vector.broadcast %max3A_28 : f32 to vector<128x10112xf32>
    %max3A_30 = arith.maximumf %add3A_27, %max3A_29 : vector<128x10112xf32>
    %get3A_31 = arith.constant 0 : index
    %get3A_32 = arith.constant 0 : index
    %get3A_33 = vector.load %arg6[%get3A_31, %get3A_32] : memref<128x16xf32, #tpu.memory_space<vmem>>, vector<128x16xf32>
    %dot_general3A_34 = arith.constant dense<0.000000e+00> : vector<10112x16xf32>
    %dot_general3A_35 = tpu.matmul %max3A_30, %get3A_33, %dot_general3A_34 {dimension_numbers = #tpu.dot_dimension_numbers<[0], [0], [1], [1], [0, 1, 1, 1], [], []>, transpose_lhs_hint = false} : vector<128x10112xf32>, vector<128x16xf32>, vector<10112x16xf32> -> vector<10112x16xf32>
    %get3A_36 = arith.constant 0 : index
    %get3A_37 = arith.constant 0 : index
    %get3A_38 = vector.load %arg7[%get3A_36, %get3A_37] : memref<1x16xf32, #tpu.memory_space<vmem>>, vector<1x16xf32>
    %add3A_39 = vector.broadcast %get3A_38 : vector<1x16xf32> to vector<10112x16xf32>
    %add3A_40 = arith.addf %dot_general3A_35, %add3A_39 : vector<10112x16xf32>
    %swap3A = arith.constant 0 : index
    %swap3A_41 = arith.constant 0 : index
    %swap3A_42 = vector.load %arg8[%swap3A, %swap3A_41] : memref<10112x16xf32, #tpu.memory_space<vmem>>, vector<10112x16xf32>
    tpu.vector_store %arg8[%swap3A, %swap3A_41], %add3A_40 {strides = array<i32>} : memref<10112x16xf32, #tpu.memory_space<vmem>>, vector<10112x16xf32>,
    return
  }
}

</mosaic_0001>

<sc_bundles>
// kernel: kernel.6.cloned.1.call-start
scs
__scs_entry_jumppad:
0x0: {  	(pc) =	sbr.rel $0x88, $3  }
0x1: {  	(tag) =	ssettag $0x0;
	lr =	simm.s32 $0x1  }
0x2: {  	[smem:$0x3F97] =	sst lr;
	_ =	strace $0xD0000000  }
0x3: {  	_ = 	snop  }
0x4: {  	_ = 	snop  }
0x5: {  	_ = 	snop  }
0x6: {  	_ = 	snop  }
0x7: {  	_ = 	snop  }
__scs_overlays_trampoline_lowered:
0x8: {  	[smem:$0x3FA6] =	sst s0  }
0x9: {  	[smem:$0x3FA7] =	sst s1  }
0xa: {  	[smem:$0x3FA8] =	sst s2  }
0xb: {  	[smem:$0x3FA9] =	sst s3  }
0xc: {  	[smem:$0x3FAA] =	sst s4  }
0xd: {  	[smem:$0x3FAB] =	sst s5  }
0xe: {  	[smem:$0x3FAC] =	sst s6  }
0xf: {  	[smem:$0x3FAD] =	sst s7  }
0x10: {  	[smem:$0x3FAE] =	sst s8  }
0x11: {  	[smem:$0x3FAF] =	sst s9;
	s0 =	simm.s32 @!p0 $0x0  }
0x12: {  	s1 =	sld [smem:$0x3F95];
	s0 =	simm.s32 @p0 $0x1  }
0x13: {  	[smem:$0x3FB0] =	sst s0;
	s0 =	simm.s32 @!p1 $0x0  }
0x14: {  	s2 =	sld [smem:$0x3F94];
	s0 =	simm.s32 @p1 $0x1  }
0x15: {  	[smem:$0x3FB1] =	sst s0;
	s0 =	simm.s32 @!p2 $0x0  }
0x16: {  	s3 =	sld [smem:$0x3FDB];
	s0 =	simm.s32 @p2 $0x1  }
0x17: {  	s4 =	simm.s32 $0x1BF5;
	[smem:$0x3FB3] =	sst s0  }
0x18: {  	s0 =	sld [smem:$0x3F96];
	_ =	swait.ge [sflag:s4], $0x0  }
0x19: {  	s7 =	sld [smem:$0x3F97]  }
0x1a: {  	s8 =	sadd.s32 $0xFFFFE003, lr  }
0x1b: {  	s9 =	sadd.s32 $0xFFFFFEF7, lr;
	s5 =	simm.s32 $0xFFFFFFFF;
	p2 =	slt.u32 s8, $0xFFFFF086  }
0x1c: {  	p1 =	slt.u32 s9, $0xF7A;
	s5 =	simm.s32 @!p2 $0x0  }
0x1d: {  	s5 =	simm.s32 @p1 $0x1;
	p0 =	seq.s32 s7, s2  }
0x1e: {  	s7 =	smul.u32 @!p0 $0xF7A, s2;
	p2 =	seq.s32 @!p0 s5, $0x0  }
0x1f: {  	s9 =	smul.u32 $0xF7A, s1;
	s8 =	simm.s32 @!p0 $0x1BF5;
	p2 =	por !p2, p0  }
0x20: {  	[sflag:s8] =	ssyncset.s32 @!p0 $0xFFFFF086;
	s6 =	sadd.s32 @!p0 s3, s7;
	s7 =	simm.s32 @!p0 $0x108  }
0x21: {  	s3 =	sadd.s32 s3, s9;
	s6 =	sadd.s32 @!p0 $0x88, s6;
	s7 =	simm.s32 @p2 $0x1082  }
0x22: {  	[simem:s7], [sflag:s8] =	dma.local @!p0 [hbm:s6], $0xF7A  }
0x23: {  	s9 =	sor.u32 $0xD0000000, s2;
	s6 =	simm.s32 $0x108;
	_ =	swait.ge @!p0 [sflag:s8], $0x0  }
0x24: {  	s3 =	sadd.s32 $0x88, s3;
	s6 =	simm.s32 @!p1 $0x1082;
	[sflag:s4] =	ssyncset.s32 $0xFFFFF086  }
0x25: {  	[simem:s6], [sflag:s4] =	dma.local [hbm:s3], $0xF7A  }
0x26: {  	[smem:$0x3F97] =	sst s1;
	(tag) =	ssettag s2;
	_ =	strace s9  }
0x27: {  	s1 =	sld [smem:$0x3FA7]  }
0x28: {  	s2 =	sld [smem:$0x3FA8]  }
0x29: {  	s4 =	sld [smem:$0x3FAA]  }
0x2a: {  	p0 =	seq.s32 s5, $0x0;
	s5 =	sld [smem:$0x3FAB]  }
0x2b: {  	s6 =	sld [smem:$0x3FAC]  }
0x2c: {  	s7 =	sld [smem:$0x3FAD]  }
0x2d: {  	s3 =	simm.s32 $0x108;
	s8 =	sld [smem:$0x3FAE]  }
0x2e: {  	s3 =	simm.s32 @!p0 $0x1082;
	s9 =	sld [smem:$0x3FAF]  }
0x2f: {  	lr =	sadd.s32 s0, s3;
	s0 =	sld [smem:$0x3FA6]  }
0x30: {  	s3 =	sld [smem:$0x3FA9]  }
0x31: {  	[smem:$0x3FB2] =	sst s10  }
0x32: {  	s10 =	sld [smem:$0x3FB0];
	_ =	sdelay $0x3  }
0x33: {  	p0 =	seq.s32 s10, $0x1;
	s10 =	sld [smem:$0x3FB2];
	_ =	sdelay $0x3  }
0x34: {  	[smem:$0x3FB2] =	sst s10  }
0x35: {  	s10 =	sld [smem:$0x3FB1];
	_ =	sdelay $0x3  }
0x36: {  	p1 =	seq.s32 s10, $0x1;
	s10 =	sld [smem:$0x3FB2];
	_ =	sdelay $0x3  }
0x37: {  	[smem:$0x3FB2] =	sst s10  }
0x38: {  	s10 =	sld [smem:$0x3FB3]  }
0x39: {  	_ = 	snop;
	(pc) =	sbr.ind lr, $3  }
0x3a: {  	_ = 	snop  }
0x3b: {  	_ = 	snop  }
0x3c: {  	p2 =	seq.s32 s10, $0x1;
	s10 =	sld [smem:$0x3FB2]  }
0x3d: {  	_ =	shalt  }
0x3e: {  	_ =	shalt  }
0x3f: {  	_ =	shalt  }
0x40: {  	_ =	shalt  }
0x41: {  	_ =	shalt  }
0x42: {  	_ =	shalt  }
0x43: {  	_ =	shalt  }
0x44: {  	_ =	shalt  }
0x45: {  	_ =	shalt  }
0x46: {  	_ =	shalt  }
0x47: {  	_ =	shalt  }
0x48: {  	_ =	shalt  }
0x49: {  	_ =	shalt  }
0x4a: {  	_ =	shalt  }
0x4b: {  	_ =	shalt  }
0x4c: {  	_ =	shalt  }
0x4d: {  	_ =	shalt  }
0x4e: {  	_ =	shalt  }
0x4f: {  	_ =	shalt  }
0x50: {  	_ =	shalt  }
0x51: {  	_ =	shalt  }
0x52: {  	_ =	shalt  }
0x53: {  	_ =	shalt  }
0x54: {  	_ =	shalt  }
0x55: {  	_ =	shalt  }
0x56: {  	_ =	shalt  }
0x57: {  	_ =	shalt  }
0x58: {  	_ =	shalt  }
0x59: {  	_ =	shalt  }
0x5a: {  	_ =	shalt  }
0x5b: {  	_ =	shalt  }
0x5c: {  	_ =	shalt  }
0x5d: {  	_ =	shalt  }
0x5e: {  	_ =	shalt  }
0x5f: {  	_ =	shalt  }
0x60: {  	_ =	shalt  }
0x61: {  	_ =	shalt  }
0x62: {  	_ =	shalt  }
0x63: {  	_ =	shalt  }
0x64: {  	_ =	shalt  }
0x65: {  	_ =	shalt  }
0x66: {  	_ =	shalt  }
0x67: {  	_ =	shalt  }
0x68: {  	_ =	shalt  }
0x69: {  	_ =	shalt  }
0x6a: {  	_ =	shalt  }
0x6b: {  	_ =	shalt  }
0x6c: {  	_ =	shalt  }
0x6d: {  	_ =	shalt  }
0x6e: {  	_ =	shalt  }
0x6f: {  	_ =	shalt  }
0x70: {  	_ =	shalt  }
0x71: {  	_ =	shalt  }
0x72: {  	_ =	shalt  }
0x73: {  	_ =	shalt  }
0x74: {  	_ =	shalt  }
0x75: {  	_ =	shalt  }
0x76: {  	_ =	shalt  }
0x77: {  	_ =	shalt  }
0x78: {  	_ =	shalt  }
0x79: {  	_ =	shalt  }
0x7a: {  	_ =	shalt  }
0x7b: {  	_ =	shalt  }
0x7c: {  	_ =	shalt  }
0x7d: {  	_ =	shalt  }
0x7e: {  	_ =	shalt  }
0x7f: {  	_ =	shalt  }
0x80: {  	_ =	shalt  }
0x81: {  	_ =	shalt  }
0x82: {  	_ =	shalt  }
0x83: {  	_ =	shalt  }
0x84: {  	_ =	shalt  }
0x85: {  	_ =	shalt  }
0x86: {  	_ =	shalt  }
0x87: {  	_ =	shalt  }
.Lfunc_end0:
.L_simem_size_0:
called_computation_lowered:
.L_overlay_start_0:
0x88: {  	s2 =	sld [smem:$0x3FD9]  }
0x89: {  	s3 =	sld [smem:$0x3FFE];
	_ =	sdelay $0x1  }
0x8a: {  	s1 =	srdreg.scid  }
0x8b: {  	s0 =	sand.u32 $0x1, s1  }
0x8c: {  	s17 =	sshll.u32 s0, $0xA;
	s2 =	sadd.s32 s3, s2  }
0x8d: {  	s2 =	sadd.s32 s2, s17  }
0x8e: {  	[smem:$0x3FBE] =	sst s2  }
0x8f: {  	_ = 	snop  }
0x90: {  	s2 =	sld [smem:$0x3FD0];
	(tm) =	ssettm $0x1  }
0x91: {  	s18 =	sld [smem:$0x3FFB];
	_ =	sdelay $0x3  }
0x92: {  	_ =	strace s18  }
0x93: {  	s3 =	sld [smem:$0x3FFC];
	_ =	sdelay $0x3  }
0x94: {  	_ =	strace s3  }
0x95: {  	s3 =	sld [smem:$0x3FFD];
	_ =	sdelay $0x3  }
0x96: {  	_ =	strace s3  }
0x97: {  	_ =	strace $0x8FFFFFFF  }
0x98: {  	s19 =	sld [smem:$0x3FDB];
	_ =	sdelay $0x1  }
0x99: {  	s4 =	simm.s32 $_scs_section_size  }
0x9a: {  	s5 =	simm.s32 $_size__tile_overlayer_lowered;
	s6 =	simm.s32 $_tile_overlayer_lowered  }
0x9b: {  	s22 =	simm.s32 $0x1BFF;
	s21 =	sshll.u32 s6, $0x1;
	s3 =	sadd.s32 s4, s19  }
0x9c: {  	s7 =	simm.s32 $0x0;
	s20 =	sshll.u32 s5, $0x1;
	s5 =	sadd.s32 s21, s3  }
0x9d: {  	[timem:s7], [sflag:s22] =	dma.local [hbm:s5], s20  }
0x9e: {  	_ =	swait.ge [sflag:s22], s20  }
0x9f: {  	s4 =	ssub.s32 $0x0, s20;
	[sflag:s22] =	ssyncset.done $0x0  }
0xa0: {  	[sflag:s22] =	ssyncadd.s32 s4;
	_ =	sdelay $0x1  }
0xa1: {  	s23 =	simm.s32 $0x1B8B  }
0xa2: {  	_ =	swait.ge [sflag:s23], $0x1  }
0xa3: {  	[sflag:s23] =	ssyncset.done $0x0  }
0xa4: {  	s25 =	simm.s32 $0x1B8E;
	s24 =	sld [smem:$0x3FFE];
	[sflag:s23] =	ssyncadd.s32 $0xFFFFFFFF  }
0xa5: {  	s26 =	simm.s32 $execute0_lowered;
	[smem:$0x3FD2] =	sst s25  }
0xa6: {  	s5 =	sshll.u32 s26, $0x1;
	_ =	strace $0x80000046;
	[dreg:$0x1] =	wrdreg $0xFFFFFFFF  }
0xa7: {  	s28 =	simm.s32 $_size_execute0_lowered;
	s3 =	sadd.s32 s3, s5;
	[dreg:$0x0] =	wrdreg $0x0  }
0xa8: {  	s5 =	sshll.u32 s28, $0x1;
	[dreg:$0x2] =	wrdreg s3  }
0xa9: {  	[dreg:$0x3] =	wrdreg s5  }
0xaa: {  	[dreg:$0x4] =	wrdreg $0xC0  }
0xab: {  	_ =	task [dreg:s7], $0x5FFFF  }
0xac: {  	[dreg:$0x1] =	wrdreg $0xFFFFFFFF  }
0xad: {  	[dreg:$0x0] =	wrdreg $0x60  }
0xae: {  	[dreg:$0x2] =	wrdreg s24  }
0xaf: {  	[dreg:$0x3] =	wrdreg s2  }
0xb0: {  	[dreg:$0x4] =	wrdreg $0x9  }
0xb1: {  	_ =	task.clear_ibuf [dreg:s7], $0x5FFFF;
	_ =	strace $0x90000046  }
0xb2: {  	s29 =	simm.s32 $0x9;
	_ =	strace $0x80000048  }
0xb3: {  	_ =	swait.ge [sflag:s29], $0x1  }
0xb4: {  	[sflag:s29] =	ssyncadd.s32 $0xFFFFFFFF  }
0xb5: {  	_ =	strace $0x90000048  }
0xb6: {  	_ =	sfence  }
0xb7: {  	s30 =	sld [smem:$0x0];
	_ =	sdelay $0x2  }
0xb8: {  	s31 =	sshll.u32 s1, $0xD;
	s1 =	sshrl.u32 s1, $0x2  }
0xb9: {  	s3 =	sand.u32 $0x4000, s31;
	s1 =	sadd.s32 s1, s30  }
0xba: {  	s0 =	sor.u32 s3, s0;
	s1 =	sshll.u32 s1, $0x11  }
0xbb: {  	s0 =	sor.u32 s1, s0  }
0xbc: {  	s0 =	sadd.s32 $0x8F2B, s0  }
0xbd: {  	[sflag:s0] =	ssyncadd.remote.s32 $0x1  }
0xbe: {  	_ =	sfence.sel $0xFFFF  }
0xbf: {  	[dreg:$0x0] =	wrdreg $0xFFFFFFFF;
	(pc) =	sbr.abs _section_cstart, $3  }
0xc0: {  	[dreg:$0x1] =	wrdreg $0xFFFFFFFF  }
0xc1: {  	_ =	task.clear_ibuf [dreg:s7], $0x2FFFF;
	_ =	strace $0x9FFFFFFF  }
0xc2: {  	(tm) =	ssettm $0x7FFFFFFF  }
0xc3: {  	_ =	shalt  }
tec
execute0_lowered:
.L_overlay_start_1:
0x0: {  	(tag) =	ssettag $0x1  }
0x1: {  	s5 =	rddreg [dreg:$0x0]  }
0x2: {  	s13 =	rddreg [dreg:$0x1];
	s1 =	srdreg.scid  }
0x3: {  	s0 =	rddreg [dreg:$0x2];
	s2 =	simm.s32 $0x0;
	s18 =	simm.s32 $0x7680  }
0x4: {  	s20 =	simm.s32 $0x16580;
	s21 =	simm.s32 $0x9E00;
	s22 =	simm.s32 $0xC580  }
0x5: {  	s23 =	simm.s32 $0xED00;
	s24 =	simm.s32 $0x11480;
	s25 =	simm.s32 $0x13C00  }
0x6: {  	s26 =	simm.s32 $0x0;
	s19 =	sand.u32 $0x1, s1;
	s1 =	stileid.u32  }
0x7: {  	[smem:$0x7FF] =	sst s2;
	s8 =	sadd.s32 $0x1600, s5;
	s4 =	sadd.s32 $0x32E00, s5  }
0x8: {  	s12 =	sadd.s32 $0x3CE00, s5;
	s3 =	sshll.u32 s19, $0x4;
	_ =	strace $0x80000047  }
0x9: {  	s7 =	ssub.s32 $0x2, s19;
	s17 =	smul.u32 $0x4F0, s1;
	s3 =	sor.u32 s1, s3  }
0xa: {  	p0 =	sne.s32 s19, $0x0;
	p1 =	seq.s32 s19, $0x0;
	s6 =	smul.u32 $0x9E00, s3  }
0xb: {  	s19 =	simm.s32 $0x16380;
	s9 =	sshrl.u32 s7, $0x1;
	s3 =	sadd.s32 $0x28E00, s5  }
0xc: {  	s14 =	ssub.s32 s7, s9;
	s13 =	sadd.s32 s13, s17;
	s10 =	sshrl.u32 s6, $0x3  }
0xd: {  	s17 =	simm.s32 $0x4F00;
	s14 =	smax.u32 s14, $0x1;
	s11 =	sadd.s32 $0x4F0, s10  }
0xe: {  	s5 =	sadd.s32 s8, s10;
	s15 =	sadd.s32 $0x9E0, s10;
	s16 =	sadd.s32 $0xED0, s10  }
0xf: {  	s9 =	sadd.s32 s12, s10;
	s6 =	sadd.s32 s8, s11;
	s7 =	sadd.s32 s8, s15  }
0x10: {  	s8 =	sadd.s32 s8, s16;
	s10 =	sadd.s32 s12, s11;
	s11 =	sadd.s32 s12, s15  }
0x11: {  	v0 =	vimm.f32 $0.0e+00;
	vm0 =	vmxor vm0, vm0;
	v1 =	vimm.f32 $1.000000000e+00;
	s12 =	sadd.s32 s12, s16;
	s15 =	simm.s32 $0x1;
	s16 =	simm.s32 $0x2780  }
.LBB2_1:
0x12: {  	[tilespmem:s2], [sflag:$0x1] =	stream.linear.gather [hbm4b:s5+s2], $0x2780, $0x38;
	[tilespmem:$0x16780] =	vst v63  }
0x13: {  	_ =	swait.ge [sflag:s15], $0x2780  }
0x14: {  	[sflag:s15] =	ssyncset.done $0x0  }
0x15: {  	s28 =	simm.s32 $0x40;
	s29 =	simm.s32 $0x0;
	[sflag:s15] =	ssyncadd.s32 $0xFFFFD880  }
.LBB2_2:
0x16: {  	p2 =	sne.s32 s28, $0x9DC0;
	[tilespmem:s29+$0x9E00] =	vst v0;
	s29 =	smov.u32 s28;
	s28 =	sadd.s32 $0x40, s28  }
.Ltmp0:
0x17: {  	(pc) =	sbr.rel @p2 .LBB2_2-.Ltmp0, $2  }
0x18: {  	_ =	sdelay $0x2  }
0x19: {  	s29 =	sshra.s32 s29, $0x2  }
0x1a: {  	[tilespmem:s29+$0x9E00] =	vst v0;
	s28 =	simm.s32 $0x0  }
0x1b: {  	[tilespmem:s16], [sflag:$0x1] =	stream.linear.gather [hbm4b:s6+s28], $0x2780, $0x38;
	[tilespmem:$0x16780] =	vst v63  }
0x1c: {  	_ =	swait.ge [sflag:s15], $0x2780  }
0x1d: {  	[sflag:s15] =	ssyncset.done $0x0  }
0x1e: {  	s29 =	simm.s32 $0x0;
	s28 =	simm.s32 $0x40;
	[sflag:s15] =	ssyncadd.s32 $0xFFFFD880  }
.LBB2_4:
0x1f: {  	p2 =	sne.s32 s28, $0x9DC0;
	[tilespmem:s29+$0xC580] =	vst v0;
	s29 =	smov.u32 s28;
	s28 =	sadd.s32 $0x40, s28  }
.Ltmp1:
0x20: {  	(pc) =	sbr.rel @p2 .LBB2_4-.Ltmp1, $2  }
0x21: {  	_ =	sdelay $0x2  }
0x22: {  	s29 =	sshra.s32 s29, $0x2  }
0x23: {  	[tilespmem:s29+$0xC580] =	vst v0;
	s28 =	simm.s32 $0x0  }
0x24: {  	[tilespmem:s17], [sflag:$0x1] =	stream.linear.gather [hbm4b:s7+s28], $0x2780, $0x38;
	[tilespmem:$0x16780] =	vst v63  }
0x25: {  	_ =	swait.ge [sflag:s15], $0x2780  }
0x26: {  	[sflag:s15] =	ssyncset.done $0x0  }
0x27: {  	s29 =	simm.s32 $0x0;
	s28 =	simm.s32 $0x40;
	[sflag:s15] =	ssyncadd.s32 $0xFFFFD880  }
.LBB2_6:
0x28: {  	p2 =	sne.s32 s28, $0x9DC0;
	[tilespmem:s29+$0xED00] =	vst v0;
	s29 =	smov.u32 s28;
	s28 =	sadd.s32 $0x40, s28  }
.Ltmp2:
0x29: {  	(pc) =	sbr.rel @p2 .LBB2_6-.Ltmp2, $2  }
0x2a: {  	_ =	sdelay $0x2  }
0x2b: {  	s29 =	sshra.s32 s29, $0x2  }
0x2c: {  	[tilespmem:s29+$0xED00] =	vst v0;
	s28 =	simm.s32 $0x0  }
0x2d: {  	[tilespmem:s18], [sflag:$0x1] =	stream.linear.gather [hbm4b:s8+s28], $0x2780, $0x38;
	[tilespmem:$0x16780] =	vst v63  }
0x2e: {  	_ =	swait.ge [sflag:s15], $0x2780  }
0x2f: {  	[sflag:s15] =	ssyncset.done $0x0  }
0x30: {  	s29 =	simm.s32 $0x0;
	s28 =	simm.s32 $0x40;
	[sflag:s15] =	ssyncadd.s32 $0xFFFFD880  }
.LBB2_8:
0x31: {  	p2 =	sne.s32 s28, $0x9DC0;
	[tilespmem:s29+$0x11480] =	vst v0;
	s29 =	smov.u32 s28;
	s28 =	sadd.s32 $0x40, s28  }
.Ltmp3:
0x32: {  	(pc) =	sbr.rel @p2 .LBB2_8-.Ltmp3, $2  }
0x33: {  	_ =	sdelay $0x2  }
0x34: {  	s29 =	sshra.s32 s29, $0x2  }
.Ltmp4:
0x35: {  	(pc) =	sbr.rel @p0 .LBB2_13-.Ltmp4, $2  }
0x36: {  	_ =	sdelay $0x2  }
0x37: {  	[tilespmem:s29+$0x11480] =	vst v0;
	s28 =	simm.s32 $0x0  }
0x38: {  	s29 =	simm.s32 $0x40;
	s30 =	simm.s32 $0x0  }
.LBB2_11:
0x39: {  	p2 =	sne.s32 s29, $0x9DC0;
	[tilespmem:s30+$0x13C00] =	vst v0;
	s30 =	smov.u32 s29;
	s29 =	sadd.s32 $0x40, s29  }
.Ltmp5:
0x3a: {  	(pc) =	sbr.rel @p2 .LBB2_11-.Ltmp5, $2  }
0x3b: {  	_ =	sdelay $0x2  }
0x3c: {  	s30 =	sshra.s32 s30, $0x2  }
0x3d: {  	[tilespmem:s30+$0x13C00] =	vst v0  }
.LBB2_13:
0x3e: {  	s29 =	smov.u32 s3;
	s30 =	smov.u32 s4  }
.LBB2_14:
0x3f: {  	[tilespmem:s19], [sflag:$0x1] =	stream.linear.gather [hbm4b:s29+s2], $0x200, $0x38;
	[tilespmem:$0x16780] =	vst v63  }
0x40: {  	_ =	swait.ge [sflag:s15], $0x200  }
0x41: {  	[sflag:s15] =	ssyncset.done $0x0  }
0x42: {  	[sflag:s15] =	ssyncadd.s32 $0xFFFFFE00  }
0x43: {  	[tilespmem:s20], [sflag:$0x1] =	stream.linear.gather [hbm4b:s30+s2], $0x200, $0x38;
	[tilespmem:$0x16780] =	vst v63  }
0x44: {  	_ =	swait.ge [sflag:s15], $0x200  }
0x45: {  	[sflag:s15] =	ssyncset.done $0x0  }
0x46: {  	[sflag:s15] =	ssyncadd.s32 $0xFFFFFE00  }
0x47: {  	v2 =	vld [tilespmem:$0x16380];
	_ =	sdelay $0x4  }
0x48: {  	v3 =	vld [tilespmem:$0x16580];
	_ =	sdelay $0x2  }
0x49: {  	v4 =	vld.idx.msk [tilespmem:v2+s2+$0x0], $0xffff;
	_ =	sdelay $0x4  }
0x4a: {  	[tilespmem:v3+s21+$0x0] =	vst.idx.add.f32.msk $0xffff, v4  }
0x4b: {  	v4 =	vld.idx.msk [tilespmem:v2+s16+$0x0], $0xffff;
	_ =	sdelay $0x4  }
0x4c: {  	[tilespmem:v3+s22+$0x0] =	vst.idx.add.f32.msk $0xffff, v4  }
0x4d: {  	v4 =	vld.idx.msk [tilespmem:v2+s17+$0x0], $0xffff;
	_ =	sdelay $0x1  }
0x4e: {  	s31 =	sand.u32 $0xF, s28  }
0x4f: {  	p2 =	seq.s32 s31, s1  }
0x50: {  	p2 =	por !p1, !p2  }
0x51: {  	vm1 =	vmmov vm0;
	p2 =	por !p2, !p2;
	[tilespmem:v3+s23+$0x0] =	vst.idx.add.f32.msk $0xffff, v4  }
0x52: {  	vm1 =	vmneg @p2 vm1;
	v2 =	vld.idx.msk [tilespmem:v2+s18+$0x0], $0xffff;
	_ =	sdelay $0x4  }
0x53: {  	[tilespmem:v3+s24+$0x0] =	vst.idx.add.f32.msk $0xffff, v2  }
0x54: {  	[tilespmem:v3+s25+$0x0] =	vst.idx.add.f32.msk vm1, v1  }
0x55: {  	v2 =	vld [tilespmem:$0x16390];
	_ =	sdelay $0x4  }
0x56: {  	v3 =	vld [tilespmem:$0x16590];
	_ =	sdelay $0x2  }
0x57: {  	v4 =	vld.idx.msk [tilespmem:v2+s2+$0x0], $0xffff;
	_ =	sdelay $0x4  }
0x58: {  	[tilespmem:v3+s21+$0x0] =	vst.idx.add.f32.msk $0xffff, v4  }
0x59: {  	v4 =	vld.idx.msk [tilespmem:v2+s16+$0x0], $0xffff;
	_ =	sdelay $0x4  }
0x5a: {  	[tilespmem:v3+s22+$0x0] =	vst.idx.add.f32.msk $0xffff, v4  }
0x5b: {  	v4 =	vld.idx.msk [tilespmem:v2+s17+$0x0], $0xffff;
	_ =	sdelay $0x4  }
0x5c: {  	[tilespmem:v3+s23+$0x0] =	vst.idx.add.f32.msk $0xffff, v4  }
0x5d: {  	v2 =	vld.idx.msk [tilespmem:v2+s18+$0x0], $0xffff;
	_ =	sdelay $0x4  }
0x5e: {  	[tilespmem:v3+s24+$0x0] =	vst.idx.add.f32.msk $0xffff, v2  }
0x5f: {  	[tilespmem:v3+s25+$0x0] =	vst.idx.add.f32.msk vm1, v1  }
0x60: {  	v2 =	vld [tilespmem:$0x163A0];
	_ =	sdelay $0x4  }
0x61: {  	v3 =	vld [tilespmem:$0x165A0];
	_ =	sdelay $0x2  }
0x62: {  	v4 =	vld.idx.msk [tilespmem:v2+s2+$0x0], $0xffff;
	_ =	sdelay $0x4  }
0x63: {  	[tilespmem:v3+s21+$0x0] =	vst.idx.add.f32.msk $0xffff, v4  }
0x64: {  	v4 =	vld.idx.msk [tilespmem:v2+s16+$0x0], $0xffff;
	_ =	sdelay $0x4  }
0x65: {  	[tilespmem:v3+s22+$0x0] =	vst.idx.add.f32.msk $0xffff, v4  }
0x66: {  	v4 =	vld.idx.msk [tilespmem:v2+s17+$0x0], $0xffff;
	_ =	sdelay $0x4  }
0x67: {  	[tilespmem:v3+s23+$0x0] =	vst.idx.add.f32.msk $0xffff, v4  }
0x68: {  	v2 =	vld.idx.msk [tilespmem:v2+s18+$0x0], $0xffff;
	_ =	sdelay $0x4  }
0x69: {  	[tilespmem:v3+s24+$0x0] =	vst.idx.add.f32.msk $0xffff, v2  }
0x6a: {  	[tilespmem:v3+s25+$0x0] =	vst.idx.add.f32.msk vm1, v1  }
0x6b: {  	v2 =	vld [tilespmem:$0x163B0];
	_ =	sdelay $0x4  }
0x6c: {  	v3 =	vld [tilespmem:$0x165B0];
	_ =	sdelay $0x2  }
0x6d: {  	v4 =	vld.idx.msk [tilespmem:v2+s2+$0x0], $0xffff;
	_ =	sdelay $0x4  }
0x6e: {  	[tilespmem:v3+s21+$0x0] =	vst.idx.add.f32.msk $0xffff, v4  }
0x6f: {  	v4 =	vld.idx.msk [tilespmem:v2+s16+$0x0], $0xffff;
	_ =	sdelay $0x4  }
0x70: {  	[tilespmem:v3+s22+$0x0] =	vst.idx.add.f32.msk $0xffff, v4  }
0x71: {  	v4 =	vld.idx.msk [tilespmem:v2+s17+$0x0], $0xffff;
	_ =	sdelay $0x4  }
0x72: {  	[tilespmem:v3+s23+$0x0] =	vst.idx.add.f32.msk $0xffff, v4  }
0x73: {  	v2 =	vld.idx.msk [tilespmem:v2+s18+$0x0], $0xffff;
	_ =	sdelay $0x4  }
0x74: {  	[tilespmem:v3+s24+$0x0] =	vst.idx.add.f32.msk $0xffff, v2  }
0x75: {  	[tilespmem:v3+s25+$0x0] =	vst.idx.add.f32.msk vm1, v1  }
0x76: {  	v2 =	vld [tilespmem:$0x163C0];
	_ =	sdelay $0x4  }
0x77: {  	v3 =	vld [tilespmem:$0x165C0];
	_ =	sdelay $0x2  }
0x78: {  	v4 =	vld.idx.msk [tilespmem:v2+s2+$0x0], $0xffff;
	_ =	sdelay $0x4  }
0x79: {  	[tilespmem:v3+s21+$0x0] =	vst.idx.add.f32.msk $0xffff, v4  }
0x7a: {  	v4 =	vld.idx.msk [tilespmem:v2+s16+$0x0], $0xffff;
	_ =	sdelay $0x4  }
0x7b: {  	[tilespmem:v3+s22+$0x0] =	vst.idx.add.f32.msk $0xffff, v4  }
0x7c: {  	v4 =	vld.idx.msk [tilespmem:v2+s17+$0x0], $0xffff;
	_ =	sdelay $0x4  }
0x7d: {  	[tilespmem:v3+s23+$0x0] =	vst.idx.add.f32.msk $0xffff, v4  }
0x7e: {  	v2 =	vld.idx.msk [tilespmem:v2+s18+$0x0], $0xffff;
	_ =	sdelay $0x4  }
0x7f: {  	[tilespmem:v3+s24+$0x0] =	vst.idx.add.f32.msk $0xffff, v2  }
0x80: {  	[tilespmem:v3+s25+$0x0] =	vst.idx.add.f32.msk vm1, v1  }
0x81: {  	v2 =	vld [tilespmem:$0x163D0];
	_ =	sdelay $0x4  }
0x82: {  	v3 =	vld [tilespmem:$0x165D0];
	_ =	sdelay $0x2  }
0x83: {  	v4 =	vld.idx.msk [tilespmem:v2+s2+$0x0], $0xffff;
	_ =	sdelay $0x4  }
0x84: {  	[tilespmem:v3+s21+$0x0] =	vst.idx.add.f32.msk $0xffff, v4  }
0x85: {  	v4 =	vld.idx.msk [tilespmem:v2+s16+$0x0], $0xffff;
	_ =	sdelay $0x4  }
0x86: {  	[tilespmem:v3+s22+$0x0] =	vst.idx.add.f32.msk $0xffff, v4  }
0x87: {  	v4 =	vld.idx.msk [tilespmem:v2+s17+$0x0], $0xffff;
	_ =	sdelay $0x4  }
0x88: {  	[tilespmem:v3+s23+$0x0] =	vst.idx.add.f32.msk $0xffff, v4  }
0x89: {  	v2 =	vld.idx.msk [tilespmem:v2+s18+$0x0], $0xffff;
	_ =	sdelay $0x4  }
0x8a: {  	[tilespmem:v3+s24+$0x0] =	vst.idx.add.f32.msk $0xffff, v2  }
0x8b: {  	[tilespmem:v3+s25+$0x0] =	vst.idx.add.f32.msk vm1, v1  }
0x8c: {  	v2 =	vld [tilespmem:$0x163E0];
	_ =	sdelay $0x4  }
0x8d: {  	v3 =	vld [tilespmem:$0x165E0];
	_ =	sdelay $0x2  }
0x8e: {  	v4 =	vld.idx.msk [tilespmem:v2+s2+$0x0], $0xffff;
	_ =	sdelay $0x4  }
0x8f: {  	[tilespmem:v3+s21+$0x0] =	vst.idx.add.f32.msk $0xffff, v4  }
0x90: {  	v4 =	vld.idx.msk [tilespmem:v2+s16+$0x0], $0xffff;
	_ =	sdelay $0x4  }
0x91: {  	[tilespmem:v3+s22+$0x0] =	vst.idx.add.f32.msk $0xffff, v4  }
0x92: {  	v4 =	vld.idx.msk [tilespmem:v2+s17+$0x0], $0xffff;
	_ =	sdelay $0x4  }
0x93: {  	[tilespmem:v3+s23+$0x0] =	vst.idx.add.f32.msk $0xffff, v4  }
0x94: {  	v2 =	vld.idx.msk [tilespmem:v2+s18+$0x0], $0xffff;
	_ =	sdelay $0x4  }
0x95: {  	[tilespmem:v3+s24+$0x0] =	vst.idx.add.f32.msk $0xffff, v2  }
0x96: {  	[tilespmem:v3+s25+$0x0] =	vst.idx.add.f32.msk vm1, v1  }
0x97: {  	v2 =	vld [tilespmem:$0x163F0];
	_ =	sdelay $0x4  }
0x98: {  	v3 =	vld [tilespmem:$0x165F0];
	_ =	sdelay $0x2  }
0x99: {  	v4 =	vld.idx.msk [tilespmem:v2+s2+$0x0], $0xffff;
	_ =	sdelay $0x4  }
0x9a: {  	[tilespmem:v3+s21+$0x0] =	vst.idx.add.f32.msk $0xffff, v4  }
0x9b: {  	v4 =	vld.idx.msk [tilespmem:v2+s16+$0x0], $0xffff;
	_ =	sdelay $0x4  }
0x9c: {  	[tilespmem:v3+s22+$0x0] =	vst.idx.add.f32.msk $0xffff, v4  }
0x9d: {  	v4 =	vld.idx.msk [tilespmem:v2+s17+$0x0], $0xffff;
	_ =	sdelay $0x4  }
0x9e: {  	[tilespmem:v3+s23+$0x0] =	vst.idx.add.f32.msk $0xffff, v4  }
0x9f: {  	v2 =	vld.idx.msk [tilespmem:v2+s18+$0x0], $0xffff;
	_ =	sdelay $0x4  }
0xa0: {  	[tilespmem:v3+s24+$0x0] =	vst.idx.add.f32.msk $0xffff, v2  }
0xa1: {  	[tilespmem:v3+s25+$0x0] =	vst.idx.add.f32.msk vm1, v1  }
0xa2: {  	v2 =	vld [tilespmem:$0x16400];
	_ =	sdelay $0x4  }
0xa3: {  	v3 =	vld [tilespmem:$0x16600];
	_ =	sdelay $0x2  }
0xa4: {  	v4 =	vld.idx.msk [tilespmem:v2+s2+$0x0], $0xffff;
	_ =	sdelay $0x4  }
0xa5: {  	[tilespmem:v3+s21+$0x0] =	vst.idx.add.f32.msk $0xffff, v4  }
0xa6: {  	v4 =	vld.idx.msk [tilespmem:v2+s16+$0x0], $0xffff;
	_ =	sdelay $0x4  }
0xa7: {  	[tilespmem:v3+s22+$0x0] =	vst.idx.add.f32.msk $0xffff, v4  }
0xa8: {  	v4 =	vld.idx.msk [tilespmem:v2+s17+$0x0], $0xffff;
	_ =	sdelay $0x4  }
0xa9: {  	[tilespmem:v3+s23+$0x0] =	vst.idx.add.f32.msk $0xffff, v4  }
0xaa: {  	v2 =	vld.idx.msk [tilespmem:v2+s18+$0x0], $0xffff;
	_ =	sdelay $0x4  }
0xab: {  	[tilespmem:v3+s24+$0x0] =	vst.idx.add.f32.msk $0xffff, v2  }
0xac: {  	[tilespmem:v3+s25+$0x0] =	vst.idx.add.f32.msk vm1, v1  }
0xad: {  	v2 =	vld [tilespmem:$0x16410];
	_ =	sdelay $0x4  }
0xae: {  	v3 =	vld [tilespmem:$0x16610];
	_ =	sdelay $0x2  }
0xaf: {  	v4 =	vld.idx.msk [tilespmem:v2+s2+$0x0], $0xffff;
	_ =	sdelay $0x4  }
0xb0: {  	[tilespmem:v3+s21+$0x0] =	vst.idx.add.f32.msk $0xffff, v4  }
0xb1: {  	v4 =	vld.idx.msk [tilespmem:v2+s16+$0x0], $0xffff;
	_ =	sdelay $0x4  }
0xb2: {  	[tilespmem:v3+s22+$0x0] =	vst.idx.add.f32.msk $0xffff, v4  }
0xb3: {  	v4 =	vld.idx.msk [tilespmem:v2+s17+$0x0], $0xffff;
	_ =	sdelay $0x4  }
0xb4: {  	[tilespmem:v3+s23+$0x0] =	vst.idx.add.f32.msk $0xffff, v4  }
0xb5: {  	v2 =	vld.idx.msk [tilespmem:v2+s18+$0x0], $0xffff;
	_ =	sdelay $0x4  }
0xb6: {  	[tilespmem:v3+s24+$0x0] =	vst.idx.add.f32.msk $0xffff, v2  }
0xb7: {  	[tilespmem:v3+s25+$0x0] =	vst.idx.add.f32.msk vm1, v1  }
0xb8: {  	v2 =	vld [tilespmem:$0x16420];
	_ =	sdelay $0x4  }
0xb9: {  	v3 =	vld [tilespmem:$0x16620];
	_ =	sdelay $0x2  }
0xba: {  	v4 =	vld.idx.msk [tilespmem:v2+s2+$0x0], $0xffff;
	_ =	sdelay $0x4  }
0xbb: {  	[tilespmem:v3+s21+$0x0] =	vst.idx.add.f32.msk $0xffff, v4  }
0xbc: {  	v4 =	vld.idx.msk [tilespmem:v2+s16+$0x0], $0xffff;
	_ =	sdelay $0x4  }
0xbd: {  	[tilespmem:v3+s22+$0x0] =	vst.idx.add.f32.msk $0xffff, v4  }
0xbe: {  	v4 =	vld.idx.msk [tilespmem:v2+s17+$0x0], $0xffff;
	_ =	sdelay $0x4  }
0xbf: {  	[tilespmem:v3+s23+$0x0] =	vst.idx.add.f32.msk $0xffff, v4  }
0xc0: {  	v2 =	vld.idx.msk [tilespmem:v2+s18+$0x0], $0xffff;
	_ =	sdelay $0x4  }
0xc1: {  	[tilespmem:v3+s24+$0x0] =	vst.idx.add.f32.msk $0xffff, v2  }
0xc2: {  	[tilespmem:v3+s25+$0x0] =	vst.idx.add.f32.msk vm1, v1  }
0xc3: {  	v2 =	vld [tilespmem:$0x16430];
	_ =	sdelay $0x4  }
0xc4: {  	v3 =	vld [tilespmem:$0x16630];
	_ =	sdelay $0x2  }
0xc5: {  	v4 =	vld.idx.msk [tilespmem:v2+s2+$0x0], $0xffff;
	_ =	sdelay $0x4  }
0xc6: {  	[tilespmem:v3+s21+$0x0] =	vst.idx.add.f32.msk $0xffff, v4  }
0xc7: {  	v4 =	vld.idx.msk [tilespmem:v2+s16+$0x0], $0xffff;
	_ =	sdelay $0x4  }
0xc8: {  	[tilespmem:v3+s22+$0x0] =	vst.idx.add.f32.msk $0xffff, v4  }
0xc9: {  	v4 =	vld.idx.msk [tilespmem:v2+s17+$0x0], $0xffff;
	_ =	sdelay $0x4  }
0xca: {  	[tilespmem:v3+s23+$0x0] =	vst.idx.add.f32.msk $0xffff, v4  }
0xcb: {  	v2 =	vld.idx.msk [tilespmem:v2+s18+$0x0], $0xffff;
	_ =	sdelay $0x4  }
0xcc: {  	[tilespmem:v3+s24+$0x0] =	vst.idx.add.f32.msk $0xffff, v2  }
0xcd: {  	[tilespmem:v3+s25+$0x0] =	vst.idx.add.f32.msk vm1, v1  }
0xce: {  	v2 =	vld [tilespmem:$0x16440];
	_ =	sdelay $0x4  }
0xcf: {  	v3 =	vld [tilespmem:$0x16640];
	_ =	sdelay $0x2  }
0xd0: {  	v4 =	vld.idx.msk [tilespmem:v2+s2+$0x0], $0xffff;
	_ =	sdelay $0x4  }
0xd1: {  	[tilespmem:v3+s21+$0x0] =	vst.idx.add.f32.msk $0xffff, v4  }
0xd2: {  	v4 =	vld.idx.msk [tilespmem:v2+s16+$0x0], $0xffff;
	_ =	sdelay $0x4  }
0xd3: {  	[tilespmem:v3+s22+$0x0] =	vst.idx.add.f32.msk $0xffff, v4  }
0xd4: {  	v4 =	vld.idx.msk [tilespmem:v2+s17+$0x0], $0xffff;
	_ =	sdelay $0x4  }
0xd5: {  	[tilespmem:v3+s23+$0x0] =	vst.idx.add.f32.msk $0xffff, v4  }
0xd6: {  	v2 =	vld.idx.msk [tilespmem:v2+s18+$0x0], $0xffff;
	_ =	sdelay $0x4  }
0xd7: {  	[tilespmem:v3+s24+$0x0] =	vst.idx.add.f32.msk $0xffff, v2  }
0xd8: {  	[tilespmem:v3+s25+$0x0] =	vst.idx.add.f32.msk vm1, v1  }
0xd9: {  	v2 =	vld [tilespmem:$0x16450];
	_ =	sdelay $0x4  }
0xda: {  	v3 =	vld [tilespmem:$0x16650];
	_ =	sdelay $0x2  }
0xdb: {  	v4 =	vld.idx.msk [tilespmem:v2+s2+$0x0], $0xffff;
	_ =	sdelay $0x4  }
0xdc: {  	[tilespmem:v3+s21+$0x0] =	vst.idx.add.f32.msk $0xffff, v4  }
0xdd: {  	v4 =	vld.idx.msk [tilespmem:v2+s16+$0x0], $0xffff;
	_ =	sdelay $0x4  }
0xde: {  	[tilespmem:v3+s22+$0x0] =	vst.idx.add.f32.msk $0xffff, v4  }
0xdf: {  	v4 =	vld.idx.msk [tilespmem:v2+s17+$0x0], $0xffff;
	_ =	sdelay $0x4  }
0xe0: {  	[tilespmem:v3+s23+$0x0] =	vst.idx.add.f32.msk $0xffff, v4  }
0xe1: {  	v2 =	vld.idx.msk [tilespmem:v2+s18+$0x0], $0xffff;
	_ =	sdelay $0x4  }
0xe2: {  	[tilespmem:v3+s24+$0x0] =	vst.idx.add.f32.msk $0xffff, v2  }
0xe3: {  	[tilespmem:v3+s25+$0x0] =	vst.idx.add.f32.msk vm1, v1  }
0xe4: {  	v2 =	vld [tilespmem:$0x16460];
	_ =	sdelay $0x4  }
0xe5: {  	v3 =	vld [tilespmem:$0x16660];
	_ =	sdelay $0x2  }
0xe6: {  	v4 =	vld.idx.msk [tilespmem:v2+s2+$0x0], $0xffff;
	_ =	sdelay $0x4  }
0xe7: {  	[tilespmem:v3+s21+$0x0] =	vst.idx.add.f32.msk $0xffff, v4  }
0xe8: {  	v4 =	vld.idx.msk [tilespmem:v2+s16+$0x0], $0xffff;
	_ =	sdelay $0x4  }
0xe9: {  	[tilespmem:v3+s22+$0x0] =	vst.idx.add.f32.msk $0xffff, v4  }
0xea: {  	v4 =	vld.idx.msk [tilespmem:v2+s17+$0x0], $0xffff;
	_ =	sdelay $0x4  }
0xeb: {  	[tilespmem:v3+s23+$0x0] =	vst.idx.add.f32.msk $0xffff, v4  }
0xec: {  	v2 =	vld.idx.msk [tilespmem:v2+s18+$0x0], $0xffff;
	_ =	sdelay $0x4  }
0xed: {  	[tilespmem:v3+s24+$0x0] =	vst.idx.add.f32.msk $0xffff, v2  }
0xee: {  	[tilespmem:v3+s25+$0x0] =	vst.idx.add.f32.msk vm1, v1  }
0xef: {  	v2 =	vld [tilespmem:$0x16470];
	_ =	sdelay $0x4  }
0xf0: {  	v3 =	vld [tilespmem:$0x16670];
	_ =	sdelay $0x2  }
0xf1: {  	v4 =	vld.idx.msk [tilespmem:v2+s2+$0x0], $0xffff;
	_ =	sdelay $0x4  }
0xf2: {  	[tilespmem:v3+s21+$0x0] =	vst.idx.add.f32.msk $0xffff, v4  }
0xf3: {  	v4 =	vld.idx.msk [tilespmem:v2+s16+$0x0], $0xffff;
	_ =	sdelay $0x4  }
0xf4: {  	[tilespmem:v3+s22+$0x0] =	vst.idx.add.f32.msk $0xffff, v4  }
0xf5: {  	v4 =	vld.idx.msk [tilespmem:v2+s17+$0x0], $0xffff;
	_ =	sdelay $0x4  }
0xf6: {  	[tilespmem:v3+s23+$0x0] =	vst.idx.add.f32.msk $0xffff, v4  }
0xf7: {  	v2 =	vld.idx.msk [tilespmem:v2+s18+$0x0], $0xffff;
	_ =	sdelay $0x4  }
0xf8: {  	[tilespmem:v3+s24+$0x0] =	vst.idx.add.f32.msk $0xffff, v2  }
0xf9: {  	[tilespmem:v3+s25+$0x0] =	vst.idx.add.f32.msk vm1, v1  }
0xfa: {  	v2 =	vld [tilespmem:$0x16480];
	_ =	sdelay $0x4  }
0xfb: {  	v3 =	vld [tilespmem:$0x16680];
	_ =	sdelay $0x2  }
0xfc: {  	v4 =	vld.idx.msk [tilespmem:v2+s2+$0x0], $0xffff;
	_ =	sdelay $0x4  }
0xfd: {  	[tilespmem:v3+s21+$0x0] =	vst.idx.add.f32.msk $0xffff, v4  }
0xfe: {  	v4 =	vld.idx.msk [tilespmem:v2+s16+$0x0], $0xffff;
	_ =	sdelay $0x4  }
0xff: {  	[tilespmem:v3+s22+$0x0] =	vst.idx.add.f32.msk $0xffff, v4  }
0x100: {  	v4 =	vld.idx.msk [tilespmem:v2+s17+$0x0], $0xffff;
	_ =	sdelay $0x4  }
0x101: {  	[tilespmem:v3+s23+$0x0] =	vst.idx.add.f32.msk $0xffff, v4  }
0x102: {  	v2 =	vld.idx.msk [tilespmem:v2+s18+$0x0], $0xffff;
	_ =	sdelay $0x4  }
0x103: {  	[tilespmem:v3+s24+$0x0] =	vst.idx.add.f32.msk $0xffff, v2  }
0x104: {  	[tilespmem:v3+s25+$0x0] =	vst.idx.add.f32.msk vm1, v1  }
0x105: {  	v2 =	vld [tilespmem:$0x16490];
	_ =	sdelay $0x4  }
0x106: {  	v3 =	vld [tilespmem:$0x16690];
	_ =	sdelay $0x2  }
0x107: {  	v4 =	vld.idx.msk [tilespmem:v2+s2+$0x0], $0xffff;
	_ =	sdelay $0x4  }
0x108: {  	[tilespmem:v3+s21+$0x0] =	vst.idx.add.f32.msk $0xffff, v4  }
0x109: {  	v4 =	vld.idx.msk [tilespmem:v2+s16+$0x0], $0xffff;
	_ =	sdelay $0x4  }
0x10a: {  	[tilespmem:v3+s22+$0x0] =	vst.idx.add.f32.msk $0xffff, v4  }
0x10b: {  	v4 =	vld.idx.msk [tilespmem:v2+s17+$0x0], $0xffff;
	_ =	sdelay $0x4  }
0x10c: {  	[tilespmem:v3+s23+$0x0] =	vst.idx.add.f32.msk $0xffff, v4  }
0x10d: {  	v2 =	vld.idx.msk [tilespmem:v2+s18+$0x0], $0xffff;
	_ =	sdelay $0x4  }
0x10e: {  	[tilespmem:v3+s24+$0x0] =	vst.idx.add.f32.msk $0xffff, v2  }
0x10f: {  	[tilespmem:v3+s25+$0x0] =	vst.idx.add.f32.msk vm1, v1  }
0x110: {  	v2 =	vld [tilespmem:$0x164A0];
	_ =	sdelay $0x4  }
0x111: {  	v3 =	vld [tilespmem:$0x166A0];
	_ =	sdelay $0x2  }
0x112: {  	v4 =	vld.idx.msk [tilespmem:v2+s2+$0x0], $0xffff;
	_ =	sdelay $0x4  }
0x113: {  	[tilespmem:v3+s21+$0x0] =	vst.idx.add.f32.msk $0xffff, v4  }
0x114: {  	v4 =	vld.idx.msk [tilespmem:v2+s16+$0x0], $0xffff;
	_ =	sdelay $0x4  }
0x115: {  	[tilespmem:v3+s22+$0x0] =	vst.idx.add.f32.msk $0xffff, v4  }
0x116: {  	v4 =	vld.idx.msk [tilespmem:v2+s17+$0x0], $0xffff;
	_ =	sdelay $0x4  }
0x117: {  	[tilespmem:v3+s23+$0x0] =	vst.idx.add.f32.msk $0xffff, v4  }
0x118: {  	v2 =	vld.idx.msk [tilespmem:v2+s18+$0x0], $0xffff;
	_ =	sdelay $0x4  }
0x119: {  	[tilespmem:v3+s24+$0x0] =	vst.idx.add.f32.msk $0xffff, v2  }
0x11a: {  	[tilespmem:v3+s25+$0x0] =	vst.idx.add.f32.msk vm1, v1  }
0x11b: {  	v2 =	vld [tilespmem:$0x164B0];
	_ =	sdelay $0x4  }
0x11c: {  	v3 =	vld [tilespmem:$0x166B0];
	_ =	sdelay $0x2  }
0x11d: {  	v4 =	vld.idx.msk [tilespmem:v2+s2+$0x0], $0xffff;
	_ =	sdelay $0x4  }
0x11e: {  	[tilespmem:v3+s21+$0x0] =	vst.idx.add.f32.msk $0xffff, v4  }
0x11f: {  	v4 =	vld.idx.msk [tilespmem:v2+s16+$0x0], $0xffff;
	_ =	sdelay $0x4  }
0x120: {  	[tilespmem:v3+s22+$0x0] =	vst.idx.add.f32.msk $0xffff, v4  }
0x121: {  	v4 =	vld.idx.msk [tilespmem:v2+s17+$0x0], $0xffff;
	_ =	sdelay $0x4  }
0x122: {  	[tilespmem:v3+s23+$0x0] =	vst.idx.add.f32.msk $0xffff, v4  }
0x123: {  	v2 =	vld.idx.msk [tilespmem:v2+s18+$0x0], $0xffff;
	_ =	sdelay $0x4  }
0x124: {  	[tilespmem:v3+s24+$0x0] =	vst.idx.add.f32.msk $0xffff, v2  }
0x125: {  	[tilespmem:v3+s25+$0x0] =	vst.idx.add.f32.msk vm1, v1  }
0x126: {  	v2 =	vld [tilespmem:$0x164C0];
	_ =	sdelay $0x4  }
0x127: {  	v3 =	vld [tilespmem:$0x166C0];
	_ =	sdelay $0x2  }
0x128: {  	v4 =	vld.idx.msk [tilespmem:v2+s2+$0x0], $0xffff;
	_ =	sdelay $0x4  }
0x129: {  	[tilespmem:v3+s21+$0x0] =	vst.idx.add.f32.msk $0xffff, v4  }
0x12a: {  	v4 =	vld.idx.msk [tilespmem:v2+s16+$0x0], $0xffff;
	_ =	sdelay $0x4  }
0x12b: {  	[tilespmem:v3+s22+$0x0] =	vst.idx.add.f32.msk $0xffff, v4  }
0x12c: {  	v4 =	vld.idx.msk [tilespmem:v2+s17+$0x0], $0xffff;
	_ =	sdelay $0x4  }
0x12d: {  	[tilespmem:v3+s23+$0x0] =	vst.idx.add.f32.msk $0xffff, v4  }
0x12e: {  	v2 =	vld.idx.msk [tilespmem:v2+s18+$0x0], $0xffff;
	_ =	sdelay $0x4  }
0x12f: {  	[tilespmem:v3+s24+$0x0] =	vst.idx.add.f32.msk $0xffff, v2  }
0x130: {  	[tilespmem:v3+s25+$0x0] =	vst.idx.add.f32.msk vm1, v1  }
0x131: {  	v2 =	vld [tilespmem:$0x164D0];
	_ =	sdelay $0x4  }
0x132: {  	v3 =	vld [tilespmem:$0x166D0];
	_ =	sdelay $0x2  }
0x133: {  	v4 =	vld.idx.msk [tilespmem:v2+s2+$0x0], $0xffff;
	_ =	sdelay $0x4  }
0x134: {  	[tilespmem:v3+s21+$0x0] =	vst.idx.add.f32.msk $0xffff, v4  }
0x135: {  	v4 =	vld.idx.msk [tilespmem:v2+s16+$0x0], $0xffff;
	_ =	sdelay $0x4  }
0x136: {  	[tilespmem:v3+s22+$0x0] =	vst.idx.add.f32.msk $0xffff, v4  }
0x137: {  	v4 =	vld.idx.msk [tilespmem:v2+s17+$0x0], $0xffff;
	_ =	sdelay $0x4  }
0x138: {  	[tilespmem:v3+s23+$0x0] =	vst.idx.add.f32.msk $0xffff, v4  }
0x139: {  	v2 =	vld.idx.msk [tilespmem:v2+s18+$0x0], $0xffff;
	_ =	sdelay $0x4  }
0x13a: {  	[tilespmem:v3+s24+$0x0] =	vst.idx.add.f32.msk $0xffff, v2  }
0x13b: {  	[tilespmem:v3+s25+$0x0] =	vst.idx.add.f32.msk vm1, v1  }
0x13c: {  	v2 =	vld [tilespmem:$0x164E0];
	_ =	sdelay $0x4  }
0x13d: {  	v3 =	vld [tilespmem:$0x166E0];
	_ =	sdelay $0x2  }
0x13e: {  	v4 =	vld.idx.msk [tilespmem:v2+s2+$0x0], $0xffff;
	_ =	sdelay $0x4  }
0x13f: {  	[tilespmem:v3+s21+$0x0] =	vst.idx.add.f32.msk $0xffff, v4  }
0x140: {  	v4 =	vld.idx.msk [tilespmem:v2+s16+$0x0], $0xffff;
	_ =	sdelay $0x4  }
0x141: {  	[tilespmem:v3+s22+$0x0] =	vst.idx.add.f32.msk $0xffff, v4  }
0x142: {  	v4 =	vld.idx.msk [tilespmem:v2+s17+$0x0], $0xffff;
	_ =	sdelay $0x4  }
0x143: {  	[tilespmem:v3+s23+$0x0] =	vst.idx.add.f32.msk $0xffff, v4  }
0x144: {  	v2 =	vld.idx.msk [tilespmem:v2+s18+$0x0], $0xffff;
	_ =	sdelay $0x4  }
0x145: {  	[tilespmem:v3+s24+$0x0] =	vst.idx.add.f32.msk $0xffff, v2  }
0x146: {  	[tilespmem:v3+s25+$0x0] =	vst.idx.add.f32.msk vm1, v1  }
0x147: {  	v2 =	vld [tilespmem:$0x164F0];
	_ =	sdelay $0x4  }
0x148: {  	v3 =	vld [tilespmem:$0x166F0];
	_ =	sdelay $0x2  }
0x149: {  	v4 =	vld.idx.msk [tilespmem:v2+s2+$0x0], $0xffff;
	_ =	sdelay $0x4  }
0x14a: {  	[tilespmem:v3+s21+$0x0] =	vst.idx.add.f32.msk $0xffff, v4  }
0x14b: {  	v4 =	vld.idx.msk [tilespmem:v2+s16+$0x0], $0xffff;
	_ =	sdelay $0x4  }
0x14c: {  	[tilespmem:v3+s22+$0x0] =	vst.idx.add.f32.msk $0xffff, v4  }
0x14d: {  	v4 =	vld.idx.msk [tilespmem:v2+s17+$0x0], $0xffff;
	_ =	sdelay $0x4  }
0x14e: {  	[tilespmem:v3+s23+$0x0] =	vst.idx.add.f32.msk $0xffff, v4  }
0x14f: {  	v2 =	vld.idx.msk [tilespmem:v2+s18+$0x0], $0xffff;
	_ =	sdelay $0x4  }
0x150: {  	[tilespmem:v3+s24+$0x0] =	vst.idx.add.f32.msk $0xffff, v2  }
0x151: {  	[tilespmem:v3+s25+$0x0] =	vst.idx.add.f32.msk vm1, v1  }
0x152: {  	v2 =	vld [tilespmem:$0x16500];
	_ =	sdelay $0x4  }
0x153: {  	v3 =	vld [tilespmem:$0x16700];
	_ =	sdelay $0x2  }
0x154: {  	v4 =	vld.idx.msk [tilespmem:v2+s2+$0x0], $0xffff;
	_ =	sdelay $0x4  }
0x155: {  	[tilespmem:v3+s21+$0x0] =	vst.idx.add.f32.msk $0xffff, v4  }
0x156: {  	v4 =	vld.idx.msk [tilespmem:v2+s16+$0x0], $0xffff;
	_ =	sdelay $0x4  }
0x157: {  	[tilespmem:v3+s22+$0x0] =	vst.idx.add.f32.msk $0xffff, v4  }
0x158: {  	v4 =	vld.idx.msk [tilespmem:v2+s17+$0x0], $0xffff;
	_ =	sdelay $0x4  }
0x159: {  	[tilespmem:v3+s23+$0x0] =	vst.idx.add.f32.msk $0xffff, v4  }
0x15a: {  	v2 =	vld.idx.msk [tilespmem:v2+s18+$0x0], $0xffff;
	_ =	sdelay $0x4  }
0x15b: {  	[tilespmem:v3+s24+$0x0] =	vst.idx.add.f32.msk $0xffff, v2  }
0x15c: {  	[tilespmem:v3+s25+$0x0] =	vst.idx.add.f32.msk vm1, v1  }
0x15d: {  	v2 =	vld [tilespmem:$0x16510];
	_ =	sdelay $0x4  }
0x15e: {  	v3 =	vld [tilespmem:$0x16710];
	_ =	sdelay $0x2  }
0x15f: {  	v4 =	vld.idx.msk [tilespmem:v2+s2+$0x0], $0xffff;
	_ =	sdelay $0x4  }
0x160: {  	[tilespmem:v3+s21+$0x0] =	vst.idx.add.f32.msk $0xffff, v4  }
0x161: {  	v4 =	vld.idx.msk [tilespmem:v2+s16+$0x0], $0xffff;
	_ =	sdelay $0x4  }
0x162: {  	[tilespmem:v3+s22+$0x0] =	vst.idx.add.f32.msk $0xffff, v4  }
0x163: {  	v4 =	vld.idx.msk [tilespmem:v2+s17+$0x0], $0xffff;
	_ =	sdelay $0x4  }
0x164: {  	[tilespmem:v3+s23+$0x0] =	vst.idx.add.f32.msk $0xffff, v4  }
0x165: {  	v2 =	vld.idx.msk [tilespmem:v2+s18+$0x0], $0xffff;
	_ =	sdelay $0x4  }
0x166: {  	[tilespmem:v3+s24+$0x0] =	vst.idx.add.f32.msk $0xffff, v2  }
0x167: {  	[tilespmem:v3+s25+$0x0] =	vst.idx.add.f32.msk vm1, v1  }
0x168: {  	v2 =	vld [tilespmem:$0x16520];
	_ =	sdelay $0x4  }
0x169: {  	v3 =	vld [tilespmem:$0x16720];
	_ =	sdelay $0x2  }
0x16a: {  	v4 =	vld.idx.msk [tilespmem:v2+s2+$0x0], $0xffff;
	_ =	sdelay $0x4  }
0x16b: {  	[tilespmem:v3+s21+$0x0] =	vst.idx.add.f32.msk $0xffff, v4  }
0x16c: {  	v4 =	vld.idx.msk [tilespmem:v2+s16+$0x0], $0xffff;
	_ =	sdelay $0x4  }
0x16d: {  	[tilespmem:v3+s22+$0x0] =	vst.idx.add.f32.msk $0xffff, v4  }
0x16e: {  	v4 =	vld.idx.msk [tilespmem:v2+s17+$0x0], $0xffff;
	_ =	sdelay $0x4  }
0x16f: {  	[tilespmem:v3+s23+$0x0] =	vst.idx.add.f32.msk $0xffff, v4  }
0x170: {  	v2 =	vld.idx.msk [tilespmem:v2+s18+$0x0], $0xffff;
	_ =	sdelay $0x4  }
0x171: {  	[tilespmem:v3+s24+$0x0] =	vst.idx.add.f32.msk $0xffff, v2  }
0x172: {  	[tilespmem:v3+s25+$0x0] =	vst.idx.add.f32.msk vm1, v1  }
0x173: {  	v2 =	vld [tilespmem:$0x16530];
	_ =	sdelay $0x4  }
0x174: {  	v3 =	vld [tilespmem:$0x16730];
	_ =	sdelay $0x2  }
0x175: {  	v4 =	vld.idx.msk [tilespmem:v2+s2+$0x0], $0xffff;
	_ =	sdelay $0x4  }
0x176: {  	[tilespmem:v3+s21+$0x0] =	vst.idx.add.f32.msk $0xffff, v4  }
0x177: {  	v4 =	vld.idx.msk [tilespmem:v2+s16+$0x0], $0xffff;
	_ =	sdelay $0x4  }
0x178: {  	[tilespmem:v3+s22+$0x0] =	vst.idx.add.f32.msk $0xffff, v4  }
0x179: {  	v4 =	vld.idx.msk [tilespmem:v2+s17+$0x0], $0xffff;
	_ =	sdelay $0x4  }
0x17a: {  	[tilespmem:v3+s23+$0x0] =	vst.idx.add.f32.msk $0xffff, v4  }
0x17b: {  	v2 =	vld.idx.msk [tilespmem:v2+s18+$0x0], $0xffff;
	_ =	sdelay $0x4  }
0x17c: {  	[tilespmem:v3+s24+$0x0] =	vst.idx.add.f32.msk $0xffff, v2  }
0x17d: {  	[tilespmem:v3+s25+$0x0] =	vst.idx.add.f32.msk vm1, v1  }
0x17e: {  	v2 =	vld [tilespmem:$0x16540];
	_ =	sdelay $0x4  }
0x17f: {  	v3 =	vld [tilespmem:$0x16740];
	_ =	sdelay $0x2  }
0x180: {  	v4 =	vld.idx.msk [tilespmem:v2+s2+$0x0], $0xffff;
	_ =	sdelay $0x4  }
0x181: {  	[tilespmem:v3+s21+$0x0] =	vst.idx.add.f32.msk $0xffff, v4  }
0x182: {  	v4 =	vld.idx.msk [tilespmem:v2+s16+$0x0], $0xffff;
	_ =	sdelay $0x4  }
0x183: {  	[tilespmem:v3+s22+$0x0] =	vst.idx.add.f32.msk $0xffff, v4  }
0x184: {  	v4 =	vld.idx.msk [tilespmem:v2+s17+$0x0], $0xffff;
	_ =	sdelay $0x4  }
0x185: {  	[tilespmem:v3+s23+$0x0] =	vst.idx.add.f32.msk $0xffff, v4  }
0x186: {  	v2 =	vld.idx.msk [tilespmem:v2+s18+$0x0], $0xffff;
	_ =	sdelay $0x4  }
0x187: {  	[tilespmem:v3+s24+$0x0] =	vst.idx.add.f32.msk $0xffff, v2  }
0x188: {  	[tilespmem:v3+s25+$0x0] =	vst.idx.add.f32.msk vm1, v1  }
0x189: {  	v2 =	vld [tilespmem:$0x16550];
	_ =	sdelay $0x4  }
0x18a: {  	v3 =	vld [tilespmem:$0x16750];
	_ =	sdelay $0x2  }
0x18b: {  	v4 =	vld.idx.msk [tilespmem:v2+s2+$0x0], $0xffff;
	_ =	sdelay $0x4  }
0x18c: {  	[tilespmem:v3+s21+$0x0] =	vst.idx.add.f32.msk $0xffff, v4  }
0x18d: {  	v4 =	vld.idx.msk [tilespmem:v2+s16+$0x0], $0xffff;
	_ =	sdelay $0x4  }
0x18e: {  	[tilespmem:v3+s22+$0x0] =	vst.idx.add.f32.msk $0xffff, v4  }
0x18f: {  	v4 =	vld.idx.msk [tilespmem:v2+s17+$0x0], $0xffff;
	_ =	sdelay $0x4  }
0x190: {  	[tilespmem:v3+s23+$0x0] =	vst.idx.add.f32.msk $0xffff, v4  }
0x191: {  	v2 =	vld.idx.msk [tilespmem:v2+s18+$0x0], $0xffff;
	_ =	sdelay $0x4  }
0x192: {  	[tilespmem:v3+s24+$0x0] =	vst.idx.add.f32.msk $0xffff, v2  }
0x193: {  	[tilespmem:v3+s25+$0x0] =	vst.idx.add.f32.msk vm1, v1  }
0x194: {  	v2 =	vld [tilespmem:$0x16560];
	_ =	sdelay $0x4  }
0x195: {  	v3 =	vld [tilespmem:$0x16760];
	_ =	sdelay $0x2  }
0x196: {  	v4 =	vld.idx.msk [tilespmem:v2+s2+$0x0], $0xffff;
	_ =	sdelay $0x4  }
0x197: {  	[tilespmem:v3+s21+$0x0] =	vst.idx.add.f32.msk $0xffff, v4  }
0x198: {  	v4 =	vld.idx.msk [tilespmem:v2+s16+$0x0], $0xffff;
	_ =	sdelay $0x4  }
0x199: {  	[tilespmem:v3+s22+$0x0] =	vst.idx.add.f32.msk $0xffff, v4  }
0x19a: {  	v4 =	vld.idx.msk [tilespmem:v2+s17+$0x0], $0xffff;
	_ =	sdelay $0x4  }
0x19b: {  	[tilespmem:v3+s23+$0x0] =	vst.idx.add.f32.msk $0xffff, v4  }
0x19c: {  	v2 =	vld.idx.msk [tilespmem:v2+s18+$0x0], $0xffff;
	_ =	sdelay $0x4  }
0x19d: {  	[tilespmem:v3+s24+$0x0] =	vst.idx.add.f32.msk $0xffff, v2  }
0x19e: {  	[tilespmem:v3+s25+$0x0] =	vst.idx.add.f32.msk vm1, v1  }
0x19f: {  	v2 =	vld [tilespmem:$0x16570];
	_ =	sdelay $0x4  }
0x1a0: {  	v3 =	vld [tilespmem:$0x16770];
	_ =	sdelay $0x2  }
0x1a1: {  	v4 =	vld.idx.msk [tilespmem:v2+s2+$0x0], $0xffff;
	_ =	sdelay $0x4  }
0x1a2: {  	[tilespmem:v3+s21+$0x0] =	vst.idx.add.f32.msk $0xffff, v4  }
0x1a3: {  	v4 =	vld.idx.msk [tilespmem:v2+s16+$0x0], $0xffff;
	_ =	sdelay $0x4  }
0x1a4: {  	[tilespmem:v3+s22+$0x0] =	vst.idx.add.f32.msk $0xffff, v4  }
0x1a5: {  	v4 =	vld.idx.msk [tilespmem:v2+s17+$0x0], $0xffff;
	_ =	sdelay $0x4  }
0x1a6: {  	[tilespmem:v3+s23+$0x0] =	vst.idx.add.f32.msk $0xffff, v4  }
0x1a7: {  	v2 =	vld.idx.msk [tilespmem:v2+s18+$0x0], $0xffff  }
0x1a8: {  	p2 =	sne.s32 s28, $0x27F  }
.Ltmp6:
0x1a9: {  	_ = 	snop;
	(pc) =	sbr.rel @p2 .LBB2_14-.Ltmp6, $3  }
0x1aa: {  	_ =	sdelay $0x1  }
0x1ab: {  	[tilespmem:v3+s24+$0x0] =	vst.idx.add.f32.msk $0xffff, v2  }
0x1ac: {  	s29 =	sadd.s32 $0x40, s29;
	s30 =	sadd.s32 $0x40, s30;
	s28 =	sadd.s32 $0x1, s28;
	[tilespmem:v3+s25+$0x0] =	vst.idx.add.f32.msk vm1, v1  }
0x1ad: {  	[hbm4b:s9+s2] =	stream.linear.scatter [tilespmem:s21], [sflag:$0x1], $0x2780, $0x38;
	[tilespmem:$0x16780] =	vst v63  }
0x1ae: {  	_ =	swait.ge [sflag:s15], $0x2780  }
0x1af: {  	[sflag:s15] =	ssyncset.done $0x0  }
0x1b0: {  	[sflag:s15] =	ssyncadd.s32 $0xFFFFD880  }
0x1b1: {  	[hbm4b:s10+s2] =	stream.linear.scatter [tilespmem:s22], [sflag:$0x1], $0x2780, $0x38;
	[tilespmem:$0x16780] =	vst v63  }
0x1b2: {  	_ =	swait.ge [sflag:s15], $0x2780  }
0x1b3: {  	[sflag:s15] =	ssyncset.done $0x0  }
0x1b4: {  	[sflag:s15] =	ssyncadd.s32 $0xFFFFD880  }
0x1b5: {  	[hbm4b:s11+s2] =	stream.linear.scatter [tilespmem:s23], [sflag:$0x1], $0x2780, $0x38;
	[tilespmem:$0x16780] =	vst v63  }
0x1b6: {  	_ =	swait.ge [sflag:s15], $0x2780  }
0x1b7: {  	[sflag:s15] =	ssyncset.done $0x0  }
0x1b8: {  	[sflag:s15] =	ssyncadd.s32 $0xFFFFD880  }
0x1b9: {  	[hbm4b:s12+s2] =	stream.linear.scatter [tilespmem:s24], [sflag:$0x1], $0x2780, $0x38;
	[tilespmem:$0x16780] =	vst v63  }
0x1ba: {  	_ =	swait.ge [sflag:s15], $0x2780  }
0x1bb: {  	s28 =	simm.s32 @!p0 $0x0;
	s26 =	sadd.s32 $0x1, s26;
	[sflag:s15] =	ssyncset.done $0x0  }
0x1bc: {  	s29 =	simm.s32 @!p0 $0x13C00;
	p2 =	sne.s32 s26, s14;
	[sflag:s15] =	ssyncadd.s32 $0xFFFFD880  }
0x1bd: {  	[hbm4b:s13+s28] =	stream.linear.scatter @!p0 [tilespmem:s29], [sflag:$0x1], $0x2780, $0x38;
	[tilespmem:$0x16780] =	vst v63  }
.Ltmp7:
0x1be: {  	_ = 	snop;
	(pc) =	sbr.rel @p2 .LBB2_1-.Ltmp7, $4  }
0x1bf: {  	s28 =	simm.s32 @!p0 $0x1  }
0x1c0: {  	_ =	swait.ge @!p0 [sflag:s28], $0x2780  }
0x1c1: {  	[sflag:s28] =	ssyncset.done @!p0 $0x0  }
0x1c2: {  	[sflag:s28] =	ssyncadd.s32 @!p0 $0xFFFFD880  }
0x1c3: {  	_ =	sfence.sel $0x180000  }
0x1c4: {  	[bflag:$0x0] =	sbarrier.arrive $0xFFFF  }
0x1c5: {  	p0 =	sne.s32 s1, $0x0;
	_ =	strace $0x90000047  }
0x1c6: {  	s0 =	sadd.s32 @!p0 $0x100000, s0;
	[bflag:$0x2] =	sbarrier.arrive $0xFFFF  }
0x1c7: {  	[sflag:s0] =	ssyncadd.tile.s32 @!p0 $0x1;
	_ =	shalt  }
.Lfunc_end2:
_tile_overlayer_lowered:
.L_overlay_start_2:
0x1c8: {  	(tag) =	ssettag $0x2  }
0x1c9: {  	s0 =	rddreg [dreg:$0x0];
	s2 =	stileid.u32  }
0x1ca: {  	s1 =	rddreg [dreg:$0x1];
	p0 =	sne.s32 s2, $0x0  }
0x1cb: {  	s3 =	rddreg [dreg:$0x2];
	[bflag:$0x3] =	sbarrier.arrive $0xFFFF;
	s2 =	simm.s32 @!p0 $0x1C01  }
0x1cc: {  	[timem:s3], [sflag:s2] =	dma.local @!p0 [hbm:s0], s1  }
0x1cd: {  	s0 =	simm.s32 @!p0 $0x1  }
0x1ce: {  	_ =	swait.ge @!p0 [sflag:s0], s1  }
0x1cf: {  	s1 =	ssub.s32 @!p0 $0x0, s1;
	[sflag:s0] =	ssyncset.done @!p0 $0x0  }
0x1d0: {  	[sflag:s0] =	ssyncadd.s32 @!p0 s1  }
0x1d1: {  	[bflag:$0x3] =	sbarrier.arrive $0xFFFF  }
0x1d2: {  	_ =	shalt  }

// kernel: kernel.9.cloned.1.call-start
scs
__scs_entry_jumppad:
0x0: {  	(pc) =	sbr.rel $0x88, $3  }
0x1: {  	(tag) =	ssettag $0x0;
	lr =	simm.s32 $0x1  }
0x2: {  	[smem:$0x3F97] =	sst lr;
	_ =	strace $0xD0000000  }
0x3: {  	_ = 	snop  }
0x4: {  	_ = 	snop  }
0x5: {  	_ = 	snop  }
0x6: {  	_ = 	snop  }
0x7: {  	_ = 	snop  }
__scs_overlays_trampoline_lowered:
0x8: {  	[smem:$0x3FA6] =	sst s0  }
0x9: {  	[smem:$0x3FA7] =	sst s1  }
0xa: {  	[smem:$0x3FA8] =	sst s2  }
0xb: {  	[smem:$0x3FA9] =	sst s3  }
0xc: {  	[smem:$0x3FAA] =	sst s4  }
0xd: {  	[smem:$0x3FAB] =	sst s5  }
0xe: {  	[smem:$0x3FAC] =	sst s6  }
0xf: {  	[smem:$0x3FAD] =	sst s7  }
0x10: {  	[smem:$0x3FAE] =	sst s8  }
0x11: {  	[smem:$0x3FAF] =	sst s9;
	s0 =	simm.s32 @!p0 $0x0  }
0x12: {  	s1 =	sld [smem:$0x3F95];
	s0 =	simm.s32 @p0 $0x1  }
0x13: {  	[smem:$0x3FB0] =	sst s0;
	s0 =	simm.s32 @!p1 $0x0  }
0x14: {  	s2 =	sld [smem:$0x3F94];
	s0 =	simm.s32 @p1 $0x1  }
0x15: {  	[smem:$0x3FB1] =	sst s0;
	s0 =	simm.s32 @!p2 $0x0  }
0x16: {  	s3 =	sld [smem:$0x3FDB];
	s0 =	simm.s32 @p2 $0x1  }
0x17: {  	s4 =	simm.s32 $0x1BF5;
	[smem:$0x3FB3] =	sst s0  }
0x18: {  	s0 =	sld [smem:$0x3F96];
	_ =	swait.ge [sflag:s4], $0x0  }
0x19: {  	s7 =	sld [smem:$0x3F97]  }
0x1a: {  	s8 =	sadd.s32 $0xFFFFE003, lr  }
0x1b: {  	s9 =	sadd.s32 $0xFFFFFEF7, lr;
	s5 =	simm.s32 $0xFFFFFFFF;
	p2 =	slt.u32 s8, $0xFFFFF086  }
0x1c: {  	p1 =	slt.u32 s9, $0xF7A;
	s5 =	simm.s32 @!p2 $0x0  }
0x1d: {  	s5 =	simm.s32 @p1 $0x1;
	p0 =	seq.s32 s7, s2  }
0x1e: {  	s7 =	smul.u32 @!p0 $0xF7A, s2;
	p2 =	seq.s32 @!p0 s5, $0x0  }
0x1f: {  	s9 =	smul.u32 $0xF7A, s1;
	s8 =	simm.s32 @!p0 $0x1BF5;
	p2 =	por !p2, p0  }
0x20: {  	[sflag:s8] =	ssyncset.s32 @!p0 $0xFFFFF086;
	s6 =	sadd.s32 @!p0 s3, s7;
	s7 =	simm.s32 @!p0 $0x108  }
0x21: {  	s3 =	sadd.s32 s3, s9;
	s6 =	sadd.s32 @!p0 $0x88, s6;
	s7 =	simm.s32 @p2 $0x1082  }
0x22: {  	[simem:s7], [sflag:s8] =	dma.local @!p0 [hbm:s6], $0xF7A  }
0x23: {  	s9 =	sor.u32 $0xD0000000, s2;
	s6 =	simm.s32 $0x108;
	_ =	swait.ge @!p0 [sflag:s8], $0x0  }
0x24: {  	s3 =	sadd.s32 $0x88, s3;
	s6 =	simm.s32 @!p1 $0x1082;
	[sflag:s4] =	ssyncset.s32 $0xFFFFF086  }
0x25: {  	[simem:s6], [sflag:s4] =	dma.local [hbm:s3], $0xF7A  }
0x26: {  	[smem:$0x3F97] =	sst s1;
	(tag) =	ssettag s2;
	_ =	strace s9  }
0x27: {  	s1 =	sld [smem:$0x3FA7]  }
0x28: {  	s2 =	sld [smem:$0x3FA8]  }
0x29: {  	s4 =	sld [smem:$0x3FAA]  }
0x2a: {  	p0 =	seq.s32 s5, $0x0;
	s5 =	sld [smem:$0x3FAB]  }
0x2b: {  	s6 =	sld [smem:$0x3FAC]  }
0x2c: {  	s7 =	sld [smem:$0x3FAD]  }
0x2d: {  	s3 =	simm.s32 $0x108;
	s8 =	sld [smem:$0x3FAE]  }
0x2e: {  	s3 =	simm.s32 @!p0 $0x1082;
	s9 =	sld [smem:$0x3FAF]  }
0x2f: {  	lr =	sadd.s32 s0, s3;
	s0 =	sld [smem:$0x3FA6]  }
0x30: {  	s3 =	sld [smem:$0x3FA9]  }
0x31: {  	[smem:$0x3FB2] =	sst s10  }
0x32: {  	s10 =	sld [smem:$0x3FB0];
	_ =	sdelay $0x3  }
0x33: {  	p0 =	seq.s32 s10, $0x1;
	s10 =	sld [smem:$0x3FB2];
	_ =	sdelay $0x3  }
0x34: {  	[smem:$0x3FB2] =	sst s10  }
0x35: {  	s10 =	sld [smem:$0x3FB1];
	_ =	sdelay $0x3  }
0x36: {  	p1 =	seq.s32 s10, $0x1;
	s10 =	sld [smem:$0x3FB2];
	_ =	sdelay $0x3  }
0x37: {  	[smem:$0x3FB2] =	sst s10  }
0x38: {  	s10 =	sld [smem:$0x3FB3]  }
0x39: {  	_ = 	snop;
	(pc) =	sbr.ind lr, $3  }
0x3a: {  	_ = 	snop  }
0x3b: {  	_ = 	snop  }
0x3c: {  	p2 =	seq.s32 s10, $0x1;
	s10 =	sld [smem:$0x3FB2]  }
0x3d: {  	_ =	shalt  }
0x3e: {  	_ =	shalt  }
0x3f: {  	_ =	shalt  }
0x40: {  	_ =	shalt  }
0x41: {  	_ =	shalt  }
0x42: {  	_ =	shalt  }
0x43: {  	_ =	shalt  }
0x44: {  	_ =	shalt  }
0x45: {  	_ =	shalt  }
0x46: {  	_ =	shalt  }
0x47: {  	_ =	shalt  }
0x48: {  	_ =	shalt  }
0x49: {  	_ =	shalt  }
0x4a: {  	_ =	shalt  }
0x4b: {  	_ =	shalt  }
0x4c: {  	_ =	shalt  }
0x4d: {  	_ =	shalt  }
0x4e: {  	_ =	shalt  }
0x4f: {  	_ =	shalt  }
0x50: {  	_ =	shalt  }
0x51: {  	_ =	shalt  }
0x52: {  	_ =	shalt  }
0x53: {  	_ =	shalt  }
0x54: {  	_ =	shalt  }
0x55: {  	_ =	shalt  }
0x56: {  	_ =	shalt  }
0x57: {  	_ =	shalt  }
0x58: {  	_ =	shalt  }
0x59: {  	_ =	shalt  }
0x5a: {  	_ =	shalt  }
0x5b: {  	_ =	shalt  }
0x5c: {  	_ =	shalt  }
0x5d: {  	_ =	shalt  }
0x5e: {  	_ =	shalt  }
0x5f: {  	_ =	shalt  }
0x60: {  	_ =	shalt  }
0x61: {  	_ =	shalt  }
0x62: {  	_ =	shalt  }
0x63: {  	_ =	shalt  }
0x64: {  	_ =	shalt  }
0x65: {  	_ =	shalt  }
0x66: {  	_ =	shalt  }
0x67: {  	_ =	shalt  }
0x68: {  	_ =	shalt  }
0x69: {  	_ =	shalt  }
0x6a: {  	_ =	shalt  }
0x6b: {  	_ =	shalt  }
0x6c: {  	_ =	shalt  }
0x6d: {  	_ =	shalt  }
0x6e: {  	_ =	shalt  }
0x6f: {  	_ =	shalt  }
0x70: {  	_ =	shalt  }
0x71: {  	_ =	shalt  }
0x72: {  	_ =	shalt  }
0x73: {  	_ =	shalt  }
0x74: {  	_ =	shalt  }
0x75: {  	_ =	shalt  }
0x76: {  	_ =	shalt  }
0x77: {  	_ =	shalt  }
0x78: {  	_ =	shalt  }
0x79: {  	_ =	shalt  }
0x7a: {  	_ =	shalt  }
0x7b: {  	_ =	shalt  }
0x7c: {  	_ =	shalt  }
0x7d: {  	_ =	shalt  }
0x7e: {  	_ =	shalt  }
0x7f: {  	_ =	shalt  }
0x80: {  	_ =	shalt  }
0x81: {  	_ =	shalt  }
0x82: {  	_ =	shalt  }
0x83: {  	_ =	shalt  }
0x84: {  	_ =	shalt  }
0x85: {  	_ =	shalt  }
0x86: {  	_ =	shalt  }
0x87: {  	_ =	shalt  }
.Lfunc_end0:
.L_simem_size_0:
called_computation.1_lowered:
.L_overlay_start_0:
0x88: {  	s2 =	sld [smem:$0x3FD9]  }
0x89: {  	s3 =	sld [smem:$0x3FFE];
	_ =	sdelay $0x1  }
0x8a: {  	s1 =	srdreg.scid  }
0x8b: {  	s0 =	sand.u32 $0x1, s1  }
0x8c: {  	s16 =	sshll.u32 s0, $0xA;
	s2 =	sadd.s32 s3, s2  }
0x8d: {  	s2 =	sadd.s32 s2, s16  }
0x8e: {  	[smem:$0x3FBE] =	sst s2  }
0x8f: {  	_ = 	snop  }
0x90: {  	(tm) =	ssettm $0x1  }
0x91: {  	s17 =	sld [smem:$0x3FFB];
	_ =	sdelay $0x3  }
0x92: {  	_ =	strace s17  }
0x93: {  	s2 =	sld [smem:$0x3FFC];
	_ =	sdelay $0x3  }
0x94: {  	_ =	strace s2  }
0x95: {  	s2 =	sld [smem:$0x3FFD];
	_ =	sdelay $0x3  }
0x96: {  	_ =	strace s2  }
0x97: {  	_ =	strace $0x8FFFFFFF  }
0x98: {  	s18 =	sld [smem:$0x3FDB];
	_ =	sdelay $0x1  }
0x99: {  	s19 =	simm.s32 $_scs_section_size  }
0x9a: {  	s4 =	simm.s32 $_size__tile_overlayer_lowered;
	s5 =	simm.s32 $_tile_overlayer_lowered  }
0x9b: {  	s22 =	simm.s32 $0x1BFF;
	s21 =	sshll.u32 s5, $0x1;
	s2 =	sadd.s32 s19, s18  }
0x9c: {  	s6 =	simm.s32 $0x0;
	s20 =	sshll.u32 s4, $0x1;
	s4 =	sadd.s32 s21, s2  }
0x9d: {  	[timem:s6], [sflag:s22] =	dma.local [hbm:s4], s20  }
0x9e: {  	_ =	swait.ge [sflag:s22], s20  }
0x9f: {  	s3 =	ssub.s32 $0x0, s20;
	[sflag:s22] =	ssyncset.done $0x0  }
0xa0: {  	[sflag:s22] =	ssyncadd.s32 s3;
	_ =	sdelay $0x1  }
0xa1: {  	s23 =	simm.s32 $0x1B8B  }
0xa2: {  	_ =	swait.ge [sflag:s23], $0x1  }
0xa3: {  	[sflag:s23] =	ssyncset.done $0x0  }
0xa4: {  	s25 =	simm.s32 $0x1B8E;
	s24 =	sld [smem:$0x3FFE];
	[sflag:s23] =	ssyncadd.s32 $0xFFFFFFFF  }
0xa5: {  	s26 =	simm.s32 $execute0_lowered;
	[smem:$0x3FD2] =	sst s25  }
0xa6: {  	s4 =	sshll.u32 s26, $0x1;
	_ =	strace $0x80000049;
	[dreg:$0x1] =	wrdreg $0xFFFFFFFF  }
0xa7: {  	s28 =	simm.s32 $_size_execute0_lowered;
	s2 =	sadd.s32 s2, s4;
	[dreg:$0x0] =	wrdreg $0x0  }
0xa8: {  	s4 =	sshll.u32 s28, $0x1;
	[dreg:$0x2] =	wrdreg s2  }
0xa9: {  	[dreg:$0x3] =	wrdreg s4  }
0xaa: {  	[dreg:$0x4] =	wrdreg $0xC0  }
0xab: {  	_ =	task [dreg:s6], $0x5FFFF  }
0xac: {  	[dreg:$0x1] =	wrdreg $0xFFFFFFFF  }
0xad: {  	[dreg:$0x0] =	wrdreg $0x60  }
0xae: {  	[dreg:$0x2] =	wrdreg s24  }
0xaf: {  	[dreg:$0x3] =	wrdreg $0x9  }
0xb0: {  	_ =	task.clear_ibuf [dreg:s6], $0x4FFFF;
	_ =	strace $0x90000049  }
0xb1: {  	s29 =	simm.s32 $0x9;
	_ =	strace $0x8000004B  }
0xb2: {  	_ =	swait.ge [sflag:s29], $0x1  }
0xb3: {  	[sflag:s29] =	ssyncadd.s32 $0xFFFFFFFF  }
0xb4: {  	_ =	strace $0x9000004B  }
0xb5: {  	_ =	sfence  }
0xb6: {  	s30 =	sld [smem:$0x0];
	_ =	sdelay $0x2  }
0xb7: {  	s31 =	sshll.u32 s1, $0xD;
	s1 =	sshrl.u32 s1, $0x2  }
0xb8: {  	s3 =	sand.u32 $0x4000, s31;
	s1 =	sadd.s32 s1, s30  }
0xb9: {  	s0 =	sor.u32 s3, s0;
	s1 =	sshll.u32 s1, $0x11  }
0xba: {  	s0 =	sor.u32 s1, s0  }
0xbb: {  	s0 =	sadd.s32 $0x8F2B, s0  }
0xbc: {  	[sflag:s0] =	ssyncadd.remote.s32 $0x1  }
0xbd: {  	_ =	sfence.sel $0xFFFF  }
0xbe: {  	[dreg:$0x0] =	wrdreg $0xFFFFFFFF;
	(pc) =	sbr.abs _section_cstart, $3  }
0xbf: {  	[dreg:$0x1] =	wrdreg $0xFFFFFFFF  }
0xc0: {  	_ =	task.clear_ibuf [dreg:s6], $0x2FFFF;
	_ =	strace $0x9FFFFFFF  }
0xc1: {  	(tm) =	ssettm $0x7FFFFFFF  }
tec
execute0_lowered:
.L_overlay_start_1:
0x0: {  	(tag) =	ssettag $0x1  }
0x1: {  	s5 =	rddreg [dreg:$0x0]  }
0x2: {  	s1 =	srdreg.scid;
	s0 =	rddreg [dreg:$0x1]  }
0x3: {  	s2 =	simm.s32 $0x0;
	s15 =	simm.s32 $0x2780;
	s16 =	simm.s32 $0x4F00  }
0x4: {  	s17 =	simm.s32 $0x7680;
	s18 =	simm.s32 $0x13C00;
	s19 =	simm.s32 $0x13E00  }
0x5: {  	s20 =	simm.s32 $0x9E00;
	s21 =	simm.s32 $0xC580;
	s22 =	simm.s32 $0xED00  }
0x6: {  	s23 =	simm.s32 $0x11480;
	s24 =	simm.s32 $0x0;
	s6 =	sand.u32 $0x1, s1  }
0x7: {  	s1 =	stileid.u32;
	[smem:$0x7FF] =	sst s2;
	s3 =	sshll.u32 s6, $0x4  }
0x8: {  	s8 =	sadd.s32 $0x1600, s5;
	s6 =	ssub.s32 $0x2, s6;
	s3 =	sor.u32 s1, s3  }
0x9: {  	s4 =	sadd.s32 $0x32E00, s5;
	s31 =	sshrl.u32 s6, $0x1;
	s7 =	smul.u32 $0x9E00, s3  }
0xa: {  	s12 =	sadd.s32 $0x3CE00, s5;
	_ =	strace $0x8000004A;
	s13 =	ssub.s32 s6, s31  }
0xb: {  	s3 =	sadd.s32 $0x28E00, s5;
	s13 =	smax.u32 s13, $0x1;
	s9 =	sshrl.u32 s7, $0x3  }
0xc: {  	s5 =	sadd.s32 s8, s9;
	s10 =	sadd.s32 $0x4F0, s9;
	s11 =	sadd.s32 $0x9E0, s9  }
0xd: {  	s14 =	sadd.s32 $0xED0, s9;
	s9 =	sadd.s32 s12, s9;
	s6 =	sadd.s32 s8, s10  }
0xe: {  	s7 =	sadd.s32 s8, s11;
	s8 =	sadd.s32 s8, s14;
	s10 =	sadd.s32 s12, s10  }
0xf: {  	v0 =	vimm.f32 $0.0e+00;
	s11 =	sadd.s32 s12, s11;
	s12 =	sadd.s32 s12, s14;
	s14 =	simm.s32 $0x1  }
.LBB2_1:
0x10: {  	[tilespmem:s2], [sflag:$0x1] =	stream.linear.gather [hbm4b:s5+s2], $0x2780, $0x38;
	[tilespmem:$0x14000] =	vst v63  }
0x11: {  	_ =	swait.ge [sflag:s14], $0x2780  }
0x12: {  	[sflag:s14] =	ssyncset.done $0x0  }
0x13: {  	s25 =	simm.s32 $0x40;
	s26 =	simm.s32 $0x0;
	[sflag:s14] =	ssyncadd.s32 $0xFFFFD880  }
.LBB2_2:
0x14: {  	p0 =	sne.s32 s25, $0x9DC0;
	[tilespmem:s26+$0x9E00] =	vst v0;
	s26 =	smov.u32 s25;
	s25 =	sadd.s32 $0x40, s25  }
.Ltmp0:
0x15: {  	(pc) =	sbr.rel @p0 .LBB2_2-.Ltmp0, $2  }
0x16: {  	_ =	sdelay $0x2  }
0x17: {  	s26 =	sshra.s32 s26, $0x2  }
0x18: {  	[tilespmem:s26+$0x9E00] =	vst v0;
	s25 =	simm.s32 $0x0  }
0x19: {  	[tilespmem:s15], [sflag:$0x1] =	stream.linear.gather [hbm4b:s6+s25], $0x2780, $0x38;
	[tilespmem:$0x14000] =	vst v63  }
0x1a: {  	_ =	swait.ge [sflag:s14], $0x2780  }
0x1b: {  	[sflag:s14] =	ssyncset.done $0x0  }
0x1c: {  	s26 =	simm.s32 $0x0;
	s25 =	simm.s32 $0x40;
	[sflag:s14] =	ssyncadd.s32 $0xFFFFD880  }
.LBB2_4:
0x1d: {  	p0 =	sne.s32 s25, $0x9DC0;
	[tilespmem:s26+$0xC580] =	vst v0;
	s26 =	smov.u32 s25;
	s25 =	sadd.s32 $0x40, s25  }
.Ltmp1:
0x1e: {  	(pc) =	sbr.rel @p0 .LBB2_4-.Ltmp1, $2  }
0x1f: {  	_ =	sdelay $0x2  }
0x20: {  	s26 =	sshra.s32 s26, $0x2  }
0x21: {  	[tilespmem:s26+$0xC580] =	vst v0;
	s25 =	simm.s32 $0x0  }
0x22: {  	[tilespmem:s16], [sflag:$0x1] =	stream.linear.gather [hbm4b:s7+s25], $0x2780, $0x38;
	[tilespmem:$0x14000] =	vst v63  }
0x23: {  	_ =	swait.ge [sflag:s14], $0x2780  }
0x24: {  	[sflag:s14] =	ssyncset.done $0x0  }
0x25: {  	s26 =	simm.s32 $0x0;
	s25 =	simm.s32 $0x40;
	[sflag:s14] =	ssyncadd.s32 $0xFFFFD880  }
.LBB2_6:
0x26: {  	p0 =	sne.s32 s25, $0x9DC0;
	[tilespmem:s26+$0xED00] =	vst v0;
	s26 =	smov.u32 s25;
	s25 =	sadd.s32 $0x40, s25  }
.Ltmp2:
0x27: {  	(pc) =	sbr.rel @p0 .LBB2_6-.Ltmp2, $2  }
0x28: {  	_ =	sdelay $0x2  }
0x29: {  	s26 =	sshra.s32 s26, $0x2  }
0x2a: {  	[tilespmem:s26+$0xED00] =	vst v0;
	s25 =	simm.s32 $0x0  }
0x2b: {  	[tilespmem:s17], [sflag:$0x1] =	stream.linear.gather [hbm4b:s8+s25], $0x2780, $0x38;
	[tilespmem:$0x14000] =	vst v63  }
0x2c: {  	_ =	swait.ge [sflag:s14], $0x2780  }
0x2d: {  	[sflag:s14] =	ssyncset.done $0x0  }
0x2e: {  	s26 =	simm.s32 $0x40;
	s28 =	simm.s32 $0x0;
	[sflag:s14] =	ssyncadd.s32 $0xFFFFD880  }
.LBB2_8:
0x2f: {  	p0 =	sne.s32 s26, $0x9DC0;
	[tilespmem:s28+$0x11480] =	vst v0;
	s28 =	smov.u32 s26;
	s26 =	sadd.s32 $0x40, s26  }
.Ltmp3:
0x30: {  	(pc) =	sbr.rel @p0 .LBB2_8-.Ltmp3, $2  }
0x31: {  	_ =	sdelay $0x2  }
0x32: {  	s28 =	sshra.s32 s28, $0x2  }
0x33: {  	[tilespmem:s28+$0x11480] =	vst v0  }
.LBB2_10:
0x34: {  	s26 =	sadd.s32 s25, s3  }
0x35: {  	[tilespmem:s18], [sflag:$0x1] =	stream.linear.gather [hbm4b:s26+s2], $0x200, $0x38;
	[tilespmem:$0x14000] =	vst v63  }
0x36: {  	_ =	swait.ge [sflag:s14], $0x200  }
0x37: {  	[sflag:s14] =	ssyncset.done $0x0  }
0x38: {  	s31 =	sadd.s32 s25, s4;
	[sflag:s14] =	ssyncadd.s32 $0xFFFFFE00  }
0x39: {  	[tilespmem:s19], [sflag:$0x1] =	stream.linear.gather [hbm4b:s31+s2], $0x200, $0x38;
	[tilespmem:$0x14000] =	vst v63  }
0x3a: {  	_ =	swait.ge [sflag:s14], $0x200  }
0x3b: {  	[sflag:s14] =	ssyncset.done $0x0  }
0x3c: {  	[sflag:s14] =	ssyncadd.s32 $0xFFFFFE00  }
0x3d: {  	v1 =	vld [tilespmem:$0x13C00];
	_ =	sdelay $0x4  }
0x3e: {  	v2 =	vld [tilespmem:$0x13E00];
	_ =	sdelay $0x2  }
0x3f: {  	v3 =	vld.idx.msk [tilespmem:v1+s2+$0x0], $0xffff;
	_ =	sdelay $0x4  }
0x40: {  	[tilespmem:v2+s20+$0x0] =	vst.idx.add.f32.msk $0xffff, v3  }
0x41: {  	v3 =	vld.idx.msk [tilespmem:v1+s15+$0x0], $0xffff;
	_ =	sdelay $0x4  }
0x42: {  	[tilespmem:v2+s21+$0x0] =	vst.idx.add.f32.msk $0xffff, v3  }
0x43: {  	v3 =	vld.idx.msk [tilespmem:v1+s16+$0x0], $0xffff;
	_ =	sdelay $0x4  }
0x44: {  	[tilespmem:v2+s22+$0x0] =	vst.idx.add.f32.msk $0xffff, v3  }
0x45: {  	v1 =	vld.idx.msk [tilespmem:v1+s17+$0x0], $0xffff;
	_ =	sdelay $0x4  }
0x46: {  	[tilespmem:v2+s23+$0x0] =	vst.idx.add.f32.msk $0xffff, v1  }
0x47: {  	v1 =	vld [tilespmem:$0x13C10];
	_ =	sdelay $0x4  }
0x48: {  	v2 =	vld [tilespmem:$0x13E10];
	_ =	sdelay $0x2  }
0x49: {  	v3 =	vld.idx.msk [tilespmem:v1+s2+$0x0], $0xffff;
	_ =	sdelay $0x4  }
0x4a: {  	[tilespmem:v2+s20+$0x0] =	vst.idx.add.f32.msk $0xffff, v3  }
0x4b: {  	v3 =	vld.idx.msk [tilespmem:v1+s15+$0x0], $0xffff;
	_ =	sdelay $0x4  }
0x4c: {  	[tilespmem:v2+s21+$0x0] =	vst.idx.add.f32.msk $0xffff, v3  }
0x4d: {  	v3 =	vld.idx.msk [tilespmem:v1+s16+$0x0], $0xffff;
	_ =	sdelay $0x4  }
0x4e: {  	[tilespmem:v2+s22+$0x0] =	vst.idx.add.f32.msk $0xffff, v3  }
0x4f: {  	v1 =	vld.idx.msk [tilespmem:v1+s17+$0x0], $0xffff;
	_ =	sdelay $0x4  }
0x50: {  	[tilespmem:v2+s23+$0x0] =	vst.idx.add.f32.msk $0xffff, v1  }
0x51: {  	v1 =	vld [tilespmem:$0x13C20];
	_ =	sdelay $0x4  }
0x52: {  	v2 =	vld [tilespmem:$0x13E20];
	_ =	sdelay $0x2  }
0x53: {  	v3 =	vld.idx.msk [tilespmem:v1+s2+$0x0], $0xffff;
	_ =	sdelay $0x4  }
0x54: {  	[tilespmem:v2+s20+$0x0] =	vst.idx.add.f32.msk $0xffff, v3  }
0x55: {  	v3 =	vld.idx.msk [tilespmem:v1+s15+$0x0], $0xffff;
	_ =	sdelay $0x4  }
0x56: {  	[tilespmem:v2+s21+$0x0] =	vst.idx.add.f32.msk $0xffff, v3  }
0x57: {  	v3 =	vld.idx.msk [tilespmem:v1+s16+$0x0], $0xffff;
	_ =	sdelay $0x4  }
0x58: {  	[tilespmem:v2+s22+$0x0] =	vst.idx.add.f32.msk $0xffff, v3  }
0x59: {  	v1 =	vld.idx.msk [tilespmem:v1+s17+$0x0], $0xffff;
	_ =	sdelay $0x4  }
0x5a: {  	[tilespmem:v2+s23+$0x0] =	vst.idx.add.f32.msk $0xffff, v1  }
0x5b: {  	v1 =	vld [tilespmem:$0x13C30];
	_ =	sdelay $0x4  }
0x5c: {  	v2 =	vld [tilespmem:$0x13E30];
	_ =	sdelay $0x2  }
0x5d: {  	v3 =	vld.idx.msk [tilespmem:v1+s2+$0x0], $0xffff;
	_ =	sdelay $0x4  }
0x5e: {  	[tilespmem:v2+s20+$0x0] =	vst.idx.add.f32.msk $0xffff, v3  }
0x5f: {  	v3 =	vld.idx.msk [tilespmem:v1+s15+$0x0], $0xffff;
	_ =	sdelay $0x4  }
0x60: {  	[tilespmem:v2+s21+$0x0] =	vst.idx.add.f32.msk $0xffff, v3  }
0x61: {  	v3 =	vld.idx.msk [tilespmem:v1+s16+$0x0], $0xffff;
	_ =	sdelay $0x4  }
0x62: {  	[tilespmem:v2+s22+$0x0] =	vst.idx.add.f32.msk $0xffff, v3  }
0x63: {  	v1 =	vld.idx.msk [tilespmem:v1+s17+$0x0], $0xffff;
	_ =	sdelay $0x4  }
0x64: {  	[tilespmem:v2+s23+$0x0] =	vst.idx.add.f32.msk $0xffff, v1  }
0x65: {  	v1 =	vld [tilespmem:$0x13C40];
	_ =	sdelay $0x4  }
0x66: {  	v2 =	vld [tilespmem:$0x13E40];
	_ =	sdelay $0x2  }
0x67: {  	v3 =	vld.idx.msk [tilespmem:v1+s2+$0x0], $0xffff;
	_ =	sdelay $0x4  }
0x68: {  	[tilespmem:v2+s20+$0x0] =	vst.idx.add.f32.msk $0xffff, v3  }
0x69: {  	v3 =	vld.idx.msk [tilespmem:v1+s15+$0x0], $0xffff;
	_ =	sdelay $0x4  }
0x6a: {  	[tilespmem:v2+s21+$0x0] =	vst.idx.add.f32.msk $0xffff, v3  }
0x6b: {  	v3 =	vld.idx.msk [tilespmem:v1+s16+$0x0], $0xffff;
	_ =	sdelay $0x4  }
0x6c: {  	[tilespmem:v2+s22+$0x0] =	vst.idx.add.f32.msk $0xffff, v3  }
0x6d: {  	v1 =	vld.idx.msk [tilespmem:v1+s17+$0x0], $0xffff;
	_ =	sdelay $0x4  }
0x6e: {  	[tilespmem:v2+s23+$0x0] =	vst.idx.add.f32.msk $0xffff, v1  }
0x6f: {  	v1 =	vld [tilespmem:$0x13C50];
	_ =	sdelay $0x4  }
0x70: {  	v2 =	vld [tilespmem:$0x13E50];
	_ =	sdelay $0x2  }
0x71: {  	v3 =	vld.idx.msk [tilespmem:v1+s2+$0x0], $0xffff;
	_ =	sdelay $0x4  }
0x72: {  	[tilespmem:v2+s20+$0x0] =	vst.idx.add.f32.msk $0xffff, v3  }
0x73: {  	v3 =	vld.idx.msk [tilespmem:v1+s15+$0x0], $0xffff;
	_ =	sdelay $0x4  }
0x74: {  	[tilespmem:v2+s21+$0x0] =	vst.idx.add.f32.msk $0xffff, v3  }
0x75: {  	v3 =	vld.idx.msk [tilespmem:v1+s16+$0x0], $0xffff;
	_ =	sdelay $0x4  }
0x76: {  	[tilespmem:v2+s22+$0x0] =	vst.idx.add.f32.msk $0xffff, v3  }
0x77: {  	v1 =	vld.idx.msk [tilespmem:v1+s17+$0x0], $0xffff;
	_ =	sdelay $0x4  }
0x78: {  	[tilespmem:v2+s23+$0x0] =	vst.idx.add.f32.msk $0xffff, v1  }
0x79: {  	v1 =	vld [tilespmem:$0x13C60];
	_ =	sdelay $0x4  }
0x7a: {  	v2 =	vld [tilespmem:$0x13E60];
	_ =	sdelay $0x2  }
0x7b: {  	v3 =	vld.idx.msk [tilespmem:v1+s2+$0x0], $0xffff;
	_ =	sdelay $0x4  }
0x7c: {  	[tilespmem:v2+s20+$0x0] =	vst.idx.add.f32.msk $0xffff, v3  }
0x7d: {  	v3 =	vld.idx.msk [tilespmem:v1+s15+$0x0], $0xffff;
	_ =	sdelay $0x4  }
0x7e: {  	[tilespmem:v2+s21+$0x0] =	vst.idx.add.f32.msk $0xffff, v3  }
0x7f: {  	v3 =	vld.idx.msk [tilespmem:v1+s16+$0x0], $0xffff;
	_ =	sdelay $0x4  }
0x80: {  	[tilespmem:v2+s22+$0x0] =	vst.idx.add.f32.msk $0xffff, v3  }
0x81: {  	v1 =	vld.idx.msk [tilespmem:v1+s17+$0x0], $0xffff;
	_ =	sdelay $0x4  }
0x82: {  	[tilespmem:v2+s23+$0x0] =	vst.idx.add.f32.msk $0xffff, v1  }
0x83: {  	v1 =	vld [tilespmem:$0x13C70];
	_ =	sdelay $0x4  }
0x84: {  	v2 =	vld [tilespmem:$0x13E70];
	_ =	sdelay $0x2  }
0x85: {  	v3 =	vld.idx.msk [tilespmem:v1+s2+$0x0], $0xffff;
	_ =	sdelay $0x4  }
0x86: {  	[tilespmem:v2+s20+$0x0] =	vst.idx.add.f32.msk $0xffff, v3  }
0x87: {  	v3 =	vld.idx.msk [tilespmem:v1+s15+$0x0], $0xffff;
	_ =	sdelay $0x4  }
0x88: {  	[tilespmem:v2+s21+$0x0] =	vst.idx.add.f32.msk $0xffff, v3  }
0x89: {  	v3 =	vld.idx.msk [tilespmem:v1+s16+$0x0], $0xffff;
	_ =	sdelay $0x4  }
0x8a: {  	[tilespmem:v2+s22+$0x0] =	vst.idx.add.f32.msk $0xffff, v3  }
0x8b: {  	v1 =	vld.idx.msk [tilespmem:v1+s17+$0x0], $0xffff;
	_ =	sdelay $0x4  }
0x8c: {  	[tilespmem:v2+s23+$0x0] =	vst.idx.add.f32.msk $0xffff, v1  }
0x8d: {  	v1 =	vld [tilespmem:$0x13C80];
	_ =	sdelay $0x4  }
0x8e: {  	v2 =	vld [tilespmem:$0x13E80];
	_ =	sdelay $0x2  }
0x8f: {  	v3 =	vld.idx.msk [tilespmem:v1+s2+$0x0], $0xffff;
	_ =	sdelay $0x4  }
0x90: {  	[tilespmem:v2+s20+$0x0] =	vst.idx.add.f32.msk $0xffff, v3  }
0x91: {  	v3 =	vld.idx.msk [tilespmem:v1+s15+$0x0], $0xffff;
	_ =	sdelay $0x4  }
0x92: {  	[tilespmem:v2+s21+$0x0] =	vst.idx.add.f32.msk $0xffff, v3  }
0x93: {  	v3 =	vld.idx.msk [tilespmem:v1+s16+$0x0], $0xffff;
	_ =	sdelay $0x4  }
0x94: {  	[tilespmem:v2+s22+$0x0] =	vst.idx.add.f32.msk $0xffff, v3  }
0x95: {  	v1 =	vld.idx.msk [tilespmem:v1+s17+$0x0], $0xffff;
	_ =	sdelay $0x4  }
0x96: {  	[tilespmem:v2+s23+$0x0] =	vst.idx.add.f32.msk $0xffff, v1  }
0x97: {  	v1 =	vld [tilespmem:$0x13C90];
	_ =	sdelay $0x4  }
0x98: {  	v2 =	vld [tilespmem:$0x13E90];
	_ =	sdelay $0x2  }
0x99: {  	v3 =	vld.idx.msk [tilespmem:v1+s2+$0x0], $0xffff;
	_ =	sdelay $0x4  }
0x9a: {  	[tilespmem:v2+s20+$0x0] =	vst.idx.add.f32.msk $0xffff, v3  }
0x9b: {  	v3 =	vld.idx.msk [tilespmem:v1+s15+$0x0], $0xffff;
	_ =	sdelay $0x4  }
0x9c: {  	[tilespmem:v2+s21+$0x0] =	vst.idx.add.f32.msk $0xffff, v3  }
0x9d: {  	v3 =	vld.idx.msk [tilespmem:v1+s16+$0x0], $0xffff;
	_ =	sdelay $0x4  }
0x9e: {  	[tilespmem:v2+s22+$0x0] =	vst.idx.add.f32.msk $0xffff, v3  }
0x9f: {  	v1 =	vld.idx.msk [tilespmem:v1+s17+$0x0], $0xffff;
	_ =	sdelay $0x4  }
0xa0: {  	[tilespmem:v2+s23+$0x0] =	vst.idx.add.f32.msk $0xffff, v1  }
0xa1: {  	v1 =	vld [tilespmem:$0x13CA0];
	_ =	sdelay $0x4  }
0xa2: {  	v2 =	vld [tilespmem:$0x13EA0];
	_ =	sdelay $0x2  }
0xa3: {  	v3 =	vld.idx.msk [tilespmem:v1+s2+$0x0], $0xffff;
	_ =	sdelay $0x4  }
0xa4: {  	[tilespmem:v2+s20+$0x0] =	vst.idx.add.f32.msk $0xffff, v3  }
0xa5: {  	v3 =	vld.idx.msk [tilespmem:v1+s15+$0x0], $0xffff;
	_ =	sdelay $0x4  }
0xa6: {  	[tilespmem:v2+s21+$0x0] =	vst.idx.add.f32.msk $0xffff, v3  }
0xa7: {  	v3 =	vld.idx.msk [tilespmem:v1+s16+$0x0], $0xffff;
	_ =	sdelay $0x4  }
0xa8: {  	[tilespmem:v2+s22+$0x0] =	vst.idx.add.f32.msk $0xffff, v3  }
0xa9: {  	v1 =	vld.idx.msk [tilespmem:v1+s17+$0x0], $0xffff;
	_ =	sdelay $0x4  }
0xaa: {  	[tilespmem:v2+s23+$0x0] =	vst.idx.add.f32.msk $0xffff, v1  }
0xab: {  	v1 =	vld [tilespmem:$0x13CB0];
	_ =	sdelay $0x4  }
0xac: {  	v2 =	vld [tilespmem:$0x13EB0];
	_ =	sdelay $0x2  }
0xad: {  	v3 =	vld.idx.msk [tilespmem:v1+s2+$0x0], $0xffff;
	_ =	sdelay $0x4  }
0xae: {  	[tilespmem:v2+s20+$0x0] =	vst.idx.add.f32.msk $0xffff, v3  }
0xaf: {  	v3 =	vld.idx.msk [tilespmem:v1+s15+$0x0], $0xffff;
	_ =	sdelay $0x4  }
0xb0: {  	[tilespmem:v2+s21+$0x0] =	vst.idx.add.f32.msk $0xffff, v3  }
0xb1: {  	v3 =	vld.idx.msk [tilespmem:v1+s16+$0x0], $0xffff;
	_ =	sdelay $0x4  }
0xb2: {  	[tilespmem:v2+s22+$0x0] =	vst.idx.add.f32.msk $0xffff, v3  }
0xb3: {  	v1 =	vld.idx.msk [tilespmem:v1+s17+$0x0], $0xffff;
	_ =	sdelay $0x4  }
0xb4: {  	[tilespmem:v2+s23+$0x0] =	vst.idx.add.f32.msk $0xffff, v1  }
0xb5: {  	v1 =	vld [tilespmem:$0x13CC0];
	_ =	sdelay $0x4  }
0xb6: {  	v2 =	vld [tilespmem:$0x13EC0];
	_ =	sdelay $0x2  }
0xb7: {  	v3 =	vld.idx.msk [tilespmem:v1+s2+$0x0], $0xffff;
	_ =	sdelay $0x4  }
0xb8: {  	[tilespmem:v2+s20+$0x0] =	vst.idx.add.f32.msk $0xffff, v3  }
0xb9: {  	v3 =	vld.idx.msk [tilespmem:v1+s15+$0x0], $0xffff;
	_ =	sdelay $0x4  }
0xba: {  	[tilespmem:v2+s21+$0x0] =	vst.idx.add.f32.msk $0xffff, v3  }
0xbb: {  	v3 =	vld.idx.msk [tilespmem:v1+s16+$0x0], $0xffff;
	_ =	sdelay $0x4  }
0xbc: {  	[tilespmem:v2+s22+$0x0] =	vst.idx.add.f32.msk $0xffff, v3  }
0xbd: {  	v1 =	vld.idx.msk [tilespmem:v1+s17+$0x0], $0xffff;
	_ =	sdelay $0x4  }
0xbe: {  	[tilespmem:v2+s23+$0x0] =	vst.idx.add.f32.msk $0xffff, v1  }
0xbf: {  	v1 =	vld [tilespmem:$0x13CD0];
	_ =	sdelay $0x4  }
0xc0: {  	v2 =	vld [tilespmem:$0x13ED0];
	_ =	sdelay $0x2  }
0xc1: {  	v3 =	vld.idx.msk [tilespmem:v1+s2+$0x0], $0xffff;
	_ =	sdelay $0x4  }
0xc2: {  	[tilespmem:v2+s20+$0x0] =	vst.idx.add.f32.msk $0xffff, v3  }
0xc3: {  	v3 =	vld.idx.msk [tilespmem:v1+s15+$0x0], $0xffff;
	_ =	sdelay $0x4  }
0xc4: {  	[tilespmem:v2+s21+$0x0] =	vst.idx.add.f32.msk $0xffff, v3  }
0xc5: {  	v3 =	vld.idx.msk [tilespmem:v1+s16+$0x0], $0xffff;
	_ =	sdelay $0x4  }
0xc6: {  	[tilespmem:v2+s22+$0x0] =	vst.idx.add.f32.msk $0xffff, v3  }
0xc7: {  	v1 =	vld.idx.msk [tilespmem:v1+s17+$0x0], $0xffff;
	_ =	sdelay $0x4  }
0xc8: {  	[tilespmem:v2+s23+$0x0] =	vst.idx.add.f32.msk $0xffff, v1  }
0xc9: {  	v1 =	vld [tilespmem:$0x13CE0];
	_ =	sdelay $0x4  }
0xca: {  	v2 =	vld [tilespmem:$0x13EE0];
	_ =	sdelay $0x2  }
0xcb: {  	v3 =	vld.idx.msk [tilespmem:v1+s2+$0x0], $0xffff;
	_ =	sdelay $0x4  }
0xcc: {  	[tilespmem:v2+s20+$0x0] =	vst.idx.add.f32.msk $0xffff, v3  }
0xcd: {  	v3 =	vld.idx.msk [tilespmem:v1+s15+$0x0], $0xffff;
	_ =	sdelay $0x4  }
0xce: {  	[tilespmem:v2+s21+$0x0] =	vst.idx.add.f32.msk $0xffff, v3  }
0xcf: {  	v3 =	vld.idx.msk [tilespmem:v1+s16+$0x0], $0xffff;
	_ =	sdelay $0x4  }
0xd0: {  	[tilespmem:v2+s22+$0x0] =	vst.idx.add.f32.msk $0xffff, v3  }
0xd1: {  	v1 =	vld.idx.msk [tilespmem:v1+s17+$0x0], $0xffff;
	_ =	sdelay $0x4  }
0xd2: {  	[tilespmem:v2+s23+$0x0] =	vst.idx.add.f32.msk $0xffff, v1  }
0xd3: {  	v1 =	vld [tilespmem:$0x13CF0];
	_ =	sdelay $0x4  }
0xd4: {  	v2 =	vld [tilespmem:$0x13EF0];
	_ =	sdelay $0x2  }
0xd5: {  	v3 =	vld.idx.msk [tilespmem:v1+s2+$0x0], $0xffff;
	_ =	sdelay $0x4  }
0xd6: {  	[tilespmem:v2+s20+$0x0] =	vst.idx.add.f32.msk $0xffff, v3  }
0xd7: {  	v3 =	vld.idx.msk [tilespmem:v1+s15+$0x0], $0xffff;
	_ =	sdelay $0x4  }
0xd8: {  	[tilespmem:v2+s21+$0x0] =	vst.idx.add.f32.msk $0xffff, v3  }
0xd9: {  	v3 =	vld.idx.msk [tilespmem:v1+s16+$0x0], $0xffff;
	_ =	sdelay $0x4  }
0xda: {  	[tilespmem:v2+s22+$0x0] =	vst.idx.add.f32.msk $0xffff, v3  }
0xdb: {  	v1 =	vld.idx.msk [tilespmem:v1+s17+$0x0], $0xffff;
	_ =	sdelay $0x4  }
0xdc: {  	[tilespmem:v2+s23+$0x0] =	vst.idx.add.f32.msk $0xffff, v1  }
0xdd: {  	v1 =	vld [tilespmem:$0x13D00];
	_ =	sdelay $0x4  }
0xde: {  	v2 =	vld [tilespmem:$0x13F00];
	_ =	sdelay $0x2  }
0xdf: {  	v3 =	vld.idx.msk [tilespmem:v1+s2+$0x0], $0xffff;
	_ =	sdelay $0x4  }
0xe0: {  	[tilespmem:v2+s20+$0x0] =	vst.idx.add.f32.msk $0xffff, v3  }
0xe1: {  	v3 =	vld.idx.msk [tilespmem:v1+s15+$0x0], $0xffff;
	_ =	sdelay $0x4  }
0xe2: {  	[tilespmem:v2+s21+$0x0] =	vst.idx.add.f32.msk $0xffff, v3  }
0xe3: {  	v3 =	vld.idx.msk [tilespmem:v1+s16+$0x0], $0xffff;
	_ =	sdelay $0x4  }
0xe4: {  	[tilespmem:v2+s22+$0x0] =	vst.idx.add.f32.msk $0xffff, v3  }
0xe5: {  	v1 =	vld.idx.msk [tilespmem:v1+s17+$0x0], $0xffff;
	_ =	sdelay $0x4  }
0xe6: {  	[tilespmem:v2+s23+$0x0] =	vst.idx.add.f32.msk $0xffff, v1  }
0xe7: {  	v1 =	vld [tilespmem:$0x13D10];
	_ =	sdelay $0x4  }
0xe8: {  	v2 =	vld [tilespmem:$0x13F10];
	_ =	sdelay $0x2  }
0xe9: {  	v3 =	vld.idx.msk [tilespmem:v1+s2+$0x0], $0xffff;
	_ =	sdelay $0x4  }
0xea: {  	[tilespmem:v2+s20+$0x0] =	vst.idx.add.f32.msk $0xffff, v3  }
0xeb: {  	v3 =	vld.idx.msk [tilespmem:v1+s15+$0x0], $0xffff;
	_ =	sdelay $0x4  }
0xec: {  	[tilespmem:v2+s21+$0x0] =	vst.idx.add.f32.msk $0xffff, v3  }
0xed: {  	v3 =	vld.idx.msk [tilespmem:v1+s16+$0x0], $0xffff;
	_ =	sdelay $0x4  }
0xee: {  	[tilespmem:v2+s22+$0x0] =	vst.idx.add.f32.msk $0xffff, v3  }
0xef: {  	v1 =	vld.idx.msk [tilespmem:v1+s17+$0x0], $0xffff;
	_ =	sdelay $0x4  }
0xf0: {  	[tilespmem:v2+s23+$0x0] =	vst.idx.add.f32.msk $0xffff, v1  }
0xf1: {  	v1 =	vld [tilespmem:$0x13D20];
	_ =	sdelay $0x4  }
0xf2: {  	v2 =	vld [tilespmem:$0x13F20];
	_ =	sdelay $0x2  }
0xf3: {  	v3 =	vld.idx.msk [tilespmem:v1+s2+$0x0], $0xffff;
	_ =	sdelay $0x4  }
0xf4: {  	[tilespmem:v2+s20+$0x0] =	vst.idx.add.f32.msk $0xffff, v3  }
0xf5: {  	v3 =	vld.idx.msk [tilespmem:v1+s15+$0x0], $0xffff;
	_ =	sdelay $0x4  }
0xf6: {  	[tilespmem:v2+s21+$0x0] =	vst.idx.add.f32.msk $0xffff, v3  }
0xf7: {  	v3 =	vld.idx.msk [tilespmem:v1+s16+$0x0], $0xffff;
	_ =	sdelay $0x4  }
0xf8: {  	[tilespmem:v2+s22+$0x0] =	vst.idx.add.f32.msk $0xffff, v3  }
0xf9: {  	v1 =	vld.idx.msk [tilespmem:v1+s17+$0x0], $0xffff;
	_ =	sdelay $0x4  }
0xfa: {  	[tilespmem:v2+s23+$0x0] =	vst.idx.add.f32.msk $0xffff, v1  }
0xfb: {  	v1 =	vld [tilespmem:$0x13D30];
	_ =	sdelay $0x4  }
0xfc: {  	v2 =	vld [tilespmem:$0x13F30];
	_ =	sdelay $0x2  }
0xfd: {  	v3 =	vld.idx.msk [tilespmem:v1+s2+$0x0], $0xffff;
	_ =	sdelay $0x4  }
0xfe: {  	[tilespmem:v2+s20+$0x0] =	vst.idx.add.f32.msk $0xffff, v3  }
0xff: {  	v3 =	vld.idx.msk [tilespmem:v1+s15+$0x0], $0xffff;
	_ =	sdelay $0x4  }
0x100: {  	[tilespmem:v2+s21+$0x0] =	vst.idx.add.f32.msk $0xffff, v3  }
0x101: {  	v3 =	vld.idx.msk [tilespmem:v1+s16+$0x0], $0xffff;
	_ =	sdelay $0x4  }
0x102: {  	[tilespmem:v2+s22+$0x0] =	vst.idx.add.f32.msk $0xffff, v3  }
0x103: {  	v1 =	vld.idx.msk [tilespmem:v1+s17+$0x0], $0xffff;
	_ =	sdelay $0x4  }
0x104: {  	[tilespmem:v2+s23+$0x0] =	vst.idx.add.f32.msk $0xffff, v1  }
0x105: {  	v1 =	vld [tilespmem:$0x13D40];
	_ =	sdelay $0x4  }
0x106: {  	v2 =	vld [tilespmem:$0x13F40];
	_ =	sdelay $0x2  }
0x107: {  	v3 =	vld.idx.msk [tilespmem:v1+s2+$0x0], $0xffff;
	_ =	sdelay $0x4  }
0x108: {  	[tilespmem:v2+s20+$0x0] =	vst.idx.add.f32.msk $0xffff, v3  }
0x109: {  	v3 =	vld.idx.msk [tilespmem:v1+s15+$0x0], $0xffff;
	_ =	sdelay $0x4  }
0x10a: {  	[tilespmem:v2+s21+$0x0] =	vst.idx.add.f32.msk $0xffff, v3  }
0x10b: {  	v3 =	vld.idx.msk [tilespmem:v1+s16+$0x0], $0xffff;
	_ =	sdelay $0x4  }
0x10c: {  	[tilespmem:v2+s22+$0x0] =	vst.idx.add.f32.msk $0xffff, v3  }
0x10d: {  	v1 =	vld.idx.msk [tilespmem:v1+s17+$0x0], $0xffff;
	_ =	sdelay $0x4  }
0x10e: {  	[tilespmem:v2+s23+$0x0] =	vst.idx.add.f32.msk $0xffff, v1  }
0x10f: {  	v1 =	vld [tilespmem:$0x13D50];
	_ =	sdelay $0x4  }
0x110: {  	v2 =	vld [tilespmem:$0x13F50];
	_ =	sdelay $0x2  }
0x111: {  	v3 =	vld.idx.msk [tilespmem:v1+s2+$0x0], $0xffff;
	_ =	sdelay $0x4  }
0x112: {  	[tilespmem:v2+s20+$0x0] =	vst.idx.add.f32.msk $0xffff, v3  }
0x113: {  	v3 =	vld.idx.msk [tilespmem:v1+s15+$0x0], $0xffff;
	_ =	sdelay $0x4  }
0x114: {  	[tilespmem:v2+s21+$0x0] =	vst.idx.add.f32.msk $0xffff, v3  }
0x115: {  	v3 =	vld.idx.msk [tilespmem:v1+s16+$0x0], $0xffff;
	_ =	sdelay $0x4  }
0x116: {  	[tilespmem:v2+s22+$0x0] =	vst.idx.add.f32.msk $0xffff, v3  }
0x117: {  	v1 =	vld.idx.msk [tilespmem:v1+s17+$0x0], $0xffff;
	_ =	sdelay $0x4  }
0x118: {  	[tilespmem:v2+s23+$0x0] =	vst.idx.add.f32.msk $0xffff, v1  }
0x119: {  	v1 =	vld [tilespmem:$0x13D60];
	_ =	sdelay $0x4  }
0x11a: {  	v2 =	vld [tilespmem:$0x13F60];
	_ =	sdelay $0x2  }
0x11b: {  	v3 =	vld.idx.msk [tilespmem:v1+s2+$0x0], $0xffff;
	_ =	sdelay $0x4  }
0x11c: {  	[tilespmem:v2+s20+$0x0] =	vst.idx.add.f32.msk $0xffff, v3  }
0x11d: {  	v3 =	vld.idx.msk [tilespmem:v1+s15+$0x0], $0xffff;
	_ =	sdelay $0x4  }
0x11e: {  	[tilespmem:v2+s21+$0x0] =	vst.idx.add.f32.msk $0xffff, v3  }
0x11f: {  	v3 =	vld.idx.msk [tilespmem:v1+s16+$0x0], $0xffff;
	_ =	sdelay $0x4  }
0x120: {  	[tilespmem:v2+s22+$0x0] =	vst.idx.add.f32.msk $0xffff, v3  }
0x121: {  	v1 =	vld.idx.msk [tilespmem:v1+s17+$0x0], $0xffff;
	_ =	sdelay $0x4  }
0x122: {  	[tilespmem:v2+s23+$0x0] =	vst.idx.add.f32.msk $0xffff, v1  }
0x123: {  	v1 =	vld [tilespmem:$0x13D70];
	_ =	sdelay $0x4  }
0x124: {  	v2 =	vld [tilespmem:$0x13F70];
	_ =	sdelay $0x2  }
0x125: {  	v3 =	vld.idx.msk [tilespmem:v1+s2+$0x0], $0xffff;
	_ =	sdelay $0x4  }
0x126: {  	[tilespmem:v2+s20+$0x0] =	vst.idx.add.f32.msk $0xffff, v3  }
0x127: {  	v3 =	vld.idx.msk [tilespmem:v1+s15+$0x0], $0xffff;
	_ =	sdelay $0x4  }
0x128: {  	[tilespmem:v2+s21+$0x0] =	vst.idx.add.f32.msk $0xffff, v3  }
0x129: {  	v3 =	vld.idx.msk [tilespmem:v1+s16+$0x0], $0xffff;
	_ =	sdelay $0x4  }
0x12a: {  	[tilespmem:v2+s22+$0x0] =	vst.idx.add.f32.msk $0xffff, v3  }
0x12b: {  	v1 =	vld.idx.msk [tilespmem:v1+s17+$0x0], $0xffff;
	_ =	sdelay $0x4  }
0x12c: {  	[tilespmem:v2+s23+$0x0] =	vst.idx.add.f32.msk $0xffff, v1  }
0x12d: {  	v1 =	vld [tilespmem:$0x13D80];
	_ =	sdelay $0x4  }
0x12e: {  	v2 =	vld [tilespmem:$0x13F80];
	_ =	sdelay $0x2  }
0x12f: {  	v3 =	vld.idx.msk [tilespmem:v1+s2+$0x0], $0xffff;
	_ =	sdelay $0x4  }
0x130: {  	[tilespmem:v2+s20+$0x0] =	vst.idx.add.f32.msk $0xffff, v3  }
0x131: {  	v3 =	vld.idx.msk [tilespmem:v1+s15+$0x0], $0xffff;
	_ =	sdelay $0x4  }
0x132: {  	[tilespmem:v2+s21+$0x0] =	vst.idx.add.f32.msk $0xffff, v3  }
0x133: {  	v3 =	vld.idx.msk [tilespmem:v1+s16+$0x0], $0xffff;
	_ =	sdelay $0x4  }
0x134: {  	[tilespmem:v2+s22+$0x0] =	vst.idx.add.f32.msk $0xffff, v3  }
0x135: {  	v1 =	vld.idx.msk [tilespmem:v1+s17+$0x0], $0xffff;
	_ =	sdelay $0x4  }
0x136: {  	[tilespmem:v2+s23+$0x0] =	vst.idx.add.f32.msk $0xffff, v1  }
0x137: {  	v1 =	vld [tilespmem:$0x13D90];
	_ =	sdelay $0x4  }
0x138: {  	v2 =	vld [tilespmem:$0x13F90];
	_ =	sdelay $0x2  }
0x139: {  	v3 =	vld.idx.msk [tilespmem:v1+s2+$0x0], $0xffff;
	_ =	sdelay $0x4  }
0x13a: {  	[tilespmem:v2+s20+$0x0] =	vst.idx.add.f32.msk $0xffff, v3  }
0x13b: {  	v3 =	vld.idx.msk [tilespmem:v1+s15+$0x0], $0xffff;
	_ =	sdelay $0x4  }
0x13c: {  	[tilespmem:v2+s21+$0x0] =	vst.idx.add.f32.msk $0xffff, v3  }
0x13d: {  	v3 =	vld.idx.msk [tilespmem:v1+s16+$0x0], $0xffff;
	_ =	sdelay $0x4  }
0x13e: {  	[tilespmem:v2+s22+$0x0] =	vst.idx.add.f32.msk $0xffff, v3  }
0x13f: {  	v1 =	vld.idx.msk [tilespmem:v1+s17+$0x0], $0xffff;
	_ =	sdelay $0x4  }
0x140: {  	[tilespmem:v2+s23+$0x0] =	vst.idx.add.f32.msk $0xffff, v1  }
0x141: {  	v1 =	vld [tilespmem:$0x13DA0];
	_ =	sdelay $0x4  }
0x142: {  	v2 =	vld [tilespmem:$0x13FA0];
	_ =	sdelay $0x2  }
0x143: {  	v3 =	vld.idx.msk [tilespmem:v1+s2+$0x0], $0xffff;
	_ =	sdelay $0x4  }
0x144: {  	[tilespmem:v2+s20+$0x0] =	vst.idx.add.f32.msk $0xffff, v3  }
0x145: {  	v3 =	vld.idx.msk [tilespmem:v1+s15+$0x0], $0xffff;
	_ =	sdelay $0x4  }
0x146: {  	[tilespmem:v2+s21+$0x0] =	vst.idx.add.f32.msk $0xffff, v3  }
0x147: {  	v3 =	vld.idx.msk [tilespmem:v1+s16+$0x0], $0xffff;
	_ =	sdelay $0x4  }
0x148: {  	[tilespmem:v2+s22+$0x0] =	vst.idx.add.f32.msk $0xffff, v3  }
0x149: {  	v1 =	vld.idx.msk [tilespmem:v1+s17+$0x0], $0xffff;
	_ =	sdelay $0x4  }
0x14a: {  	[tilespmem:v2+s23+$0x0] =	vst.idx.add.f32.msk $0xffff, v1  }
0x14b: {  	v1 =	vld [tilespmem:$0x13DB0];
	_ =	sdelay $0x4  }
0x14c: {  	v2 =	vld [tilespmem:$0x13FB0];
	_ =	sdelay $0x2  }
0x14d: {  	v3 =	vld.idx.msk [tilespmem:v1+s2+$0x0], $0xffff;
	_ =	sdelay $0x4  }
0x14e: {  	[tilespmem:v2+s20+$0x0] =	vst.idx.add.f32.msk $0xffff, v3  }
0x14f: {  	v3 =	vld.idx.msk [tilespmem:v1+s15+$0x0], $0xffff;
	_ =	sdelay $0x4  }
0x150: {  	[tilespmem:v2+s21+$0x0] =	vst.idx.add.f32.msk $0xffff, v3  }
0x151: {  	v3 =	vld.idx.msk [tilespmem:v1+s16+$0x0], $0xffff;
	_ =	sdelay $0x4  }
0x152: {  	[tilespmem:v2+s22+$0x0] =	vst.idx.add.f32.msk $0xffff, v3  }
0x153: {  	v1 =	vld.idx.msk [tilespmem:v1+s17+$0x0], $0xffff;
	_ =	sdelay $0x4  }
0x154: {  	[tilespmem:v2+s23+$0x0] =	vst.idx.add.f32.msk $0xffff, v1  }
0x155: {  	v1 =	vld [tilespmem:$0x13DC0];
	_ =	sdelay $0x4  }
0x156: {  	v2 =	vld [tilespmem:$0x13FC0];
	_ =	sdelay $0x2  }
0x157: {  	v3 =	vld.idx.msk [tilespmem:v1+s2+$0x0], $0xffff;
	_ =	sdelay $0x4  }
0x158: {  	[tilespmem:v2+s20+$0x0] =	vst.idx.add.f32.msk $0xffff, v3  }
0x159: {  	v3 =	vld.idx.msk [tilespmem:v1+s15+$0x0], $0xffff;
	_ =	sdelay $0x4  }
0x15a: {  	[tilespmem:v2+s21+$0x0] =	vst.idx.add.f32.msk $0xffff, v3  }
0x15b: {  	v3 =	vld.idx.msk [tilespmem:v1+s16+$0x0], $0xffff;
	_ =	sdelay $0x4  }
0x15c: {  	[tilespmem:v2+s22+$0x0] =	vst.idx.add.f32.msk $0xffff, v3  }
0x15d: {  	v1 =	vld.idx.msk [tilespmem:v1+s17+$0x0], $0xffff;
	_ =	sdelay $0x4  }
0x15e: {  	[tilespmem:v2+s23+$0x0] =	vst.idx.add.f32.msk $0xffff, v1  }
0x15f: {  	v1 =	vld [tilespmem:$0x13DD0];
	_ =	sdelay $0x4  }
0x160: {  	v2 =	vld [tilespmem:$0x13FD0];
	_ =	sdelay $0x2  }
0x161: {  	v3 =	vld.idx.msk [tilespmem:v1+s2+$0x0], $0xffff;
	_ =	sdelay $0x4  }
0x162: {  	[tilespmem:v2+s20+$0x0] =	vst.idx.add.f32.msk $0xffff, v3  }
0x163: {  	v3 =	vld.idx.msk [tilespmem:v1+s15+$0x0], $0xffff;
	_ =	sdelay $0x4  }
0x164: {  	[tilespmem:v2+s21+$0x0] =	vst.idx.add.f32.msk $0xffff, v3  }
0x165: {  	v3 =	vld.idx.msk [tilespmem:v1+s16+$0x0], $0xffff;
	_ =	sdelay $0x4  }
0x166: {  	[tilespmem:v2+s22+$0x0] =	vst.idx.add.f32.msk $0xffff, v3  }
0x167: {  	v1 =	vld.idx.msk [tilespmem:v1+s17+$0x0], $0xffff;
	_ =	sdelay $0x4  }
0x168: {  	[tilespmem:v2+s23+$0x0] =	vst.idx.add.f32.msk $0xffff, v1  }
0x169: {  	v1 =	vld [tilespmem:$0x13DE0];
	_ =	sdelay $0x4  }
0x16a: {  	v2 =	vld [tilespmem:$0x13FE0];
	_ =	sdelay $0x2  }
0x16b: {  	v3 =	vld.idx.msk [tilespmem:v1+s2+$0x0], $0xffff;
	_ =	sdelay $0x4  }
0x16c: {  	[tilespmem:v2+s20+$0x0] =	vst.idx.add.f32.msk $0xffff, v3  }
0x16d: {  	v3 =	vld.idx.msk [tilespmem:v1+s15+$0x0], $0xffff;
	_ =	sdelay $0x4  }
0x16e: {  	[tilespmem:v2+s21+$0x0] =	vst.idx.add.f32.msk $0xffff, v3  }
0x16f: {  	v3 =	vld.idx.msk [tilespmem:v1+s16+$0x0], $0xffff;
	_ =	sdelay $0x4  }
0x170: {  	[tilespmem:v2+s22+$0x0] =	vst.idx.add.f32.msk $0xffff, v3  }
0x171: {  	v1 =	vld.idx.msk [tilespmem:v1+s17+$0x0], $0xffff;
	_ =	sdelay $0x4  }
0x172: {  	[tilespmem:v2+s23+$0x0] =	vst.idx.add.f32.msk $0xffff, v1  }
0x173: {  	v1 =	vld [tilespmem:$0x13DF0];
	_ =	sdelay $0x4  }
0x174: {  	v2 =	vld [tilespmem:$0x13FF0];
	_ =	sdelay $0x2  }
0x175: {  	v3 =	vld.idx.msk [tilespmem:v1+s2+$0x0], $0xffff;
	_ =	sdelay $0x4  }
0x176: {  	[tilespmem:v2+s20+$0x0] =	vst.idx.add.f32.msk $0xffff, v3  }
0x177: {  	v3 =	vld.idx.msk [tilespmem:v1+s15+$0x0], $0xffff;
	_ =	sdelay $0x4  }
0x178: {  	[tilespmem:v2+s21+$0x0] =	vst.idx.add.f32.msk $0xffff, v3  }
0x179: {  	v3 =	vld.idx.msk [tilespmem:v1+s16+$0x0], $0xffff;
	_ =	sdelay $0x4  }
0x17a: {  	[tilespmem:v2+s22+$0x0] =	vst.idx.add.f32.msk $0xffff, v3  }
0x17b: {  	p0 =	sne.s32 s25, $0x9FC0;
	v1 =	vld.idx.msk [tilespmem:v1+s17+$0x0], $0xffff  }
.Ltmp4:
0x17c: {  	_ = 	snop;
	(pc) =	sbr.rel @p0 .LBB2_10-.Ltmp4, $2  }
0x17d: {  	_ =	sdelay $0x2  }
0x17e: {  	s25 =	sadd.s32 $0x40, s25;
	[tilespmem:v2+s23+$0x0] =	vst.idx.add.f32.msk $0xffff, v1  }
0x17f: {  	[hbm4b:s9+s2] =	stream.linear.scatter [tilespmem:s20], [sflag:$0x1], $0x2780, $0x38;
	[tilespmem:$0x14000] =	vst v63  }
0x180: {  	_ =	swait.ge [sflag:s14], $0x2780  }
0x181: {  	[sflag:s14] =	ssyncset.done $0x0  }
0x182: {  	[sflag:s14] =	ssyncadd.s32 $0xFFFFD880  }
0x183: {  	[hbm4b:s10+s2] =	stream.linear.scatter [tilespmem:s21], [sflag:$0x1], $0x2780, $0x38;
	[tilespmem:$0x14000] =	vst v63  }
0x184: {  	_ =	swait.ge [sflag:s14], $0x2780  }
0x185: {  	[sflag:s14] =	ssyncset.done $0x0  }
0x186: {  	[sflag:s14] =	ssyncadd.s32 $0xFFFFD880  }
0x187: {  	[hbm4b:s11+s2] =	stream.linear.scatter [tilespmem:s22], [sflag:$0x1], $0x2780, $0x38;
	[tilespmem:$0x14000] =	vst v63  }
0x188: {  	s24 =	sadd.s32 $0x1, s24;
	_ =	swait.ge [sflag:s14], $0x2780  }
0x189: {  	p0 =	sne.s32 s24, s13;
	[sflag:s14] =	ssyncset.done $0x0  }
.Ltmp5:
0x18a: {  	[sflag:s14] =	ssyncadd.s32 $0xFFFFD880;
	(pc) =	sbr.rel @p0 .LBB2_1-.Ltmp5, $4  }
0x18b: {  	[hbm4b:s12+s2] =	stream.linear.scatter [tilespmem:s23], [sflag:$0x1], $0x2780, $0x38;
	[tilespmem:$0x14000] =	vst v63  }
0x18c: {  	_ =	swait.ge [sflag:s14], $0x2780  }
0x18d: {  	[sflag:s14] =	ssyncset.done $0x0  }
0x18e: {  	[sflag:s14] =	ssyncadd.s32 $0xFFFFD880  }
0x18f: {  	_ =	sfence.sel $0x180000  }
0x190: {  	[bflag:$0x0] =	sbarrier.arrive $0xFFFF  }
0x191: {  	p0 =	sne.s32 s1, $0x0;
	_ =	strace $0x9000004A  }
0x192: {  	s0 =	sadd.s32 @!p0 $0x100000, s0;
	[bflag:$0x2] =	sbarrier.arrive $0xFFFF  }
0x193: {  	[sflag:s0] =	ssyncadd.tile.s32 @!p0 $0x1;
	_ =	shalt  }
.Lfunc_end2:
_tile_overlayer_lowered:
.L_overlay_start_2:
0x194: {  	(tag) =	ssettag $0x2  }
0x195: {  	s0 =	rddreg [dreg:$0x0];
	s2 =	stileid.u32  }
0x196: {  	s1 =	rddreg [dreg:$0x1];
	p0 =	sne.s32 s2, $0x0  }
0x197: {  	s3 =	rddreg [dreg:$0x2];
	[bflag:$0x3] =	sbarrier.arrive $0xFFFF;
	s2 =	simm.s32 @!p0 $0x1C01  }
0x198: {  	[timem:s3], [sflag:s2] =	dma.local @!p0 [hbm:s0], s1  }
0x199: {  	s0 =	simm.s32 @!p0 $0x1  }
0x19a: {  	_ =	swait.ge @!p0 [sflag:s0], s1  }
0x19b: {  	s1 =	ssub.s32 @!p0 $0x0, s1;
	[sflag:s0] =	ssyncset.done @!p0 $0x0  }
0x19c: {  	[sflag:s0] =	ssyncadd.s32 @!p0 s1  }
0x19d: {  	[bflag:$0x3] =	sbarrier.arrive $0xFFFF  }
0x19e: {  	_ =	shalt  }

</sc_bundles>
